<compile_context>
chip_gen: v7x
topology: tpu7x:2x2x1
jax: 0.10.2.dev20260603
libtpu: 0.0.44.dev20260713+nightly
codegen_flags: <defaults>
</compile_context>

<pallas_src>
import functools

import jax
import jax.numpy as jnp
from jax import lax
from jax.experimental import pallas as pl
from jax.experimental.pallas import tpu as pltpu
from jax.experimental.pallas import tpu_sc as plsc

N = 25000
D = 128
NG = 16
E = 500000
HALF = 64
NS = 16
NPAD = 25088
ROWS_PT = NPAD // NS
FCH = 112
B = 80
NBATCH = 392
EPT = B * NBATCH
E_PAD = EPT * NS

_SC_PARAMS = pltpu.CompilerParams(use_tc_tiling_on_sc=False)


def _mesh():
    return plsc.VectorSubcoreMesh(core_axis_name="c", subcore_axis_name="s",
                                  num_cores=2, num_subcores=NS)



def _make_sc_agg():
    out_type = (jax.ShapeDtypeStruct((2, NPAD, HALF), jnp.float32),) * 2

    scratch_types = (
        pltpu.VMEM((B,), jnp.int32),
        pltpu.VMEM((B,), jnp.int32),
        pltpu.VMEM((B,), jnp.int32),
        pltpu.VMEM((B, HALF), jnp.float32),
        pltpu.VMEM((FCH, HALF), jnp.float32),
        pltpu.SemaphoreType.DMA,
        pltpu.VMEM_SHARED((NPAD, HALF), jnp.float32),
    )

    def body(xA, srcA, dstA, xB, srcB, dstB, aggA, aggB,
             idx_s, idx_d, idx2, rows, fb, sem, acc):
        c = lax.axis_index("c")
        s = lax.axis_index("s")
        my_row0 = s * ROWS_PT

        zeros16 = jnp.zeros((16,), jnp.float32)

        def phase(x_hbm, src_hbm, dst_hbm, agg_out):
            def initrow(r, _):
                for j in range(HALF // 16):
                    fb[r, pl.ds(16 * j, 16)] = zeros16
                return 0
            lax.fori_loop(0, FCH, initrow, 0)

            def zchunk(j, _):
                pltpu.sync_copy(fb, acc.at[pl.ds(my_row0 + j * FCH, FCH), :])
                return 0
            lax.fori_loop(0, ROWS_PT // FCH, zchunk, 0)
            plsc.subcore_barrier()

            base = s * EPT

            def bstep(i, _):
                e0 = base + i * B
                pltpu.sync_copy(src_hbm.at[pl.ds(e0, B)], idx_s)
                pltpu.sync_copy(dst_hbm.at[pl.ds(e0, B)], idx_d)
                for k in range(B // 16):
                    sl = pl.ds(16 * k, 16)
                    idx2[sl] = idx_s[sl] * 2 + c
                pltpu.async_copy(x_hbm.at[idx2], rows, sem).wait()
                pltpu.sync_copy(rows, acc.at[idx_d], add=True)
                return 0
            lax.fori_loop(0, NBATCH, bstep, 0)
            plsc.subcore_barrier()

            def fl(j, _):
                r0 = my_row0 + j * FCH
                pltpu.sync_copy(acc.at[pl.ds(r0, FCH), :], fb)
                pltpu.sync_copy(fb, agg_out.at[c, pl.ds(r0, FCH), :])
                return 0
            lax.fori_loop(0, ROWS_PT // FCH, fl, 0)
            plsc.subcore_barrier()

        phase(xA, srcA, dstA, aggA)
        phase(xB, srcB, dstB, aggB)

    return pl.kernel(body, out_type=out_type, mesh=_mesh(),
                     scratch_types=scratch_types,
                     compiler_params=_SC_PARAMS)



def _make_sc_cnt():
    out_type = (jax.ShapeDtypeStruct((NPAD, 16), jnp.float32),) * 2

    scratch_types = (
        pltpu.VMEM((B,), jnp.int32),
        pltpu.VMEM((B, 16), jnp.float32),
        pltpu.VMEM((FCH, 16), jnp.float32),
        pltpu.VMEM((FCH, 16), jnp.float32),
        pltpu.VMEM_SHARED((NPAD, 16), jnp.float32),
    )

    def body(dstA, dstB, cntA, cntB, idx_d, ones_b, zb, fb, acc):
        c = lax.axis_index("c")
        s = lax.axis_index("s")
        my_row0 = s * ROWS_PT

        zeros16 = jnp.zeros((16,), jnp.float32)
        ones16 = jnp.ones((16,), jnp.float32)

        def initz(r, _):
            zb[r, :] = zeros16
            return 0
        lax.fori_loop(0, FCH, initz, 0)

        def initones(r, _):
            ones_b[r, :] = ones16
            return 0
        lax.fori_loop(0, B, initones, 0)

        def run(dst_hbm, cnt_out):
            def zchunk(j, _):
                pltpu.sync_copy(zb, acc.at[pl.ds(my_row0 + j * FCH, FCH), :])
                return 0
            lax.fori_loop(0, ROWS_PT // FCH, zchunk, 0)
            plsc.subcore_barrier()

            base = s * EPT

            def bstep(i, _):
                e0 = base + i * B
                pltpu.sync_copy(dst_hbm.at[pl.ds(e0, B)], idx_d)
                pltpu.sync_copy(ones_b, acc.at[idx_d], add=True)
                return 0
            lax.fori_loop(0, NBATCH, bstep, 0)
            plsc.subcore_barrier()

            def fl(j, _):
                r0 = my_row0 + j * FCH
                pltpu.sync_copy(acc.at[pl.ds(r0, FCH), :], fb)
                pltpu.sync_copy(fb, cnt_out.at[pl.ds(r0, FCH), :])
                return 0
            lax.fori_loop(0, ROWS_PT // FCH, fl, 0)

        @pl.when(c == 0)
        def _():
            run(dstA, cntA)

        @pl.when(c == 1)
        def _():
            run(dstB, cntB)

    return pl.kernel(body, out_type=out_type, mesh=_mesh(),
                     scratch_types=scratch_types,
                     compiler_params=_SC_PARAMS)


_sc_cache = {}


def _sc(name):
    fn = _sc_cache.get(name)
    if fn is None:
        fn = _make_sc_agg() if name == "agg" else _make_sc_cnt()
        _sc_cache[name] = fn
    return fn



_RB = 1000
_GRID = N // _RB

_CDIMS = (((1,), (1,)), ((), ()))


def _proj_body(me_ref, g_ref, w1_ref, w2_ref, b_ref, o_ref):
    out = lax.dot_general(me_ref[...], w1_ref[...], _CDIMS,
                          preferred_element_type=jnp.float32)
    out += lax.dot_general(g_ref[...], w2_ref[...], _CDIMS,
                           preferred_element_type=jnp.float32)
    o_ref[...] = out + b_ref[...]


def _proj(movie_emb, genres, w1, w2, b):
    return pl.pallas_call(
        _proj_body,
        grid=(_GRID,),
        in_specs=[
            pl.BlockSpec((_RB, D), lambda i: (i, 0)),
            pl.BlockSpec((_RB, NG), lambda i: (i, 0)),
            pl.BlockSpec((D, D), lambda i: (0, 0)),
            pl.BlockSpec((D, NG), lambda i: (0, 0)),
            pl.BlockSpec((1, D), lambda i: (0, 0)),
        ],
        out_specs=pl.BlockSpec((_RB, D), lambda i: (i, 0)),
        out_shape=jax.ShapeDtypeStruct((N, D), jnp.float32),
    )(movie_emb, genres, w1, w2, b)


def _combine_body(relu, alo_ref, ahi_ref, cnt_ref, xd_ref, wll_ref, wlh_ref,
                  wr_ref, b_ref, o_ref):
    inv = 1.0 / jnp.maximum(cnt_ref[...][:, 0:1], 1.0)
    out = lax.dot_general(alo_ref[0] * inv, wll_ref[...], _CDIMS,
                          preferred_element_type=jnp.float32)
    out += lax.dot_general(ahi_ref[0] * inv, wlh_ref[...], _CDIMS,
                           preferred_element_type=jnp.float32)
    out += lax.dot_general(xd_ref[...], wr_ref[...], _CDIMS,
                           preferred_element_type=jnp.float32)
    out += b_ref[...]
    if relu:
        out = jnp.maximum(out, 0.0)
    o_ref[...] = out


def _combine(agg, cnt, x_dst, Wl, Wr, b, relu):
    return pl.pallas_call(
        functools.partial(_combine_body, relu),
        grid=(_GRID,),
        in_specs=[
            pl.BlockSpec((1, _RB, HALF), lambda i: (0, i, 0)),
            pl.BlockSpec((1, _RB, HALF), lambda i: (1, i, 0)),
            pl.BlockSpec((_RB, 16), lambda i: (i, 0)),
            pl.BlockSpec((_RB, D), lambda i: (i, 0)),
            pl.BlockSpec((D, HALF), lambda i: (0, 0)),
            pl.BlockSpec((D, HALF), lambda i: (0, 0)),
            pl.BlockSpec((D, D), lambda i: (0, 0)),
            pl.BlockSpec((1, D), lambda i: (0, 0)),
        ],
        out_specs=pl.BlockSpec((_RB, D), lambda i: (i, 0)),
        out_shape=jax.ShapeDtypeStruct((N, D), jnp.float32),
    )(agg, agg, cnt, x_dst, Wl[:, :HALF], Wl[:, HALF:], Wr,
      b.reshape(1, D))


def _pad_idx(idx, fill):
    pad = jnp.full((E_PAD - E,), fill, jnp.int32)
    return jnp.concatenate([idx, pad])


def kernel(user_node_id, movie_node_id, movie_genres, edge_index_um,
           edge_index_mu, user_emb, movie_emb, proj_W, proj_b,
           conv1_um_Wl, conv1_um_Wr, conv1_um_b,
           conv1_mu_Wl, conv1_mu_Wr, conv1_mu_b,
           conv2_um_Wl, conv2_um_Wr, conv2_um_b,
           conv2_mu_Wl, conv2_mu_Wr, conv2_mu_b):
    xu0 = user_emb
    xm0 = _proj(movie_emb, movie_genres, proj_W[:, :D], proj_W[:, D:],
                proj_b.reshape(1, D))

    src_um = _pad_idx(edge_index_um[0], 0)
    dst_um = _pad_idx(edge_index_um[1], N)
    src_mu = _pad_idx(edge_index_mu[0], 0)
    dst_mu = _pad_idx(edge_index_mu[1], N)

    cnt_um, cnt_mu = _sc("cnt")(dst_um, dst_mu)

    agg_um1, agg_mu1 = _sc("agg")(
        xu0.reshape(2 * N, HALF), src_um, dst_um,
        xm0.reshape(2 * N, HALF), src_mu, dst_mu)

    xm1 = _combine(agg_um1, cnt_um, xm0, conv1_um_Wl, conv1_um_Wr,
                   conv1_um_b, relu=True)
    xu1 = _combine(agg_mu1, cnt_mu, xu0, conv1_mu_Wl, conv1_mu_Wr,
                   conv1_mu_b, relu=True)

    agg_um2, agg_mu2 = _sc("agg")(
        xu1.reshape(2 * N, HALF), src_um, dst_um,
        xm1.reshape(2 * N, HALF), src_mu, dst_mu)

    xm2 = _combine(agg_um2, cnt_um, xm1, conv2_um_Wl, conv2_um_Wr,
                   conv2_um_b, relu=False)
    xu2 = _combine(agg_mu2, cnt_mu, xu1, conv2_mu_Wl, conv2_mu_Wr,
                   conv2_mu_b, relu=False)
    return (xu2, xm2)

# --- scband reference (transcript-rebuilt; emitter-appended) ---
"""Pipeline reference for scband-hetero-gcn-16724602651116 (READ-ONLY COPY).

The authoritative reference and input builder live on the scoring server;
editing this copy changes nothing except your own understanding.
"""

import jax, jax.numpy as jnp
import numpy as np

NUM_USERS = 25000
NUM_MOVIES = 25000
NUM_GENRE = 16
DIM = 128
E = 500000


def setup_inputs(seed: int = 0) -> dict:
    key = jax.random.key(seed)
    ks = jax.random.split(key, 24)
    inp = {}
    inp["user_node_id"] = jnp.arange(NUM_USERS, dtype=jnp.int32)
    inp["movie_node_id"] = jnp.arange(NUM_MOVIES, dtype=jnp.int32)
    inp["movie_genres"] = jax.random.uniform(ks[0], (NUM_MOVIES, NUM_GENRE), dtype=jnp.float32)
    inp["edge_index_um"] = jax.random.randint(ks[1], (2, E), 0, NUM_USERS, dtype=jnp.int32)
    inp["edge_index_mu"] = jax.random.randint(ks[2], (2, E), 0, NUM_MOVIES, dtype=jnp.int32)
    inp["user_emb"] = jax.random.normal(ks[3], (NUM_USERS, DIM), dtype=jnp.float32) * 0.02
    inp["movie_emb"] = jax.random.normal(ks[4], (NUM_MOVIES, DIM), dtype=jnp.float32) * 0.02
    inp["proj_W"] = jax.random.normal(ks[5], (DIM, DIM + NUM_GENRE), dtype=jnp.float32) * 0.05
    inp["proj_b"] = jnp.zeros((DIM,), dtype=jnp.float32)
    names = ["conv1_um", "conv1_mu", "conv2_um", "conv2_mu"]
    for i, nm in enumerate(names):
        inp[nm + "_Wl"] = jax.random.normal(ks[6 + 3 * i], (DIM, DIM), dtype=jnp.float32) * 0.05
        inp[nm + "_Wr"] = jax.random.normal(ks[7 + 3 * i], (DIM, DIM), dtype=jnp.float32) * 0.05
        inp[nm + "_b"] = jnp.zeros((DIM,), dtype=jnp.float32)
    return inp


def _sage(x_src, x_dst, edge_index, Wl, Wr, b):
    # PyG SAGEConv with mean aggregation: lin_l(mean_j x_src[j]) + lin_r(x_dst) + bias
    src = edge_index[0]
    dst = edge_index[1]
    msg = jnp.take(x_src, src, axis=0)
    num_dst = x_dst.shape[0]
    agg = jax.ops.segment_sum(msg, dst, num_segments=num_dst)
    cnt = jax.ops.segment_sum(jnp.ones((msg.shape[0],), msg.dtype), dst, num_segments=num_dst)
    mean = agg / jnp.maximum(cnt, 1.0)[:, None]
    return mean @ Wl.T + x_dst @ Wr.T + b


def reference(user_node_id, movie_node_id, movie_genres, edge_index_um, edge_index_mu,
              user_emb, movie_emb, proj_W, proj_b,
              conv1_um_Wl, conv1_um_Wr, conv1_um_b,
              conv1_mu_Wl, conv1_mu_Wr, conv1_mu_b,
              conv2_um_Wl, conv2_um_Wr, conv2_um_b,
              conv2_mu_Wl, conv2_mu_Wr, conv2_mu_b):
    xu = jnp.take(user_emb, user_node_id, axis=0)
    xm = jnp.concatenate([jnp.take(movie_emb, movie_node_id, axis=0), movie_genres], axis=1)
    xm = xm @ proj_W.T + proj_b
    # hetero layer 1: movies aggregate from users via 'rates'; users from movies via 'rev_rates'
    xm1 = _sage(xu, xm, edge_index_um, conv1_um_Wl, conv1_um_Wr, conv1_um_b)
    xu1 = _sage(xm, xu, edge_index_mu, conv1_mu_Wl, conv1_mu_Wr, conv1_mu_b)
    xu1 = jax.nn.relu(xu1)
    xm1 = jax.nn.relu(xm1)
    # hetero layer 2
    xm2 = _sage(xu1, xm1, edge_index_um, conv2_um_Wl, conv2_um_Wr, conv2_um_b)
    xu2 = _sage(xm1, xu1, edge_index_mu, conv2_mu_Wl, conv2_mu_Wr, conv2_mu_b)
    return (xu2, xm2)

if __name__ == "__main__":
    import jax
    _d = setup_inputs()
    print(jax.jit(kernel)(*tuple(_d.values())))

</pallas_src>

<mosaic_0001>
#map = affine_map<(d0, d1) -> (0, 0)>
#map1 = affine_map<(d0, d1) -> (0)>
#map2 = affine_map<(d0, d1) -> (0, 0, 0)>
module attributes {stable_mosaic.version = 14 : i64} {
  func.func @body(%arg0: i32, %arg1: i32, %arg2: memref<50000x64xf32, #tpu.memory_space<hbm>>, %arg3: memref<501760xi32, #tpu.memory_space<hbm>>, %arg4: memref<501760xi32, #tpu.memory_space<hbm>>, %arg5: memref<50000x64xf32, #tpu.memory_space<hbm>>, %arg6: memref<501760xi32, #tpu.memory_space<hbm>>, %arg7: memref<501760xi32, #tpu.memory_space<hbm>>, %arg8: memref<2x25088x64xf32, #tpu.memory_space<hbm>>, %arg9: memref<2x25088x64xf32, #tpu.memory_space<hbm>>, %arg10: memref<80xi32, #tpu.memory_space<vmem>>, %arg11: memref<80xi32, #tpu.memory_space<vmem>>, %arg12: memref<80xi32, #tpu.memory_space<vmem>>, %arg13: memref<80x64xf32, #tpu.memory_space<vmem>>, %arg14: memref<112x64xf32, #tpu.memory_space<vmem>>, %arg15: memref<!tpu.dma_semaphore, #tpu.memory_space<semaphore_mem>>, %arg16: memref<25088x64xf32, #tpu.memory_space<vmem_shared>>) attributes {dimension_semantics = [#tpu.dimension_semantics<core_parallel>, #tpu.dimension_semantics<subcore_parallel>], iteration_bounds = array<i64: 2, 16>, scalar_prefetch = 0 : i64, scratch_operands = 7 : i64, tpu.core_type = #tpu.core_type<sc_vector_subcore>, window_params = [{transform_indices = #map}, {transform_indices = #map1}, {transform_indices = #map1}, {transform_indices = #map}, {transform_indices = #map1}, {transform_indices = #map1}, {transform_indices = #map2}, {transform_indices = #map2}]} {
    %mul3A = arith.constant 1568 : i32
    %mul3A_0 = arith.muli %arg1, %mul3A : i32
    %broadcast_in_dim3A = arith.constant 0.000000e+00 : f32
    %broadcast_in_dim3A_1 = vector.broadcast %broadcast_in_dim3A : f32 to vector<16xf32>
    %scan3A = arith.constant 0 : i32
    %scan3A_2 = arith.constant 0 : i32
    %scan3A_3 = arith.constant 112 : i32
    %scan3A_4 = arith.addi %scan3A_2, %scan3A_3 : i32
    %scan3A_5 = arith.constant 1 : i32
    %scan3A_6 = scf.for %scan3A_66 = %scan3A_2 to %scan3A_4 step %scan3A_5 iter_args(%scan3A_67 = %scan3A) -> (i32)  : i32 {
      %swap3A = arith.index_cast %scan3A_66 : i32 to index
      %swap3A_68 = arith.constant 0 : index
      %swap3A_69 = tpu.vector_load %arg14[%swap3A, %swap3A_68] {strides = array<i32>} : memref<112x64xf32, #tpu.memory_space<vmem>>, vector<1x16xf32>,
      %swap3A_70 = vector.shape_cast %swap3A_69 : vector<1x16xf32> to vector<16xf32>
      %swap3A_71 = vector.shape_cast %broadcast_in_dim3A_1 : vector<16xf32> to vector<1x16xf32>
      tpu.vector_store %arg14[%swap3A, %swap3A_68], %swap3A_71 {strides = array<i32>} : memref<112x64xf32, #tpu.memory_space<vmem>>, vector<1x16xf32>,
      %swap3A_72 = arith.index_cast %scan3A_66 : i32 to index
      %swap3A_73 = arith.constant 16 : index
      %swap3A_74 = tpu.vector_load %arg14[%swap3A_72, %swap3A_73] {strides = array<i32>} : memref<112x64xf32, #tpu.memory_space<vmem>>, vector<1x16xf32>,
      %swap3A_75 = vector.shape_cast %swap3A_74 : vector<1x16xf32> to vector<16xf32>
      %swap3A_76 = vector.shape_cast %broadcast_in_dim3A_1 : vector<16xf32> to vector<1x16xf32>
      tpu.vector_store %arg14[%swap3A_72, %swap3A_73], %swap3A_76 {strides = array<i32>} : memref<112x64xf32, #tpu.memory_space<vmem>>, vector<1x16xf32>,
      %swap3A_77 = arith.index_cast %scan3A_66 : i32 to index
      %swap3A_78 = arith.constant 32 : index
      %swap3A_79 = tpu.vector_load %arg14[%swap3A_77, %swap3A_78] {strides = array<i32>} : memref<112x64xf32, #tpu.memory_space<vmem>>, vector<1x16xf32>,
      %swap3A_80 = vector.shape_cast %swap3A_79 : vector<1x16xf32> to vector<16xf32>
      %swap3A_81 = vector.shape_cast %broadcast_in_dim3A_1 : vector<16xf32> to vector<1x16xf32>
      tpu.vector_store %arg14[%swap3A_77, %swap3A_78], %swap3A_81 {strides = array<i32>} : memref<112x64xf32, #tpu.memory_space<vmem>>, vector<1x16xf32>,
      %swap3A_82 = arith.index_cast %scan3A_66 : i32 to index
      %swap3A_83 = arith.constant 48 : index
      %swap3A_84 = tpu.vector_load %arg14[%swap3A_82, %swap3A_83] {strides = array<i32>} : memref<112x64xf32, #tpu.memory_space<vmem>>, vector<1x16xf32>,
      %swap3A_85 = vector.shape_cast %swap3A_84 : vector<1x16xf32> to vector<16xf32>
      %swap3A_86 = vector.shape_cast %broadcast_in_dim3A_1 : vector<16xf32> to vector<1x16xf32>
      tpu.vector_store %arg14[%swap3A_82, %swap3A_83], %swap3A_86 {strides = array<i32>} : memref<112x64xf32, #tpu.memory_space<vmem>>, vector<1x16xf32>,
      %scan3A_87 = arith.constant 0 : i32
      scf.yield %scan3A_87 : i32
    }
    %scan3A_7 = arith.constant 112 : i32
    %scan3A_8 = arith.constant 0 : i32
    %scan3A_9 = arith.constant 0 : i32
    %scan3A_10 = arith.constant 14 : i32
    %scan3A_11 = arith.addi %scan3A_9, %scan3A_10 : i32
    %scan3A_12 = arith.constant 1 : i32
    %scan3A_13 = scf.for %scan3A_66 = %scan3A_9 to %scan3A_11 step %scan3A_12 iter_args(%scan3A_67 = %scan3A_8) -> (i32)  : i32 {
      %mul3A_68 = arith.constant 112 : i32
      %mul3A_69 = arith.muli %scan3A_66, %mul3A_68 : i32
      %add3A = arith.addi %mul3A_0, %mul3A_69 : i32
      "tpu.region"() ({
        %run_scoped3A = tpu.sem_alloc : memref<!tpu.dma_semaphore, #tpu.memory_space<semaphore_mem>>
        %dma_start3A = arith.constant 0 : i32
        %dma_start3A_71 = tpu.memref_slice %arg16[%add3A, %dma_start3A] : memref<25088x64xf32, #tpu.memory_space<vmem_shared>> -> memref<112x64xf32, #tpu.memory_space<vmem_shared>>
        %dma_start3A_72 = arith.constant 0 : i32
        %dma_start3A_73 = tpu.memref_slice %arg16[%add3A, %dma_start3A_72] : memref<25088x64xf32, #tpu.memory_space<vmem_shared>> -> memref<112x64xf32, #tpu.memory_space<vmem_shared>>
        tpu.enqueue_dma source(%arg14 : memref<112x64xf32, #tpu.memory_space<vmem>>) target(%dma_start3A_73 : memref<112x64xf32, #tpu.memory_space<vmem_shared>>) target_semaphore(%run_scoped3A : memref<!tpu.dma_semaphore, #tpu.memory_space<semaphore_mem>>)
        %dma_wait3A = arith.constant 0 : i32
        %dma_wait3A_74 = tpu.memref_slice %arg16[%add3A, %dma_wait3A] : memref<25088x64xf32, #tpu.memory_space<vmem_shared>> -> memref<112x64xf32, #tpu.memory_space<vmem_shared>>
        %dma_wait3A_75 = arith.constant 0 : i32
        %dma_wait3A_76 = tpu.memref_slice %arg16[%add3A, %dma_wait3A_75] : memref<25088x64xf32, #tpu.memory_space<vmem_shared>> -> memref<112x64xf32, #tpu.memory_space<vmem_shared>>
        tpu.wait_dma2 semaphore(%run_scoped3A : memref<!tpu.dma_semaphore, #tpu.memory_space<semaphore_mem>>) src(%arg14 : memref<112x64xf32, #tpu.memory_space<vmem>>) dst(%dma_wait3A_76 : memref<112x64xf32, #tpu.memory_space<vmem_shared>>)
        tpu.yield
      }) : () -> ()
      %scan3A_70 = arith.constant 0 : i32
      scf.yield %scan3A_70 : i32
    }
    %scan3A_14 = arith.constant 14 : i32
    %barrier3A = arith.constant 0 : index
    tpu.barrier barrier_id(%barrier3A)
    %mul3A_15 = arith.constant 31360 : i32
    %mul3A_16 = arith.muli %arg1, %mul3A_15 : i32
    %scan3A_17 = arith.constant 0 : i32
    %scan3A_18 = arith.constant 0 : i32
    %scan3A_19 = arith.constant 392 : i32
    %scan3A_20 = arith.addi %scan3A_18, %scan3A_19 : i32
    %scan3A_21 = arith.constant 1 : i32
    %scan3A_22 = scf.for %scan3A_66 = %scan3A_18 to %scan3A_20 step %scan3A_21 iter_args(%scan3A_67 = %scan3A_17) -> (i32)  : i32 {
      %mul3A_68 = arith.constant 80 : i32
      %mul3A_69 = arith.muli %scan3A_66, %mul3A_68 : i32
      %add3A = arith.addi %mul3A_16, %mul3A_69 : i32
      "tpu.region"() ({
        %run_scoped3A = tpu.sem_alloc : memref<!tpu.dma_semaphore, #tpu.memory_space<semaphore_mem>>
        %dma_start3A_133 = tpu.memref_slice %arg3[%add3A] : memref<501760xi32, #tpu.memory_space<hbm>> -> memref<80xi32, #tpu.memory_space<hbm>>
        %dma_start3A_134 = tpu.memref_slice %arg3[%add3A] : memref<501760xi32, #tpu.memory_space<hbm>> -> memref<80xi32, #tpu.memory_space<hbm>>
        tpu.enqueue_dma source(%dma_start3A_134 : memref<80xi32, #tpu.memory_space<hbm>>) target(%arg10 : memref<80xi32, #tpu.memory_space<vmem>>) target_semaphore(%run_scoped3A : memref<!tpu.dma_semaphore, #tpu.memory_space<semaphore_mem>>)
        %dma_wait3A_135 = tpu.memref_slice %arg3[%add3A] : memref<501760xi32, #tpu.memory_space<hbm>> -> memref<80xi32, #tpu.memory_space<hbm>>
        %dma_wait3A_136 = tpu.memref_slice %arg3[%add3A] : memref<501760xi32, #tpu.memory_space<hbm>> -> memref<80xi32, #tpu.memory_space<hbm>>
        tpu.wait_dma2 semaphore(%run_scoped3A : memref<!tpu.dma_semaphore, #tpu.memory_space<semaphore_mem>>) src(%dma_wait3A_136 : memref<80xi32, #tpu.memory_space<hbm>>) dst(%arg10 : memref<80xi32, #tpu.memory_space<vmem>>)
        tpu.yield
      }) : () -> ()
      "tpu.region"() ({
        %run_scoped3A = tpu.sem_alloc : memref<!tpu.dma_semaphore, #tpu.memory_space<semaphore_mem>>
        %dma_start3A_133 = tpu.memref_slice %arg4[%add3A] : memref<501760xi32, #tpu.memory_space<hbm>> -> memref<80xi32, #tpu.memory_space<hbm>>
        %dma_start3A_134 = tpu.memref_slice %arg4[%add3A] : memref<501760xi32, #tpu.memory_space<hbm>> -> memref<80xi32, #tpu.memory_space<hbm>>
        tpu.enqueue_dma source(%dma_start3A_134 : memref<80xi32, #tpu.memory_space<hbm>>) target(%arg11 : memref<80xi32, #tpu.memory_space<vmem>>) target_semaphore(%run_scoped3A : memref<!tpu.dma_semaphore, #tpu.memory_space<semaphore_mem>>)
        %dma_wait3A_135 = tpu.memref_slice %arg4[%add3A] : memref<501760xi32, #tpu.memory_space<hbm>> -> memref<80xi32, #tpu.memory_space<hbm>>
        %dma_wait3A_136 = tpu.memref_slice %arg4[%add3A] : memref<501760xi32, #tpu.memory_space<hbm>> -> memref<80xi32, #tpu.memory_space<hbm>>
        tpu.wait_dma2 semaphore(%run_scoped3A : memref<!tpu.dma_semaphore, #tpu.memory_space<semaphore_mem>>) src(%dma_wait3A_136 : memref<80xi32, #tpu.memory_space<hbm>>) dst(%arg11 : memref<80xi32, #tpu.memory_space<vmem>>)
        tpu.yield
      }) : () -> ()
      %get3A = arith.constant 0 : index
      %get3A_70 = tpu.vector_load %arg10[%get3A] {strides = array<i32>} : memref<80xi32, #tpu.memory_space<vmem>>, vector<16xi32>,
      %get3A_71 = vector.shape_cast %get3A_70 : vector<16xi32> to vector<16xi32>
      %mul3A_72 = arith.constant 2 : i32
      %mul3A_73 = vector.broadcast %mul3A_72 : i32 to vector<16xi32>
      %mul3A_74 = arith.muli %get3A_71, %mul3A_73 : vector<16xi32>
      %add3A_75 = vector.broadcast %arg0 : i32 to vector<16xi32>
      %add3A_76 = arith.addi %mul3A_74, %add3A_75 : vector<16xi32>
      %swap3A = arith.constant 0 : index
      %swap3A_77 = tpu.vector_load %arg12[%swap3A] {strides = array<i32>} : memref<80xi32, #tpu.memory_space<vmem>>, vector<16xi32>,
      %swap3A_78 = vector.shape_cast %swap3A_77 : vector<16xi32> to vector<16xi32>
      %swap3A_79 = vector.shape_cast %add3A_76 : vector<16xi32> to vector<16xi32>
      tpu.vector_store %arg12[%swap3A], %swap3A_79 {strides = array<i32>} : memref<80xi32, #tpu.memory_space<vmem>>, vector<16xi32>,
      %get3A_80 = arith.constant 16 : index
      %get3A_81 = tpu.vector_load %arg10[%get3A_80] {strides = array<i32>} : memref<80xi32, #tpu.memory_space<vmem>>, vector<16xi32>,
      %get3A_82 = vector.shape_cast %get3A_81 : vector<16xi32> to vector<16xi32>
      %mul3A_83 = arith.constant 2 : i32
      %mul3A_84 = vector.broadcast %mul3A_83 : i32 to vector<16xi32>
      %mul3A_85 = arith.muli %get3A_82, %mul3A_84 : vector<16xi32>
      %add3A_86 = vector.broadcast %arg0 : i32 to vector<16xi32>
      %add3A_87 = arith.addi %mul3A_85, %add3A_86 : vector<16xi32>
      %swap3A_88 = arith.constant 16 : index
      %swap3A_89 = tpu.vector_load %arg12[%swap3A_88] {strides = array<i32>} : memref<80xi32, #tpu.memory_space<vmem>>, vector<16xi32>,
      %swap3A_90 = vector.shape_cast %swap3A_89 : vector<16xi32> to vector<16xi32>
      %swap3A_91 = vector.shape_cast %add3A_87 : vector<16xi32> to vector<16xi32>
      tpu.vector_store %arg12[%swap3A_88], %swap3A_91 {strides = array<i32>} : memref<80xi32, #tpu.memory_space<vmem>>, vector<16xi32>,
      %get3A_92 = arith.constant 32 : index
      %get3A_93 = tpu.vector_load %arg10[%get3A_92] {strides = array<i32>} : memref<80xi32, #tpu.memory_space<vmem>>, vector<16xi32>,
      %get3A_94 = vector.shape_cast %get3A_93 : vector<16xi32> to vector<16xi32>
      %mul3A_95 = arith.constant 2 : i32
      %mul3A_96 = vector.broadcast %mul3A_95 : i32 to vector<16xi32>
      %mul3A_97 = arith.muli %get3A_94, %mul3A_96 : vector<16xi32>
      %add3A_98 = vector.broadcast %arg0 : i32 to vector<16xi32>
      %add3A_99 = arith.addi %mul3A_97, %add3A_98 : vector<16xi32>
      %swap3A_100 = arith.constant 32 : index
      %swap3A_101 = tpu.vector_load %arg12[%swap3A_100] {strides = array<i32>} : memref<80xi32, #tpu.memory_space<vmem>>, vector<16xi32>,
      %swap3A_102 = vector.shape_cast %swap3A_101 : vector<16xi32> to vector<16xi32>
      %swap3A_103 = vector.shape_cast %add3A_99 : vector<16xi32> to vector<16xi32>
      tpu.vector_store %arg12[%swap3A_100], %swap3A_103 {strides = array<i32>} : memref<80xi32, #tpu.memory_space<vmem>>, vector<16xi32>,
      %get3A_104 = arith.constant 48 : index
      %get3A_105 = tpu.vector_load %arg10[%get3A_104] {strides = array<i32>} : memref<80xi32, #tpu.memory_space<vmem>>, vector<16xi32>,
      %get3A_106 = vector.shape_cast %get3A_105 : vector<16xi32> to vector<16xi32>
      %mul3A_107 = arith.constant 2 : i32
      %mul3A_108 = vector.broadcast %mul3A_107 : i32 to vector<16xi32>
      %mul3A_109 = arith.muli %get3A_106, %mul3A_108 : vector<16xi32>
      %add3A_110 = vector.broadcast %arg0 : i32 to vector<16xi32>
      %add3A_111 = arith.addi %mul3A_109, %add3A_110 : vector<16xi32>
      %swap3A_112 = arith.constant 48 : index
      %swap3A_113 = tpu.vector_load %arg12[%swap3A_112] {strides = array<i32>} : memref<80xi32, #tpu.memory_space<vmem>>, vector<16xi32>,
      %swap3A_114 = vector.shape_cast %swap3A_113 : vector<16xi32> to vector<16xi32>
      %swap3A_115 = vector.shape_cast %add3A_111 : vector<16xi32> to vector<16xi32>
      tpu.vector_store %arg12[%swap3A_112], %swap3A_115 {strides = array<i32>} : memref<80xi32, #tpu.memory_space<vmem>>, vector<16xi32>,
      %get3A_116 = arith.constant 64 : index
      %get3A_117 = tpu.vector_load %arg10[%get3A_116] {strides = array<i32>} : memref<80xi32, #tpu.memory_space<vmem>>, vector<16xi32>,
      %get3A_118 = vector.shape_cast %get3A_117 : vector<16xi32> to vector<16xi32>
      %mul3A_119 = arith.constant 2 : i32
      %mul3A_120 = vector.broadcast %mul3A_119 : i32 to vector<16xi32>
      %mul3A_121 = arith.muli %get3A_118, %mul3A_120 : vector<16xi32>
      %add3A_122 = vector.broadcast %arg0 : i32 to vector<16xi32>
      %add3A_123 = arith.addi %mul3A_121, %add3A_122 : vector<16xi32>
      %swap3A_124 = arith.constant 64 : index
      %swap3A_125 = tpu.vector_load %arg12[%swap3A_124] {strides = array<i32>} : memref<80xi32, #tpu.memory_space<vmem>>, vector<16xi32>,
      %swap3A_126 = vector.shape_cast %swap3A_125 : vector<16xi32> to vector<16xi32>
      %swap3A_127 = vector.shape_cast %add3A_123 : vector<16xi32> to vector<16xi32>
      tpu.vector_store %arg12[%swap3A_124], %swap3A_127 {strides = array<i32>} : memref<80xi32, #tpu.memory_space<vmem>>, vector<16xi32>,
      %dma_start3A = arith.constant 0 : i32
      %dma_start3A_128 = arith.constant 0 : i32
      %dma_start3A_129 = tpu.memref_slice %arg2[%dma_start3A, %dma_start3A_128] : memref<50000x64xf32, #tpu.memory_space<hbm>> -> memref<50000x64xf32, #tpu.memory_space<hbm>>
      tpu.enqueue_indirect_dma source(%dma_start3A_129 : memref<50000x64xf32, #tpu.memory_space<hbm>>) target(%arg13 : memref<80x64xf32, #tpu.memory_space<vmem>>) offsets(%arg12 : memref<80xi32, #tpu.memory_space<vmem>>) semaphore(%arg15 : memref<!tpu.dma_semaphore, #tpu.memory_space<semaphore_mem>>)
      %dma_wait3A = arith.constant 0 : i32
      %dma_wait3A_130 = arith.constant 0 : i32
      %dma_wait3A_131 = tpu.memref_slice %arg2[%dma_wait3A, %dma_wait3A_130] : memref<50000x64xf32, #tpu.memory_space<hbm>> -> memref<50000x64xf32, #tpu.memory_space<hbm>>
      tpu.wait_indirect_dma semaphore(%arg15 : memref<!tpu.dma_semaphore, #tpu.memory_space<semaphore_mem>>) src(%dma_wait3A_131 : memref<50000x64xf32, #tpu.memory_space<hbm>>) dst(%arg13 : memref<80x64xf32, #tpu.memory_space<vmem>>)
      "tpu.region"() ({
        %run_scoped3A = tpu.sem_alloc : memref<!tpu.dma_semaphore, #tpu.memory_space<semaphore_mem>>
        %dma_start3A_133 = arith.constant 0 : i32
        %dma_start3A_134 = arith.constant 0 : i32
        %dma_start3A_135 = tpu.memref_slice %arg16[%dma_start3A_133, %dma_start3A_134] : memref<25088x64xf32, #tpu.memory_space<vmem_shared>> -> memref<25088x64xf32, #tpu.memory_space<vmem_shared>>
        tpu.enqueue_indirect_dma source(%arg13 : memref<80x64xf32, #tpu.memory_space<vmem>>) target(%dma_start3A_135 : memref<25088x64xf32, #tpu.memory_space<vmem_shared>>) offsets(%arg11 : memref<80xi32, #tpu.memory_space<vmem>>) semaphore(%run_scoped3A : memref<!tpu.dma_semaphore, #tpu.memory_space<semaphore_mem>>) {add = true}
        %dma_wait3A_136 = arith.constant 0 : i32
        %dma_wait3A_137 = arith.constant 0 : i32
        %dma_wait3A_138 = tpu.memref_slice %arg16[%dma_wait3A_136, %dma_wait3A_137] : memref<25088x64xf32, #tpu.memory_space<vmem_shared>> -> memref<25088x64xf32, #tpu.memory_space<vmem_shared>>
        tpu.wait_indirect_dma semaphore(%run_scoped3A : memref<!tpu.dma_semaphore, #tpu.memory_space<semaphore_mem>>) src(%arg13 : memref<80x64xf32, #tpu.memory_space<vmem>>) dst(%dma_wait3A_138 : memref<25088x64xf32, #tpu.memory_space<vmem_shared>>)
        tpu.yield
      }) : () -> ()
      %scan3A_132 = arith.constant 0 : i32
      scf.yield %scan3A_132 : i32
    }
    %scan3A_23 = arith.constant 392 : i32
    %barrier3A_24 = arith.constant 0 : index
    tpu.barrier barrier_id(%barrier3A_24)
    %scan3A_25 = arith.constant 0 : i32
    %scan3A_26 = arith.constant 0 : i32
    %scan3A_27 = arith.constant 14 : i32
    %scan3A_28 = arith.addi %scan3A_26, %scan3A_27 : i32
    %scan3A_29 = arith.constant 1 : i32
    %scan3A_30 = scf.for %scan3A_66 = %scan3A_26 to %scan3A_28 step %scan3A_29 iter_args(%scan3A_67 = %scan3A_25) -> (i32)  : i32 {
      %mul3A_68 = arith.constant 112 : i32
      %mul3A_69 = arith.muli %scan3A_66, %mul3A_68 : i32
      %add3A = arith.addi %mul3A_0, %mul3A_69 : i32
      "tpu.region"() ({
        %run_scoped3A = tpu.sem_alloc : memref<!tpu.dma_semaphore, #tpu.memory_space<semaphore_mem>>
        %dma_start3A = arith.constant 0 : i32
        %dma_start3A_71 = tpu.memref_slice %arg16[%add3A, %dma_start3A] : memref<25088x64xf32, #tpu.memory_space<vmem_shared>> -> memref<112x64xf32, #tpu.memory_space<vmem_shared>>
        %dma_start3A_72 = arith.constant 0 : i32
        %dma_start3A_73 = tpu.memref_slice %arg16[%add3A, %dma_start3A_72] : memref<25088x64xf32, #tpu.memory_space<vmem_shared>> -> memref<112x64xf32, #tpu.memory_space<vmem_shared>>
        tpu.enqueue_dma source(%dma_start3A_73 : memref<112x64xf32, #tpu.memory_space<vmem_shared>>) target(%arg14 : memref<112x64xf32, #tpu.memory_space<vmem>>) target_semaphore(%run_scoped3A : memref<!tpu.dma_semaphore, #tpu.memory_space<semaphore_mem>>)
        %dma_wait3A = arith.constant 0 : i32
        %dma_wait3A_74 = tpu.memref_slice %arg16[%add3A, %dma_wait3A] : memref<25088x64xf32, #tpu.memory_space<vmem_shared>> -> memref<112x64xf32, #tpu.memory_space<vmem_shared>>
        %dma_wait3A_75 = arith.constant 0 : i32
        %dma_wait3A_76 = tpu.memref_slice %arg16[%add3A, %dma_wait3A_75] : memref<25088x64xf32, #tpu.memory_space<vmem_shared>> -> memref<112x64xf32, #tpu.memory_space<vmem_shared>>
        tpu.wait_dma2 semaphore(%run_scoped3A : memref<!tpu.dma_semaphore, #tpu.memory_space<semaphore_mem>>) src(%dma_wait3A_76 : memref<112x64xf32, #tpu.memory_space<vmem_shared>>) dst(%arg14 : memref<112x64xf32, #tpu.memory_space<vmem>>)
        tpu.yield
      }) : () -> ()
      "tpu.region"() ({
        %run_scoped3A = tpu.sem_alloc : memref<!tpu.dma_semaphore, #tpu.memory_space<semaphore_mem>>
        %dma_start3A = arith.constant 0 : i32
        %dma_start3A_71 = tpu.memref_slice %arg8[%arg0, %add3A, %dma_start3A] : memref<2x25088x64xf32, #tpu.memory_space<hbm>> -> memref<1x112x64xf32, #tpu.memory_space<hbm>>
        %dma_start3A_72 = tpu.memref_squeeze %dma_start3A_71 : memref<1x112x64xf32, #tpu.memory_space<hbm>> -> memref<112x64xf32, #tpu.memory_space<hbm>>
        %dma_start3A_73 = arith.constant 0 : i32
        %dma_start3A_74 = tpu.memref_slice %arg8[%arg0, %add3A, %dma_start3A_73] : memref<2x25088x64xf32, #tpu.memory_space<hbm>> -> memref<1x112x64xf32, #tpu.memory_space<hbm>>
        %dma_start3A_75 = tpu.memref_squeeze %dma_start3A_74 : memref<1x112x64xf32, #tpu.memory_space<hbm>> -> memref<112x64xf32, #tpu.memory_space<hbm>>
        tpu.enqueue_dma source(%arg14 : memref<112x64xf32, #tpu.memory_space<vmem>>) target(%dma_start3A_75 : memref<112x64xf32, #tpu.memory_space<hbm>>) target_semaphore(%run_scoped3A : memref<!tpu.dma_semaphore, #tpu.memory_space<semaphore_mem>>)
        %dma_wait3A = arith.constant 0 : i32
        %dma_wait3A_76 = tpu.memref_slice %arg8[%arg0, %add3A, %dma_wait3A] : memref<2x25088x64xf32, #tpu.memory_space<hbm>> -> memref<1x112x64xf32, #tpu.memory_space<hbm>>
        %dma_wait3A_77 = tpu.memref_squeeze %dma_wait3A_76 : memref<1x112x64xf32, #tpu.memory_space<hbm>> -> memref<112x64xf32, #tpu.memory_space<hbm>>
        %dma_wait3A_78 = arith.constant 0 : i32
        %dma_wait3A_79 = tpu.memref_slice %arg8[%arg0, %add3A, %dma_wait3A_78] : memref<2x25088x64xf32, #tpu.memory_space<hbm>> -> memref<1x112x64xf32, #tpu.memory_space<hbm>>
        %dma_wait3A_80 = tpu.memref_squeeze %dma_wait3A_79 : memref<1x112x64xf32, #tpu.memory_space<hbm>> -> memref<112x64xf32, #tpu.memory_space<hbm>>
        tpu.wait_dma2 semaphore(%run_scoped3A : memref<!tpu.dma_semaphore, #tpu.memory_space<semaphore_mem>>) src(%arg14 : memref<112x64xf32, #tpu.memory_space<vmem>>) dst(%dma_wait3A_80 : memref<112x64xf32, #tpu.memory_space<hbm>>)
        tpu.yield
      }) : () -> ()
      %scan3A_70 = arith.constant 0 : i32
      scf.yield %scan3A_70 : i32
    }
    %scan3A_31 = arith.constant 14 : i32
    %barrier3A_32 = arith.constant 0 : index
    tpu.barrier barrier_id(%barrier3A_32)
    %scan3A_33 = arith.constant 0 : i32
    %scan3A_34 = arith.constant 0 : i32
    %scan3A_35 = arith.constant 112 : i32
    %scan3A_36 = arith.addi %scan3A_34, %scan3A_35 : i32
    %scan3A_37 = arith.constant 1 : i32
    %scan3A_38 = scf.for %scan3A_66 = %scan3A_34 to %scan3A_36 step %scan3A_37 iter_args(%scan3A_67 = %scan3A_33) -> (i32)  : i32 {
      %swap3A = arith.index_cast %scan3A_66 : i32 to index
      %swap3A_68 = arith.constant 0 : index
      %swap3A_69 = tpu.vector_load %arg14[%swap3A, %swap3A_68] {strides = array<i32>} : memref<112x64xf32, #tpu.memory_space<vmem>>, vector<1x16xf32>,
      %swap3A_70 = vector.shape_cast %swap3A_69 : vector<1x16xf32> to vector<16xf32>
      %swap3A_71 = vector.shape_cast %broadcast_in_dim3A_1 : vector<16xf32> to vector<1x16xf32>
      tpu.vector_store %arg14[%swap3A, %swap3A_68], %swap3A_71 {strides = array<i32>} : memref<112x64xf32, #tpu.memory_space<vmem>>, vector<1x16xf32>,
      %swap3A_72 = arith.index_cast %scan3A_66 : i32 to index
      %swap3A_73 = arith.constant 16 : index
      %swap3A_74 = tpu.vector_load %arg14[%swap3A_72, %swap3A_73] {strides = array<i32>} : memref<112x64xf32, #tpu.memory_space<vmem>>, vector<1x16xf32>,
      %swap3A_75 = vector.shape_cast %swap3A_74 : vector<1x16xf32> to vector<16xf32>
      %swap3A_76 = vector.shape_cast %broadcast_in_dim3A_1 : vector<16xf32> to vector<1x16xf32>
      tpu.vector_store %arg14[%swap3A_72, %swap3A_73], %swap3A_76 {strides = array<i32>} : memref<112x64xf32, #tpu.memory_space<vmem>>, vector<1x16xf32>,
      %swap3A_77 = arith.index_cast %scan3A_66 : i32 to index
      %swap3A_78 = arith.constant 32 : index
      %swap3A_79 = tpu.vector_load %arg14[%swap3A_77, %swap3A_78] {strides = array<i32>} : memref<112x64xf32, #tpu.memory_space<vmem>>, vector<1x16xf32>,
      %swap3A_80 = vector.shape_cast %swap3A_79 : vector<1x16xf32> to vector<16xf32>
      %swap3A_81 = vector.shape_cast %broadcast_in_dim3A_1 : vector<16xf32> to vector<1x16xf32>
      tpu.vector_store %arg14[%swap3A_77, %swap3A_78], %swap3A_81 {strides = array<i32>} : memref<112x64xf32, #tpu.memory_space<vmem>>, vector<1x16xf32>,
      %swap3A_82 = arith.index_cast %scan3A_66 : i32 to index
      %swap3A_83 = arith.constant 48 : index
      %swap3A_84 = tpu.vector_load %arg14[%swap3A_82, %swap3A_83] {strides = array<i32>} : memref<112x64xf32, #tpu.memory_space<vmem>>, vector<1x16xf32>,
      %swap3A_85 = vector.shape_cast %swap3A_84 : vector<1x16xf32> to vector<16xf32>
      %swap3A_86 = vector.shape_cast %broadcast_in_dim3A_1 : vector<16xf32> to vector<1x16xf32>
      tpu.vector_store %arg14[%swap3A_82, %swap3A_83], %swap3A_86 {strides = array<i32>} : memref<112x64xf32, #tpu.memory_space<vmem>>, vector<1x16xf32>,
      %scan3A_87 = arith.constant 0 : i32
      scf.yield %scan3A_87 : i32
    }
    %scan3A_39 = arith.constant 112 : i32
    %scan3A_40 = arith.constant 0 : i32
    %scan3A_41 = arith.constant 0 : i32
    %scan3A_42 = arith.constant 14 : i32
    %scan3A_43 = arith.addi %scan3A_41, %scan3A_42 : i32
    %scan3A_44 = arith.constant 1 : i32
    %scan3A_45 = scf.for %scan3A_66 = %scan3A_41 to %scan3A_43 step %scan3A_44 iter_args(%scan3A_67 = %scan3A_40) -> (i32)  : i32 {
      %mul3A_68 = arith.constant 112 : i32
      %mul3A_69 = arith.muli %scan3A_66, %mul3A_68 : i32
      %add3A = arith.addi %mul3A_0, %mul3A_69 : i32
      "tpu.region"() ({
        %run_scoped3A = tpu.sem_alloc : memref<!tpu.dma_semaphore, #tpu.memory_space<semaphore_mem>>
        %dma_start3A = arith.constant 0 : i32
        %dma_start3A_71 = tpu.memref_slice %arg16[%add3A, %dma_start3A] : memref<25088x64xf32, #tpu.memory_space<vmem_shared>> -> memref<112x64xf32, #tpu.memory_space<vmem_shared>>
        %dma_start3A_72 = arith.constant 0 : i32
        %dma_start3A_73 = tpu.memref_slice %arg16[%add3A, %dma_start3A_72] : memref<25088x64xf32, #tpu.memory_space<vmem_shared>> -> memref<112x64xf32, #tpu.memory_space<vmem_shared>>
        tpu.enqueue_dma source(%arg14 : memref<112x64xf32, #tpu.memory_space<vmem>>) target(%dma_start3A_73 : memref<112x64xf32, #tpu.memory_space<vmem_shared>>) target_semaphore(%run_scoped3A : memref<!tpu.dma_semaphore, #tpu.memory_space<semaphore_mem>>)
        %dma_wait3A = arith.constant 0 : i32
        %dma_wait3A_74 = tpu.memref_slice %arg16[%add3A, %dma_wait3A] : memref<25088x64xf32, #tpu.memory_space<vmem_shared>> -> memref<112x64xf32, #tpu.memory_space<vmem_shared>>
        %dma_wait3A_75 = arith.constant 0 : i32
        %dma_wait3A_76 = tpu.memref_slice %arg16[%add3A, %dma_wait3A_75] : memref<25088x64xf32, #tpu.memory_space<vmem_shared>> -> memref<112x64xf32, #tpu.memory_space<vmem_shared>>
        tpu.wait_dma2 semaphore(%run_scoped3A : memref<!tpu.dma_semaphore, #tpu.memory_space<semaphore_mem>>) src(%arg14 : memref<112x64xf32, #tpu.memory_space<vmem>>) dst(%dma_wait3A_76 : memref<112x64xf32, #tpu.memory_space<vmem_shared>>)
        tpu.yield
      }) : () -> ()
      %scan3A_70 = arith.constant 0 : i32
      scf.yield %scan3A_70 : i32
    }
    %scan3A_46 = arith.constant 14 : i32
    %barrier3A_47 = arith.constant 0 : index
    tpu.barrier barrier_id(%barrier3A_47)
    %mul3A_48 = arith.constant 31360 : i32
    %mul3A_49 = arith.muli %arg1, %mul3A_48 : i32
    %scan3A_50 = arith.constant 0 : i32
    %scan3A_51 = arith.constant 0 : i32
    %scan3A_52 = arith.constant 392 : i32
    %scan3A_53 = arith.addi %scan3A_51, %scan3A_52 : i32
    %scan3A_54 = arith.constant 1 : i32
    %scan3A_55 = scf.for %scan3A_66 = %scan3A_51 to %scan3A_53 step %scan3A_54 iter_args(%scan3A_67 = %scan3A_50) -> (i32)  : i32 {
      %mul3A_68 = arith.constant 80 : i32
      %mul3A_69 = arith.muli %scan3A_66, %mul3A_68 : i32
      %add3A = arith.addi %mul3A_49, %mul3A_69 : i32
      "tpu.region"() ({
        %run_scoped3A = tpu.sem_alloc : memref<!tpu.dma_semaphore, #tpu.memory_space<semaphore_mem>>
        %dma_start3A_133 = tpu.memref_slice %arg6[%add3A] : memref<501760xi32, #tpu.memory_space<hbm>> -> memref<80xi32, #tpu.memory_space<hbm>>
        %dma_start3A_134 = tpu.memref_slice %arg6[%add3A] : memref<501760xi32, #tpu.memory_space<hbm>> -> memref<80xi32, #tpu.memory_space<hbm>>
        tpu.enqueue_dma source(%dma_start3A_134 : memref<80xi32, #tpu.memory_space<hbm>>) target(%arg10 : memref<80xi32, #tpu.memory_space<vmem>>) target_semaphore(%run_scoped3A : memref<!tpu.dma_semaphore, #tpu.memory_space<semaphore_mem>>)
        %dma_wait3A_135 = tpu.memref_slice %arg6[%add3A] : memref<501760xi32, #tpu.memory_space<hbm>> -> memref<80xi32, #tpu.memory_space<hbm>>
        %dma_wait3A_136 = tpu.memref_slice %arg6[%add3A] : memref<501760xi32, #tpu.memory_space<hbm>> -> memref<80xi32, #tpu.memory_space<hbm>>
        tpu.wait_dma2 semaphore(%run_scoped3A : memref<!tpu.dma_semaphore, #tpu.memory_space<semaphore_mem>>) src(%dma_wait3A_136 : memref<80xi32, #tpu.memory_space<hbm>>) dst(%arg10 : memref<80xi32, #tpu.memory_space<vmem>>)
        tpu.yield
      }) : () -> ()
      "tpu.region"() ({
        %run_scoped3A = tpu.sem_alloc : memref<!tpu.dma_semaphore, #tpu.memory_space<semaphore_mem>>
        %dma_start3A_133 = tpu.memref_slice %arg7[%add3A] : memref<501760xi32, #tpu.memory_space<hbm>> -> memref<80xi32, #tpu.memory_space<hbm>>
        %dma_start3A_134 = tpu.memref_slice %arg7[%add3A] : memref<501760xi32, #tpu.memory_space<hbm>> -> memref<80xi32, #tpu.memory_space<hbm>>
        tpu.enqueue_dma source(%dma_start3A_134 : memref<80xi32, #tpu.memory_space<hbm>>) target(%arg11 : memref<80xi32, #tpu.memory_space<vmem>>) target_semaphore(%run_scoped3A : memref<!tpu.dma_semaphore, #tpu.memory_space<semaphore_mem>>)
        %dma_wait3A_135 = tpu.memref_slice %arg7[%add3A] : memref<501760xi32, #tpu.memory_space<hbm>> -> memref<80xi32, #tpu.memory_space<hbm>>
        %dma_wait3A_136 = tpu.memref_slice %arg7[%add3A] : memref<501760xi32, #tpu.memory_space<hbm>> -> memref<80xi32, #tpu.memory_space<hbm>>
        tpu.wait_dma2 semaphore(%run_scoped3A : memref<!tpu.dma_semaphore, #tpu.memory_space<semaphore_mem>>) src(%dma_wait3A_136 : memref<80xi32, #tpu.memory_space<hbm>>) dst(%arg11 : memref<80xi32, #tpu.memory_space<vmem>>)
        tpu.yield
      }) : () -> ()
      %get3A = arith.constant 0 : index
      %get3A_70 = tpu.vector_load %arg10[%get3A] {strides = array<i32>} : memref<80xi32, #tpu.memory_space<vmem>>, vector<16xi32>,
      %get3A_71 = vector.shape_cast %get3A_70 : vector<16xi32> to vector<16xi32>
      %mul3A_72 = arith.constant 2 : i32
      %mul3A_73 = vector.broadcast %mul3A_72 : i32 to vector<16xi32>
      %mul3A_74 = arith.muli %get3A_71, %mul3A_73 : vector<16xi32>
      %add3A_75 = vector.broadcast %arg0 : i32 to vector<16xi32>
      %add3A_76 = arith.addi %mul3A_74, %add3A_75 : vector<16xi32>
      %swap3A = arith.constant 0 : index
      %swap3A_77 = tpu.vector_load %arg12[%swap3A] {strides = array<i32>} : memref<80xi32, #tpu.memory_space<vmem>>, vector<16xi32>,
      %swap3A_78 = vector.shape_cast %swap3A_77 : vector<16xi32> to vector<16xi32>
      %swap3A_79 = vector.shape_cast %add3A_76 : vector<16xi32> to vector<16xi32>
      tpu.vector_store %arg12[%swap3A], %swap3A_79 {strides = array<i32>} : memref<80xi32, #tpu.memory_space<vmem>>, vector<16xi32>,
      %get3A_80 = arith.constant 16 : index
      %get3A_81 = tpu.vector_load %arg10[%get3A_80] {strides = array<i32>} : memref<80xi32, #tpu.memory_space<vmem>>, vector<16xi32>,
      %get3A_82 = vector.shape_cast %get3A_81 : vector<16xi32> to vector<16xi32>
      %mul3A_83 = arith.constant 2 : i32
      %mul3A_84 = vector.broadcast %mul3A_83 : i32 to vector<16xi32>
      %mul3A_85 = arith.muli %get3A_82, %mul3A_84 : vector<16xi32>
      %add3A_86 = vector.broadcast %arg0 : i32 to vector<16xi32>
      %add3A_87 = arith.addi %mul3A_85, %add3A_86 : vector<16xi32>
      %swap3A_88 = arith.constant 16 : index
      %swap3A_89 = tpu.vector_load %arg12[%swap3A_88] {strides = array<i32>} : memref<80xi32, #tpu.memory_space<vmem>>, vector<16xi32>,
      %swap3A_90 = vector.shape_cast %swap3A_89 : vector<16xi32> to vector<16xi32>
      %swap3A_91 = vector.shape_cast %add3A_87 : vector<16xi32> to vector<16xi32>
      tpu.vector_store %arg12[%swap3A_88], %swap3A_91 {strides = array<i32>} : memref<80xi32, #tpu.memory_space<vmem>>, vector<16xi32>,
      %get3A_92 = arith.constant 32 : index
      %get3A_93 = tpu.vector_load %arg10[%get3A_92] {strides = array<i32>} : memref<80xi32, #tpu.memory_space<vmem>>, vector<16xi32>,
      %get3A_94 = vector.shape_cast %get3A_93 : vector<16xi32> to vector<16xi32>
      %mul3A_95 = arith.constant 2 : i32
      %mul3A_96 = vector.broadcast %mul3A_95 : i32 to vector<16xi32>
      %mul3A_97 = arith.muli %get3A_94, %mul3A_96 : vector<16xi32>
      %add3A_98 = vector.broadcast %arg0 : i32 to vector<16xi32>
      %add3A_99 = arith.addi %mul3A_97, %add3A_98 : vector<16xi32>
      %swap3A_100 = arith.constant 32 : index
      %swap3A_101 = tpu.vector_load %arg12[%swap3A_100] {strides = array<i32>} : memref<80xi32, #tpu.memory_space<vmem>>, vector<16xi32>,
      %swap3A_102 = vector.shape_cast %swap3A_101 : vector<16xi32> to vector<16xi32>
      %swap3A_103 = vector.shape_cast %add3A_99 : vector<16xi32> to vector<16xi32>
      tpu.vector_store %arg12[%swap3A_100], %swap3A_103 {strides = array<i32>} : memref<80xi32, #tpu.memory_space<vmem>>, vector<16xi32>,
      %get3A_104 = arith.constant 48 : index
      %get3A_105 = tpu.vector_load %arg10[%get3A_104] {strides = array<i32>} : memref<80xi32, #tpu.memory_space<vmem>>, vector<16xi32>,
      %get3A_106 = vector.shape_cast %get3A_105 : vector<16xi32> to vector<16xi32>
      %mul3A_107 = arith.constant 2 : i32
      %mul3A_108 = vector.broadcast %mul3A_107 : i32 to vector<16xi32>
      %mul3A_109 = arith.muli %get3A_106, %mul3A_108 : vector<16xi32>
      %add3A_110 = vector.broadcast %arg0 : i32 to vector<16xi32>
      %add3A_111 = arith.addi %mul3A_109, %add3A_110 : vector<16xi32>
      %swap3A_112 = arith.constant 48 : index
      %swap3A_113 = tpu.vector_load %arg12[%swap3A_112] {strides = array<i32>} : memref<80xi32, #tpu.memory_space<vmem>>, vector<16xi32>,
      %swap3A_114 = vector.shape_cast %swap3A_113 : vector<16xi32> to vector<16xi32>
      %swap3A_115 = vector.shape_cast %add3A_111 : vector<16xi32> to vector<16xi32>
      tpu.vector_store %arg12[%swap3A_112], %swap3A_115 {strides = array<i32>} : memref<80xi32, #tpu.memory_space<vmem>>, vector<16xi32>,
      %get3A_116 = arith.constant 64 : index
      %get3A_117 = tpu.vector_load %arg10[%get3A_116] {strides = array<i32>} : memref<80xi32, #tpu.memory_space<vmem>>, vector<16xi32>,
      %get3A_118 = vector.shape_cast %get3A_117 : vector<16xi32> to vector<16xi32>
      %mul3A_119 = arith.constant 2 : i32
      %mul3A_120 = vector.broadcast %mul3A_119 : i32 to vector<16xi32>
      %mul3A_121 = arith.muli %get3A_118, %mul3A_120 : vector<16xi32>
      %add3A_122 = vector.broadcast %arg0 : i32 to vector<16xi32>
      %add3A_123 = arith.addi %mul3A_121, %add3A_122 : vector<16xi32>
      %swap3A_124 = arith.constant 64 : index
      %swap3A_125 = tpu.vector_load %arg12[%swap3A_124] {strides = array<i32>} : memref<80xi32, #tpu.memory_space<vmem>>, vector<16xi32>,
      %swap3A_126 = vector.shape_cast %swap3A_125 : vector<16xi32> to vector<16xi32>
      %swap3A_127 = vector.shape_cast %add3A_123 : vector<16xi32> to vector<16xi32>
      tpu.vector_store %arg12[%swap3A_124], %swap3A_127 {strides = array<i32>} : memref<80xi32, #tpu.memory_space<vmem>>, vector<16xi32>,
      %dma_start3A = arith.constant 0 : i32
      %dma_start3A_128 = arith.constant 0 : i32
      %dma_start3A_129 = tpu.memref_slice %arg5[%dma_start3A, %dma_start3A_128] : memref<50000x64xf32, #tpu.memory_space<hbm>> -> memref<50000x64xf32, #tpu.memory_space<hbm>>
      tpu.enqueue_indirect_dma source(%dma_start3A_129 : memref<50000x64xf32, #tpu.memory_space<hbm>>) target(%arg13 : memref<80x64xf32, #tpu.memory_space<vmem>>) offsets(%arg12 : memref<80xi32, #tpu.memory_space<vmem>>) semaphore(%arg15 : memref<!tpu.dma_semaphore, #tpu.memory_space<semaphore_mem>>)
      %dma_wait3A = arith.constant 0 : i32
      %dma_wait3A_130 = arith.constant 0 : i32
      %dma_wait3A_131 = tpu.memref_slice %arg5[%dma_wait3A, %dma_wait3A_130] : memref<50000x64xf32, #tpu.memory_space<hbm>> -> memref<50000x64xf32, #tpu.memory_space<hbm>>
      tpu.wait_indirect_dma semaphore(%arg15 : memref<!tpu.dma_semaphore, #tpu.memory_space<semaphore_mem>>) src(%dma_wait3A_131 : memref<50000x64xf32, #tpu.memory_space<hbm>>) dst(%arg13 : memref<80x64xf32, #tpu.memory_space<vmem>>)
      "tpu.region"() ({
        %run_scoped3A = tpu.sem_alloc : memref<!tpu.dma_semaphore, #tpu.memory_space<semaphore_mem>>
        %dma_start3A_133 = arith.constant 0 : i32
        %dma_start3A_134 = arith.constant 0 : i32
        %dma_start3A_135 = tpu.memref_slice %arg16[%dma_start3A_133, %dma_start3A_134] : memref<25088x64xf32, #tpu.memory_space<vmem_shared>> -> memref<25088x64xf32, #tpu.memory_space<vmem_shared>>
        tpu.enqueue_indirect_dma source(%arg13 : memref<80x64xf32, #tpu.memory_space<vmem>>) target(%dma_start3A_135 : memref<25088x64xf32, #tpu.memory_space<vmem_shared>>) offsets(%arg11 : memref<80xi32, #tpu.memory_space<vmem>>) semaphore(%run_scoped3A : memref<!tpu.dma_semaphore, #tpu.memory_space<semaphore_mem>>) {add = true}
        %dma_wait3A_136 = arith.constant 0 : i32
        %dma_wait3A_137 = arith.constant 0 : i32
        %dma_wait3A_138 = tpu.memref_slice %arg16[%dma_wait3A_136, %dma_wait3A_137] : memref<25088x64xf32, #tpu.memory_space<vmem_shared>> -> memref<25088x64xf32, #tpu.memory_space<vmem_shared>>
        tpu.wait_indirect_dma semaphore(%run_scoped3A : memref<!tpu.dma_semaphore, #tpu.memory_space<semaphore_mem>>) src(%arg13 : memref<80x64xf32, #tpu.memory_space<vmem>>) dst(%dma_wait3A_138 : memref<25088x64xf32, #tpu.memory_space<vmem_shared>>)
        tpu.yield
      }) : () -> ()
      %scan3A_132 = arith.constant 0 : i32
      scf.yield %scan3A_132 : i32
    }
    %scan3A_56 = arith.constant 392 : i32
    %barrier3A_57 = arith.constant 0 : index
    tpu.barrier barrier_id(%barrier3A_57)
    %scan3A_58 = arith.constant 0 : i32
    %scan3A_59 = arith.constant 0 : i32
    %scan3A_60 = arith.constant 14 : i32
    %scan3A_61 = arith.addi %scan3A_59, %scan3A_60 : i32
    %scan3A_62 = arith.constant 1 : i32
    %scan3A_63 = scf.for %scan3A_66 = %scan3A_59 to %scan3A_61 step %scan3A_62 iter_args(%scan3A_67 = %scan3A_58) -> (i32)  : i32 {
      %mul3A_68 = arith.constant 112 : i32
      %mul3A_69 = arith.muli %scan3A_66, %mul3A_68 : i32
      %add3A = arith.addi %mul3A_0, %mul3A_69 : i32
      "tpu.region"() ({
        %run_scoped3A = tpu.sem_alloc : memref<!tpu.dma_semaphore, #tpu.memory_space<semaphore_mem>>
        %dma_start3A = arith.constant 0 : i32
        %dma_start3A_71 = tpu.memref_slice %arg16[%add3A, %dma_start3A] : memref<25088x64xf32, #tpu.memory_space<vmem_shared>> -> memref<112x64xf32, #tpu.memory_space<vmem_shared>>
        %dma_start3A_72 = arith.constant 0 : i32
        %dma_start3A_73 = tpu.memref_slice %arg16[%add3A, %dma_start3A_72] : memref<25088x64xf32, #tpu.memory_space<vmem_shared>> -> memref<112x64xf32, #tpu.memory_space<vmem_shared>>
        tpu.enqueue_dma source(%dma_start3A_73 : memref<112x64xf32, #tpu.memory_space<vmem_shared>>) target(%arg14 : memref<112x64xf32, #tpu.memory_space<vmem>>) target_semaphore(%run_scoped3A : memref<!tpu.dma_semaphore, #tpu.memory_space<semaphore_mem>>)
        %dma_wait3A = arith.constant 0 : i32
        %dma_wait3A_74 = tpu.memref_slice %arg16[%add3A, %dma_wait3A] : memref<25088x64xf32, #tpu.memory_space<vmem_shared>> -> memref<112x64xf32, #tpu.memory_space<vmem_shared>>
        %dma_wait3A_75 = arith.constant 0 : i32
        %dma_wait3A_76 = tpu.memref_slice %arg16[%add3A, %dma_wait3A_75] : memref<25088x64xf32, #tpu.memory_space<vmem_shared>> -> memref<112x64xf32, #tpu.memory_space<vmem_shared>>
        tpu.wait_dma2 semaphore(%run_scoped3A : memref<!tpu.dma_semaphore, #tpu.memory_space<semaphore_mem>>) src(%dma_wait3A_76 : memref<112x64xf32, #tpu.memory_space<vmem_shared>>) dst(%arg14 : memref<112x64xf32, #tpu.memory_space<vmem>>)
        tpu.yield
      }) : () -> ()
      "tpu.region"() ({
        %run_scoped3A = tpu.sem_alloc : memref<!tpu.dma_semaphore, #tpu.memory_space<semaphore_mem>>
        %dma_start3A = arith.constant 0 : i32
        %dma_start3A_71 = tpu.memref_slice %arg9[%arg0, %add3A, %dma_start3A] : memref<2x25088x64xf32, #tpu.memory_space<hbm>> -> memref<1x112x64xf32, #tpu.memory_space<hbm>>
        %dma_start3A_72 = tpu.memref_squeeze %dma_start3A_71 : memref<1x112x64xf32, #tpu.memory_space<hbm>> -> memref<112x64xf32, #tpu.memory_space<hbm>>
        %dma_start3A_73 = arith.constant 0 : i32
        %dma_start3A_74 = tpu.memref_slice %arg9[%arg0, %add3A, %dma_start3A_73] : memref<2x25088x64xf32, #tpu.memory_space<hbm>> -> memref<1x112x64xf32, #tpu.memory_space<hbm>>
        %dma_start3A_75 = tpu.memref_squeeze %dma_start3A_74 : memref<1x112x64xf32, #tpu.memory_space<hbm>> -> memref<112x64xf32, #tpu.memory_space<hbm>>
        tpu.enqueue_dma source(%arg14 : memref<112x64xf32, #tpu.memory_space<vmem>>) target(%dma_start3A_75 : memref<112x64xf32, #tpu.memory_space<hbm>>) target_semaphore(%run_scoped3A : memref<!tpu.dma_semaphore, #tpu.memory_space<semaphore_mem>>)
        %dma_wait3A = arith.constant 0 : i32
        %dma_wait3A_76 = tpu.memref_slice %arg9[%arg0, %add3A, %dma_wait3A] : memref<2x25088x64xf32, #tpu.memory_space<hbm>> -> memref<1x112x64xf32, #tpu.memory_space<hbm>>
        %dma_wait3A_77 = tpu.memref_squeeze %dma_wait3A_76 : memref<1x112x64xf32, #tpu.memory_space<hbm>> -> memref<112x64xf32, #tpu.memory_space<hbm>>
        %dma_wait3A_78 = arith.constant 0 : i32
        %dma_wait3A_79 = tpu.memref_slice %arg9[%arg0, %add3A, %dma_wait3A_78] : memref<2x25088x64xf32, #tpu.memory_space<hbm>> -> memref<1x112x64xf32, #tpu.memory_space<hbm>>
        %dma_wait3A_80 = tpu.memref_squeeze %dma_wait3A_79 : memref<1x112x64xf32, #tpu.memory_space<hbm>> -> memref<112x64xf32, #tpu.memory_space<hbm>>
        tpu.wait_dma2 semaphore(%run_scoped3A : memref<!tpu.dma_semaphore, #tpu.memory_space<semaphore_mem>>) src(%arg14 : memref<112x64xf32, #tpu.memory_space<vmem>>) dst(%dma_wait3A_80 : memref<112x64xf32, #tpu.memory_space<hbm>>)
        tpu.yield
      }) : () -> ()
      %scan3A_70 = arith.constant 0 : i32
      scf.yield %scan3A_70 : i32
    }
    %scan3A_64 = arith.constant 14 : i32
    %barrier3A_65 = arith.constant 0 : index
    tpu.barrier barrier_id(%barrier3A_65)
    return
  }
}

#map = affine_map<(d0, d1) -> (0, 0)>
#map1 = affine_map<(d0, d1) -> (0)>
#map2 = affine_map<(d0, d1) -> (0, 0, 0)>
module attributes {stable_mosaic.version = 14 : i64} {
  func.func @body(%arg0: i32, %arg1: i32, %arg2: memref<50000x64xf32, #tpu.memory_space<hbm>>, %arg3: memref<501760xi32, #tpu.memory_space<hbm>>, %arg4: memref<501760xi32, #tpu.memory_space<hbm>>, %arg5: memref<50000x64xf32, #tpu.memory_space<hbm>>, %arg6: memref<501760xi32, #tpu.memory_space<hbm>>, %arg7: memref<501760xi32, #tpu.memory_space<hbm>>, %arg8: memref<2x25088x64xf32, #tpu.memory_space<hbm>>, %arg9: memref<2x25088x64xf32, #tpu.memory_space<hbm>>, %arg10: memref<80xi32, #tpu.memory_space<vmem>>, %arg11: memref<80xi32, #tpu.memory_space<vmem>>, %arg12: memref<80xi32, #tpu.memory_space<vmem>>, %arg13: memref<80x64xf32, #tpu.memory_space<vmem>>, %arg14: memref<112x64xf32, #tpu.memory_space<vmem>>, %arg15: memref<!tpu.dma_semaphore, #tpu.memory_space<semaphore_mem>>, %arg16: memref<25088x64xf32, #tpu.memory_space<vmem_shared>>) attributes {dimension_semantics = [#tpu.dimension_semantics<core_parallel>, #tpu.dimension_semantics<subcore_parallel>], iteration_bounds = array<i64: 2, 16>, scalar_prefetch = 0 : i64, scratch_operands = 7 : i64, tpu.core_type = #tpu.core_type<sc_vector_subcore>, window_params = [{transform_indices = #map}, {transform_indices = #map1}, {transform_indices = #map1}, {transform_indices = #map}, {transform_indices = #map1}, {transform_indices = #map1}, {transform_indices = #map2}, {transform_indices = #map2}]} {
    %mul3A = arith.constant 1568 : i32
    %mul3A_0 = arith.muli %arg1, %mul3A : i32
    %broadcast_in_dim3A = arith.constant 0.000000e+00 : f32
    %broadcast_in_dim3A_1 = vector.broadcast %broadcast_in_dim3A : f32 to vector<16xf32>
    %scan3A = arith.constant 0 : i32
    %scan3A_2 = arith.constant 0 : i32
    %scan3A_3 = arith.constant 112 : i32
    %scan3A_4 = arith.addi %scan3A_2, %scan3A_3 : i32
    %scan3A_5 = arith.constant 1 : i32
    %scan3A_6 = scf.for %scan3A_66 = %scan3A_2 to %scan3A_4 step %scan3A_5 iter_args(%scan3A_67 = %scan3A) -> (i32)  : i32 {
      %swap3A = arith.index_cast %scan3A_66 : i32 to index
      %swap3A_68 = arith.constant 0 : index
      %swap3A_69 = tpu.vector_load %arg14[%swap3A, %swap3A_68] {strides = array<i32>} : memref<112x64xf32, #tpu.memory_space<vmem>>, vector<1x16xf32>,
      %swap3A_70 = vector.shape_cast %swap3A_69 : vector<1x16xf32> to vector<16xf32>
      %swap3A_71 = vector.shape_cast %broadcast_in_dim3A_1 : vector<16xf32> to vector<1x16xf32>
      tpu.vector_store %arg14[%swap3A, %swap3A_68], %swap3A_71 {strides = array<i32>} : memref<112x64xf32, #tpu.memory_space<vmem>>, vector<1x16xf32>,
      %swap3A_72 = arith.index_cast %scan3A_66 : i32 to index
      %swap3A_73 = arith.constant 16 : index
      %swap3A_74 = tpu.vector_load %arg14[%swap3A_72, %swap3A_73] {strides = array<i32>} : memref<112x64xf32, #tpu.memory_space<vmem>>, vector<1x16xf32>,
      %swap3A_75 = vector.shape_cast %swap3A_74 : vector<1x16xf32> to vector<16xf32>
      %swap3A_76 = vector.shape_cast %broadcast_in_dim3A_1 : vector<16xf32> to vector<1x16xf32>
      tpu.vector_store %arg14[%swap3A_72, %swap3A_73], %swap3A_76 {strides = array<i32>} : memref<112x64xf32, #tpu.memory_space<vmem>>, vector<1x16xf32>,
      %swap3A_77 = arith.index_cast %scan3A_66 : i32 to index
      %swap3A_78 = arith.constant 32 : index
      %swap3A_79 = tpu.vector_load %arg14[%swap3A_77, %swap3A_78] {strides = array<i32>} : memref<112x64xf32, #tpu.memory_space<vmem>>, vector<1x16xf32>,
      %swap3A_80 = vector.shape_cast %swap3A_79 : vector<1x16xf32> to vector<16xf32>
      %swap3A_81 = vector.shape_cast %broadcast_in_dim3A_1 : vector<16xf32> to vector<1x16xf32>
      tpu.vector_store %arg14[%swap3A_77, %swap3A_78], %swap3A_81 {strides = array<i32>} : memref<112x64xf32, #tpu.memory_space<vmem>>, vector<1x16xf32>,
      %swap3A_82 = arith.index_cast %scan3A_66 : i32 to index
      %swap3A_83 = arith.constant 48 : index
      %swap3A_84 = tpu.vector_load %arg14[%swap3A_82, %swap3A_83] {strides = array<i32>} : memref<112x64xf32, #tpu.memory_space<vmem>>, vector<1x16xf32>,
      %swap3A_85 = vector.shape_cast %swap3A_84 : vector<1x16xf32> to vector<16xf32>
      %swap3A_86 = vector.shape_cast %broadcast_in_dim3A_1 : vector<16xf32> to vector<1x16xf32>
      tpu.vector_store %arg14[%swap3A_82, %swap3A_83], %swap3A_86 {strides = array<i32>} : memref<112x64xf32, #tpu.memory_space<vmem>>, vector<1x16xf32>,
      %scan3A_87 = arith.constant 0 : i32
      scf.yield %scan3A_87 : i32
    }
    %scan3A_7 = arith.constant 112 : i32
    %scan3A_8 = arith.constant 0 : i32
    %scan3A_9 = arith.constant 0 : i32
    %scan3A_10 = arith.constant 14 : i32
    %scan3A_11 = arith.addi %scan3A_9, %scan3A_10 : i32
    %scan3A_12 = arith.constant 1 : i32
    %scan3A_13 = scf.for %scan3A_66 = %scan3A_9 to %scan3A_11 step %scan3A_12 iter_args(%scan3A_67 = %scan3A_8) -> (i32)  : i32 {
      %mul3A_68 = arith.constant 112 : i32
      %mul3A_69 = arith.muli %scan3A_66, %mul3A_68 : i32
      %add3A = arith.addi %mul3A_0, %mul3A_69 : i32
      "tpu.region"() ({
        %run_scoped3A = tpu.sem_alloc : memref<!tpu.dma_semaphore, #tpu.memory_space<semaphore_mem>>
        %dma_start3A = arith.constant 0 : i32
        %dma_start3A_71 = tpu.memref_slice %arg16[%add3A, %dma_start3A] : memref<25088x64xf32, #tpu.memory_space<vmem_shared>> -> memref<112x64xf32, #tpu.memory_space<vmem_shared>>
        %dma_start3A_72 = arith.constant 0 : i32
        %dma_start3A_73 = tpu.memref_slice %arg16[%add3A, %dma_start3A_72] : memref<25088x64xf32, #tpu.memory_space<vmem_shared>> -> memref<112x64xf32, #tpu.memory_space<vmem_shared>>
        tpu.enqueue_dma source(%arg14 : memref<112x64xf32, #tpu.memory_space<vmem>>) target(%dma_start3A_73 : memref<112x64xf32, #tpu.memory_space<vmem_shared>>) target_semaphore(%run_scoped3A : memref<!tpu.dma_semaphore, #tpu.memory_space<semaphore_mem>>)
        %dma_wait3A = arith.constant 0 : i32
        %dma_wait3A_74 = tpu.memref_slice %arg16[%add3A, %dma_wait3A] : memref<25088x64xf32, #tpu.memory_space<vmem_shared>> -> memref<112x64xf32, #tpu.memory_space<vmem_shared>>
        %dma_wait3A_75 = arith.constant 0 : i32
        %dma_wait3A_76 = tpu.memref_slice %arg16[%add3A, %dma_wait3A_75] : memref<25088x64xf32, #tpu.memory_space<vmem_shared>> -> memref<112x64xf32, #tpu.memory_space<vmem_shared>>
        tpu.wait_dma2 semaphore(%run_scoped3A : memref<!tpu.dma_semaphore, #tpu.memory_space<semaphore_mem>>) src(%arg14 : memref<112x64xf32, #tpu.memory_space<vmem>>) dst(%dma_wait3A_76 : memref<112x64xf32, #tpu.memory_space<vmem_shared>>)
        tpu.yield
      }) : () -> ()
      %scan3A_70 = arith.constant 0 : i32
      scf.yield %scan3A_70 : i32
    }
    %scan3A_14 = arith.constant 14 : i32
    %barrier3A = arith.constant 0 : index
    tpu.barrier barrier_id(%barrier3A)
    %mul3A_15 = arith.constant 31360 : i32
    %mul3A_16 = arith.muli %arg1, %mul3A_15 : i32
    %scan3A_17 = arith.constant 0 : i32
    %scan3A_18 = arith.constant 0 : i32
    %scan3A_19 = arith.constant 392 : i32
    %scan3A_20 = arith.addi %scan3A_18, %scan3A_19 : i32
    %scan3A_21 = arith.constant 1 : i32
    %scan3A_22 = scf.for %scan3A_66 = %scan3A_18 to %scan3A_20 step %scan3A_21 iter_args(%scan3A_67 = %scan3A_17) -> (i32)  : i32 {
      %mul3A_68 = arith.constant 80 : i32
      %mul3A_69 = arith.muli %scan3A_66, %mul3A_68 : i32
      %add3A = arith.addi %mul3A_16, %mul3A_69 : i32
      "tpu.region"() ({
        %run_scoped3A = tpu.sem_alloc : memref<!tpu.dma_semaphore, #tpu.memory_space<semaphore_mem>>
        %dma_start3A_133 = tpu.memref_slice %arg3[%add3A] : memref<501760xi32, #tpu.memory_space<hbm>> -> memref<80xi32, #tpu.memory_space<hbm>>
        %dma_start3A_134 = tpu.memref_slice %arg3[%add3A] : memref<501760xi32, #tpu.memory_space<hbm>> -> memref<80xi32, #tpu.memory_space<hbm>>
        tpu.enqueue_dma source(%dma_start3A_134 : memref<80xi32, #tpu.memory_space<hbm>>) target(%arg10 : memref<80xi32, #tpu.memory_space<vmem>>) target_semaphore(%run_scoped3A : memref<!tpu.dma_semaphore, #tpu.memory_space<semaphore_mem>>)
        %dma_wait3A_135 = tpu.memref_slice %arg3[%add3A] : memref<501760xi32, #tpu.memory_space<hbm>> -> memref<80xi32, #tpu.memory_space<hbm>>
        %dma_wait3A_136 = tpu.memref_slice %arg3[%add3A] : memref<501760xi32, #tpu.memory_space<hbm>> -> memref<80xi32, #tpu.memory_space<hbm>>
        tpu.wait_dma2 semaphore(%run_scoped3A : memref<!tpu.dma_semaphore, #tpu.memory_space<semaphore_mem>>) src(%dma_wait3A_136 : memref<80xi32, #tpu.memory_space<hbm>>) dst(%arg10 : memref<80xi32, #tpu.memory_space<vmem>>)
        tpu.yield
      }) : () -> ()
      "tpu.region"() ({
        %run_scoped3A = tpu.sem_alloc : memref<!tpu.dma_semaphore, #tpu.memory_space<semaphore_mem>>
        %dma_start3A_133 = tpu.memref_slice %arg4[%add3A] : memref<501760xi32, #tpu.memory_space<hbm>> -> memref<80xi32, #tpu.memory_space<hbm>>
        %dma_start3A_134 = tpu.memref_slice %arg4[%add3A] : memref<501760xi32, #tpu.memory_space<hbm>> -> memref<80xi32, #tpu.memory_space<hbm>>
        tpu.enqueue_dma source(%dma_start3A_134 : memref<80xi32, #tpu.memory_space<hbm>>) target(%arg11 : memref<80xi32, #tpu.memory_space<vmem>>) target_semaphore(%run_scoped3A : memref<!tpu.dma_semaphore, #tpu.memory_space<semaphore_mem>>)
        %dma_wait3A_135 = tpu.memref_slice %arg4[%add3A] : memref<501760xi32, #tpu.memory_space<hbm>> -> memref<80xi32, #tpu.memory_space<hbm>>
        %dma_wait3A_136 = tpu.memref_slice %arg4[%add3A] : memref<501760xi32, #tpu.memory_space<hbm>> -> memref<80xi32, #tpu.memory_space<hbm>>
        tpu.wait_dma2 semaphore(%run_scoped3A : memref<!tpu.dma_semaphore, #tpu.memory_space<semaphore_mem>>) src(%dma_wait3A_136 : memref<80xi32, #tpu.memory_space<hbm>>) dst(%arg11 : memref<80xi32, #tpu.memory_space<vmem>>)
        tpu.yield
      }) : () -> ()
      %get3A = arith.constant 0 : index
      %get3A_70 = tpu.vector_load %arg10[%get3A] {strides = array<i32>} : memref<80xi32, #tpu.memory_space<vmem>>, vector<16xi32>,
      %get3A_71 = vector.shape_cast %get3A_70 : vector<16xi32> to vector<16xi32>
      %mul3A_72 = arith.constant 2 : i32
      %mul3A_73 = vector.broadcast %mul3A_72 : i32 to vector<16xi32>
      %mul3A_74 = arith.muli %get3A_71, %mul3A_73 : vector<16xi32>
      %add3A_75 = vector.broadcast %arg0 : i32 to vector<16xi32>
      %add3A_76 = arith.addi %mul3A_74, %add3A_75 : vector<16xi32>
      %swap3A = arith.constant 0 : index
      %swap3A_77 = tpu.vector_load %arg12[%swap3A] {strides = array<i32>} : memref<80xi32, #tpu.memory_space<vmem>>, vector<16xi32>,
      %swap3A_78 = vector.shape_cast %swap3A_77 : vector<16xi32> to vector<16xi32>
      %swap3A_79 = vector.shape_cast %add3A_76 : vector<16xi32> to vector<16xi32>
      tpu.vector_store %arg12[%swap3A], %swap3A_79 {strides = array<i32>} : memref<80xi32, #tpu.memory_space<vmem>>, vector<16xi32>,
      %get3A_80 = arith.constant 16 : index
      %get3A_81 = tpu.vector_load %arg10[%get3A_80] {strides = array<i32>} : memref<80xi32, #tpu.memory_space<vmem>>, vector<16xi32>,
      %get3A_82 = vector.shape_cast %get3A_81 : vector<16xi32> to vector<16xi32>
      %mul3A_83 = arith.constant 2 : i32
      %mul3A_84 = vector.broadcast %mul3A_83 : i32 to vector<16xi32>
      %mul3A_85 = arith.muli %get3A_82, %mul3A_84 : vector<16xi32>
      %add3A_86 = vector.broadcast %arg0 : i32 to vector<16xi32>
      %add3A_87 = arith.addi %mul3A_85, %add3A_86 : vector<16xi32>
      %swap3A_88 = arith.constant 16 : index
      %swap3A_89 = tpu.vector_load %arg12[%swap3A_88] {strides = array<i32>} : memref<80xi32, #tpu.memory_space<vmem>>, vector<16xi32>,
      %swap3A_90 = vector.shape_cast %swap3A_89 : vector<16xi32> to vector<16xi32>
      %swap3A_91 = vector.shape_cast %add3A_87 : vector<16xi32> to vector<16xi32>
      tpu.vector_store %arg12[%swap3A_88], %swap3A_91 {strides = array<i32>} : memref<80xi32, #tpu.memory_space<vmem>>, vector<16xi32>,
      %get3A_92 = arith.constant 32 : index
      %get3A_93 = tpu.vector_load %arg10[%get3A_92] {strides = array<i32>} : memref<80xi32, #tpu.memory_space<vmem>>, vector<16xi32>,
      %get3A_94 = vector.shape_cast %get3A_93 : vector<16xi32> to vector<16xi32>
      %mul3A_95 = arith.constant 2 : i32
      %mul3A_96 = vector.broadcast %mul3A_95 : i32 to vector<16xi32>
      %mul3A_97 = arith.muli %get3A_94, %mul3A_96 : vector<16xi32>
      %add3A_98 = vector.broadcast %arg0 : i32 to vector<16xi32>
      %add3A_99 = arith.addi %mul3A_97, %add3A_98 : vector<16xi32>
      %swap3A_100 = arith.constant 32 : index
      %swap3A_101 = tpu.vector_load %arg12[%swap3A_100] {strides = array<i32>} : memref<80xi32, #tpu.memory_space<vmem>>, vector<16xi32>,
      %swap3A_102 = vector.shape_cast %swap3A_101 : vector<16xi32> to vector<16xi32>
      %swap3A_103 = vector.shape_cast %add3A_99 : vector<16xi32> to vector<16xi32>
      tpu.vector_store %arg12[%swap3A_100], %swap3A_103 {strides = array<i32>} : memref<80xi32, #tpu.memory_space<vmem>>, vector<16xi32>,
      %get3A_104 = arith.constant 48 : index
      %get3A_105 = tpu.vector_load %arg10[%get3A_104] {strides = array<i32>} : memref<80xi32, #tpu.memory_space<vmem>>, vector<16xi32>,
      %get3A_106 = vector.shape_cast %get3A_105 : vector<16xi32> to vector<16xi32>
      %mul3A_107 = arith.constant 2 : i32
      %mul3A_108 = vector.broadcast %mul3A_107 : i32 to vector<16xi32>
      %mul3A_109 = arith.muli %get3A_106, %mul3A_108 : vector<16xi32>
      %add3A_110 = vector.broadcast %arg0 : i32 to vector<16xi32>
      %add3A_111 = arith.addi %mul3A_109, %add3A_110 : vector<16xi32>
      %swap3A_112 = arith.constant 48 : index
      %swap3A_113 = tpu.vector_load %arg12[%swap3A_112] {strides = array<i32>} : memref<80xi32, #tpu.memory_space<vmem>>, vector<16xi32>,
      %swap3A_114 = vector.shape_cast %swap3A_113 : vector<16xi32> to vector<16xi32>
      %swap3A_115 = vector.shape_cast %add3A_111 : vector<16xi32> to vector<16xi32>
      tpu.vector_store %arg12[%swap3A_112], %swap3A_115 {strides = array<i32>} : memref<80xi32, #tpu.memory_space<vmem>>, vector<16xi32>,
      %get3A_116 = arith.constant 64 : index
      %get3A_117 = tpu.vector_load %arg10[%get3A_116] {strides = array<i32>} : memref<80xi32, #tpu.memory_space<vmem>>, vector<16xi32>,
      %get3A_118 = vector.shape_cast %get3A_117 : vector<16xi32> to vector<16xi32>
      %mul3A_119 = arith.constant 2 : i32
      %mul3A_120 = vector.broadcast %mul3A_119 : i32 to vector<16xi32>
      %mul3A_121 = arith.muli %get3A_118, %mul3A_120 : vector<16xi32>
      %add3A_122 = vector.broadcast %arg0 : i32 to vector<16xi32>
      %add3A_123 = arith.addi %mul3A_121, %add3A_122 : vector<16xi32>
      %swap3A_124 = arith.constant 64 : index
      %swap3A_125 = tpu.vector_load %arg12[%swap3A_124] {strides = array<i32>} : memref<80xi32, #tpu.memory_space<vmem>>, vector<16xi32>,
      %swap3A_126 = vector.shape_cast %swap3A_125 : vector<16xi32> to vector<16xi32>
      %swap3A_127 = vector.shape_cast %add3A_123 : vector<16xi32> to vector<16xi32>
      tpu.vector_store %arg12[%swap3A_124], %swap3A_127 {strides = array<i32>} : memref<80xi32, #tpu.memory_space<vmem>>, vector<16xi32>,
      %dma_start3A = arith.constant 0 : i32
      %dma_start3A_128 = arith.constant 0 : i32
      %dma_start3A_129 = tpu.memref_slice %arg2[%dma_start3A, %dma_start3A_128] : memref<50000x64xf32, #tpu.memory_space<hbm>> -> memref<50000x64xf32, #tpu.memory_space<hbm>>
      tpu.enqueue_indirect_dma source(%dma_start3A_129 : memref<50000x64xf32, #tpu.memory_space<hbm>>) target(%arg13 : memref<80x64xf32, #tpu.memory_space<vmem>>) offsets(%arg12 : memref<80xi32, #tpu.memory_space<vmem>>) semaphore(%arg15 : memref<!tpu.dma_semaphore, #tpu.memory_space<semaphore_mem>>)
      %dma_wait3A = arith.constant 0 : i32
      %dma_wait3A_130 = arith.constant 0 : i32
      %dma_wait3A_131 = tpu.memref_slice %arg2[%dma_wait3A, %dma_wait3A_130] : memref<50000x64xf32, #tpu.memory_space<hbm>> -> memref<50000x64xf32, #tpu.memory_space<hbm>>
      tpu.wait_indirect_dma semaphore(%arg15 : memref<!tpu.dma_semaphore, #tpu.memory_space<semaphore_mem>>) src(%dma_wait3A_131 : memref<50000x64xf32, #tpu.memory_space<hbm>>) dst(%arg13 : memref<80x64xf32, #tpu.memory_space<vmem>>)
      "tpu.region"() ({
        %run_scoped3A = tpu.sem_alloc : memref<!tpu.dma_semaphore, #tpu.memory_space<semaphore_mem>>
        %dma_start3A_133 = arith.constant 0 : i32
        %dma_start3A_134 = arith.constant 0 : i32
        %dma_start3A_135 = tpu.memref_slice %arg16[%dma_start3A_133, %dma_start3A_134] : memref<25088x64xf32, #tpu.memory_space<vmem_shared>> -> memref<25088x64xf32, #tpu.memory_space<vmem_shared>>
        tpu.enqueue_indirect_dma source(%arg13 : memref<80x64xf32, #tpu.memory_space<vmem>>) target(%dma_start3A_135 : memref<25088x64xf32, #tpu.memory_space<vmem_shared>>) offsets(%arg11 : memref<80xi32, #tpu.memory_space<vmem>>) semaphore(%run_scoped3A : memref<!tpu.dma_semaphore, #tpu.memory_space<semaphore_mem>>) {add = true}
        %dma_wait3A_136 = arith.constant 0 : i32
        %dma_wait3A_137 = arith.constant 0 : i32
        %dma_wait3A_138 = tpu.memref_slice %arg16[%dma_wait3A_136, %dma_wait3A_137] : memref<25088x64xf32, #tpu.memory_space<vmem_shared>> -> memref<25088x64xf32, #tpu.memory_space<vmem_shared>>
        tpu.wait_indirect_dma semaphore(%run_scoped3A : memref<!tpu.dma_semaphore, #tpu.memory_space<semaphore_mem>>) src(%arg13 : memref<80x64xf32, #tpu.memory_space<vmem>>) dst(%dma_wait3A_138 : memref<25088x64xf32, #tpu.memory_space<vmem_shared>>)
        tpu.yield
      }) : () -> ()
      %scan3A_132 = arith.constant 0 : i32
      scf.yield %scan3A_132 : i32
    }
    %scan3A_23 = arith.constant 392 : i32
    %barrier3A_24 = arith.constant 0 : index
    tpu.barrier barrier_id(%barrier3A_24)
    %scan3A_25 = arith.constant 0 : i32
    %scan3A_26 = arith.constant 0 : i32
    %scan3A_27 = arith.constant 14 : i32
    %scan3A_28 = arith.addi %scan3A_26, %scan3A_27 : i32
    %scan3A_29 = arith.constant 1 : i32
    %scan3A_30 = scf.for %scan3A_66 = %scan3A_26 to %scan3A_28 step %scan3A_29 iter_args(%scan3A_67 = %scan3A_25) -> (i32)  : i32 {
      %mul3A_68 = arith.constant 112 : i32
      %mul3A_69 = arith.muli %scan3A_66, %mul3A_68 : i32
      %add3A = arith.addi %mul3A_0, %mul3A_69 : i32
      "tpu.region"() ({
        %run_scoped3A = tpu.sem_alloc : memref<!tpu.dma_semaphore, #tpu.memory_space<semaphore_mem>>
        %dma_start3A = arith.constant 0 : i32
        %dma_start3A_71 = tpu.memref_slice %arg16[%add3A, %dma_start3A] : memref<25088x64xf32, #tpu.memory_space<vmem_shared>> -> memref<112x64xf32, #tpu.memory_space<vmem_shared>>
        %dma_start3A_72 = arith.constant 0 : i32
        %dma_start3A_73 = tpu.memref_slice %arg16[%add3A, %dma_start3A_72] : memref<25088x64xf32, #tpu.memory_space<vmem_shared>> -> memref<112x64xf32, #tpu.memory_space<vmem_shared>>
        tpu.enqueue_dma source(%dma_start3A_73 : memref<112x64xf32, #tpu.memory_space<vmem_shared>>) target(%arg14 : memref<112x64xf32, #tpu.memory_space<vmem>>) target_semaphore(%run_scoped3A : memref<!tpu.dma_semaphore, #tpu.memory_space<semaphore_mem>>)
        %dma_wait3A = arith.constant 0 : i32
        %dma_wait3A_74 = tpu.memref_slice %arg16[%add3A, %dma_wait3A] : memref<25088x64xf32, #tpu.memory_space<vmem_shared>> -> memref<112x64xf32, #tpu.memory_space<vmem_shared>>
        %dma_wait3A_75 = arith.constant 0 : i32
        %dma_wait3A_76 = tpu.memref_slice %arg16[%add3A, %dma_wait3A_75] : memref<25088x64xf32, #tpu.memory_space<vmem_shared>> -> memref<112x64xf32, #tpu.memory_space<vmem_shared>>
        tpu.wait_dma2 semaphore(%run_scoped3A : memref<!tpu.dma_semaphore, #tpu.memory_space<semaphore_mem>>) src(%dma_wait3A_76 : memref<112x64xf32, #tpu.memory_space<vmem_shared>>) dst(%arg14 : memref<112x64xf32, #tpu.memory_space<vmem>>)
        tpu.yield
      }) : () -> ()
      "tpu.region"() ({
        %run_scoped3A = tpu.sem_alloc : memref<!tpu.dma_semaphore, #tpu.memory_space<semaphore_mem>>
        %dma_start3A = arith.constant 0 : i32
        %dma_start3A_71 = tpu.memref_slice %arg8[%arg0, %add3A, %dma_start3A] : memref<2x25088x64xf32, #tpu.memory_space<hbm>> -> memref<1x112x64xf32, #tpu.memory_space<hbm>>
        %dma_start3A_72 = tpu.memref_squeeze %dma_start3A_71 : memref<1x112x64xf32, #tpu.memory_space<hbm>> -> memref<112x64xf32, #tpu.memory_space<hbm>>
        %dma_start3A_73 = arith.constant 0 : i32
        %dma_start3A_74 = tpu.memref_slice %arg8[%arg0, %add3A, %dma_start3A_73] : memref<2x25088x64xf32, #tpu.memory_space<hbm>> -> memref<1x112x64xf32, #tpu.memory_space<hbm>>
        %dma_start3A_75 = tpu.memref_squeeze %dma_start3A_74 : memref<1x112x64xf32, #tpu.memory_space<hbm>> -> memref<112x64xf32, #tpu.memory_space<hbm>>
        tpu.enqueue_dma source(%arg14 : memref<112x64xf32, #tpu.memory_space<vmem>>) target(%dma_start3A_75 : memref<112x64xf32, #tpu.memory_space<hbm>>) target_semaphore(%run_scoped3A : memref<!tpu.dma_semaphore, #tpu.memory_space<semaphore_mem>>)
        %dma_wait3A = arith.constant 0 : i32
        %dma_wait3A_76 = tpu.memref_slice %arg8[%arg0, %add3A, %dma_wait3A] : memref<2x25088x64xf32, #tpu.memory_space<hbm>> -> memref<1x112x64xf32, #tpu.memory_space<hbm>>
        %dma_wait3A_77 = tpu.memref_squeeze %dma_wait3A_76 : memref<1x112x64xf32, #tpu.memory_space<hbm>> -> memref<112x64xf32, #tpu.memory_space<hbm>>
        %dma_wait3A_78 = arith.constant 0 : i32
        %dma_wait3A_79 = tpu.memref_slice %arg8[%arg0, %add3A, %dma_wait3A_78] : memref<2x25088x64xf32, #tpu.memory_space<hbm>> -> memref<1x112x64xf32, #tpu.memory_space<hbm>>
        %dma_wait3A_80 = tpu.memref_squeeze %dma_wait3A_79 : memref<1x112x64xf32, #tpu.memory_space<hbm>> -> memref<112x64xf32, #tpu.memory_space<hbm>>
        tpu.wait_dma2 semaphore(%run_scoped3A : memref<!tpu.dma_semaphore, #tpu.memory_space<semaphore_mem>>) src(%arg14 : memref<112x64xf32, #tpu.memory_space<vmem>>) dst(%dma_wait3A_80 : memref<112x64xf32, #tpu.memory_space<hbm>>)
        tpu.yield
      }) : () -> ()
      %scan3A_70 = arith.constant 0 : i32
      scf.yield %scan3A_70 : i32
    }
    %scan3A_31 = arith.constant 14 : i32
    %barrier3A_32 = arith.constant 0 : index
    tpu.barrier barrier_id(%barrier3A_32)
    %scan3A_33 = arith.constant 0 : i32
    %scan3A_34 = arith.constant 0 : i32
    %scan3A_35 = arith.constant 112 : i32
    %scan3A_36 = arith.addi %scan3A_34, %scan3A_35 : i32
    %scan3A_37 = arith.constant 1 : i32
    %scan3A_38 = scf.for %scan3A_66 = %scan3A_34 to %scan3A_36 step %scan3A_37 iter_args(%scan3A_67 = %scan3A_33) -> (i32)  : i32 {
      %swap3A = arith.index_cast %scan3A_66 : i32 to index
      %swap3A_68 = arith.constant 0 : index
      %swap3A_69 = tpu.vector_load %arg14[%swap3A, %swap3A_68] {strides = array<i32>} : memref<112x64xf32, #tpu.memory_space<vmem>>, vector<1x16xf32>,
      %swap3A_70 = vector.shape_cast %swap3A_69 : vector<1x16xf32> to vector<16xf32>
      %swap3A_71 = vector.shape_cast %broadcast_in_dim3A_1 : vector<16xf32> to vector<1x16xf32>
      tpu.vector_store %arg14[%swap3A, %swap3A_68], %swap3A_71 {strides = array<i32>} : memref<112x64xf32, #tpu.memory_space<vmem>>, vector<1x16xf32>,
      %swap3A_72 = arith.index_cast %scan3A_66 : i32 to index
      %swap3A_73 = arith.constant 16 : index
      %swap3A_74 = tpu.vector_load %arg14[%swap3A_72, %swap3A_73] {strides = array<i32>} : memref<112x64xf32, #tpu.memory_space<vmem>>, vector<1x16xf32>,
      %swap3A_75 = vector.shape_cast %swap3A_74 : vector<1x16xf32> to vector<16xf32>
      %swap3A_76 = vector.shape_cast %broadcast_in_dim3A_1 : vector<16xf32> to vector<1x16xf32>
      tpu.vector_store %arg14[%swap3A_72, %swap3A_73], %swap3A_76 {strides = array<i32>} : memref<112x64xf32, #tpu.memory_space<vmem>>, vector<1x16xf32>,
      %swap3A_77 = arith.index_cast %scan3A_66 : i32 to index
      %swap3A_78 = arith.constant 32 : index
      %swap3A_79 = tpu.vector_load %arg14[%swap3A_77, %swap3A_78] {strides = array<i32>} : memref<112x64xf32, #tpu.memory_space<vmem>>, vector<1x16xf32>,
      %swap3A_80 = vector.shape_cast %swap3A_79 : vector<1x16xf32> to vector<16xf32>
      %swap3A_81 = vector.shape_cast %broadcast_in_dim3A_1 : vector<16xf32> to vector<1x16xf32>
      tpu.vector_store %arg14[%swap3A_77, %swap3A_78], %swap3A_81 {strides = array<i32>} : memref<112x64xf32, #tpu.memory_space<vmem>>, vector<1x16xf32>,
      %swap3A_82 = arith.index_cast %scan3A_66 : i32 to index
      %swap3A_83 = arith.constant 48 : index
      %swap3A_84 = tpu.vector_load %arg14[%swap3A_82, %swap3A_83] {strides = array<i32>} : memref<112x64xf32, #tpu.memory_space<vmem>>, vector<1x16xf32>,
      %swap3A_85 = vector.shape_cast %swap3A_84 : vector<1x16xf32> to vector<16xf32>
      %swap3A_86 = vector.shape_cast %broadcast_in_dim3A_1 : vector<16xf32> to vector<1x16xf32>
      tpu.vector_store %arg14[%swap3A_82, %swap3A_83], %swap3A_86 {strides = array<i32>} : memref<112x64xf32, #tpu.memory_space<vmem>>, vector<1x16xf32>,
      %scan3A_87 = arith.constant 0 : i32
      scf.yield %scan3A_87 : i32
    }
    %scan3A_39 = arith.constant 112 : i32
    %scan3A_40 = arith.constant 0 : i32
    %scan3A_41 = arith.constant 0 : i32
    %scan3A_42 = arith.constant 14 : i32
    %scan3A_43 = arith.addi %scan3A_41, %scan3A_42 : i32
    %scan3A_44 = arith.constant 1 : i32
    %scan3A_45 = scf.for %scan3A_66 = %scan3A_41 to %scan3A_43 step %scan3A_44 iter_args(%scan3A_67 = %scan3A_40) -> (i32)  : i32 {
      %mul3A_68 = arith.constant 112 : i32
      %mul3A_69 = arith.muli %scan3A_66, %mul3A_68 : i32
      %add3A = arith.addi %mul3A_0, %mul3A_69 : i32
      "tpu.region"() ({
        %run_scoped3A = tpu.sem_alloc : memref<!tpu.dma_semaphore, #tpu.memory_space<semaphore_mem>>
        %dma_start3A = arith.constant 0 : i32
        %dma_start3A_71 = tpu.memref_slice %arg16[%add3A, %dma_start3A] : memref<25088x64xf32, #tpu.memory_space<vmem_shared>> -> memref<112x64xf32, #tpu.memory_space<vmem_shared>>
        %dma_start3A_72 = arith.constant 0 : i32
        %dma_start3A_73 = tpu.memref_slice %arg16[%add3A, %dma_start3A_72] : memref<25088x64xf32, #tpu.memory_space<vmem_shared>> -> memref<112x64xf32, #tpu.memory_space<vmem_shared>>
        tpu.enqueue_dma source(%arg14 : memref<112x64xf32, #tpu.memory_space<vmem>>) target(%dma_start3A_73 : memref<112x64xf32, #tpu.memory_space<vmem_shared>>) target_semaphore(%run_scoped3A : memref<!tpu.dma_semaphore, #tpu.memory_space<semaphore_mem>>)
        %dma_wait3A = arith.constant 0 : i32
        %dma_wait3A_74 = tpu.memref_slice %arg16[%add3A, %dma_wait3A] : memref<25088x64xf32, #tpu.memory_space<vmem_shared>> -> memref<112x64xf32, #tpu.memory_space<vmem_shared>>
        %dma_wait3A_75 = arith.constant 0 : i32
        %dma_wait3A_76 = tpu.memref_slice %arg16[%add3A, %dma_wait3A_75] : memref<25088x64xf32, #tpu.memory_space<vmem_shared>> -> memref<112x64xf32, #tpu.memory_space<vmem_shared>>
        tpu.wait_dma2 semaphore(%run_scoped3A : memref<!tpu.dma_semaphore, #tpu.memory_space<semaphore_mem>>) src(%arg14 : memref<112x64xf32, #tpu.memory_space<vmem>>) dst(%dma_wait3A_76 : memref<112x64xf32, #tpu.memory_space<vmem_shared>>)
        tpu.yield
      }) : () -> ()
      %scan3A_70 = arith.constant 0 : i32
      scf.yield %scan3A_70 : i32
    }
    %scan3A_46 = arith.constant 14 : i32
    %barrier3A_47 = arith.constant 0 : index
    tpu.barrier barrier_id(%barrier3A_47)
    %mul3A_48 = arith.constant 31360 : i32
    %mul3A_49 = arith.muli %arg1, %mul3A_48 : i32
    %scan3A_50 = arith.constant 0 : i32
    %scan3A_51 = arith.constant 0 : i32
    %scan3A_52 = arith.constant 392 : i32
    %scan3A_53 = arith.addi %scan3A_51, %scan3A_52 : i32
    %scan3A_54 = arith.constant 1 : i32
    %scan3A_55 = scf.for %scan3A_66 = %scan3A_51 to %scan3A_53 step %scan3A_54 iter_args(%scan3A_67 = %scan3A_50) -> (i32)  : i32 {
      %mul3A_68 = arith.constant 80 : i32
      %mul3A_69 = arith.muli %scan3A_66, %mul3A_68 : i32
      %add3A = arith.addi %mul3A_49, %mul3A_69 : i32
      "tpu.region"() ({
        %run_scoped3A = tpu.sem_alloc : memref<!tpu.dma_semaphore, #tpu.memory_space<semaphore_mem>>
        %dma_start3A_133 = tpu.memref_slice %arg6[%add3A] : memref<501760xi32, #tpu.memory_space<hbm>> -> memref<80xi32, #tpu.memory_space<hbm>>
        %dma_start3A_134 = tpu.memref_slice %arg6[%add3A] : memref<501760xi32, #tpu.memory_space<hbm>> -> memref<80xi32, #tpu.memory_space<hbm>>
        tpu.enqueue_dma source(%dma_start3A_134 : memref<80xi32, #tpu.memory_space<hbm>>) target(%arg10 : memref<80xi32, #tpu.memory_space<vmem>>) target_semaphore(%run_scoped3A : memref<!tpu.dma_semaphore, #tpu.memory_space<semaphore_mem>>)
        %dma_wait3A_135 = tpu.memref_slice %arg6[%add3A] : memref<501760xi32, #tpu.memory_space<hbm>> -> memref<80xi32, #tpu.memory_space<hbm>>
        %dma_wait3A_136 = tpu.memref_slice %arg6[%add3A] : memref<501760xi32, #tpu.memory_space<hbm>> -> memref<80xi32, #tpu.memory_space<hbm>>
        tpu.wait_dma2 semaphore(%run_scoped3A : memref<!tpu.dma_semaphore, #tpu.memory_space<semaphore_mem>>) src(%dma_wait3A_136 : memref<80xi32, #tpu.memory_space<hbm>>) dst(%arg10 : memref<80xi32, #tpu.memory_space<vmem>>)
        tpu.yield
      }) : () -> ()
      "tpu.region"() ({
        %run_scoped3A = tpu.sem_alloc : memref<!tpu.dma_semaphore, #tpu.memory_space<semaphore_mem>>
        %dma_start3A_133 = tpu.memref_slice %arg7[%add3A] : memref<501760xi32, #tpu.memory_space<hbm>> -> memref<80xi32, #tpu.memory_space<hbm>>
        %dma_start3A_134 = tpu.memref_slice %arg7[%add3A] : memref<501760xi32, #tpu.memory_space<hbm>> -> memref<80xi32, #tpu.memory_space<hbm>>
        tpu.enqueue_dma source(%dma_start3A_134 : memref<80xi32, #tpu.memory_space<hbm>>) target(%arg11 : memref<80xi32, #tpu.memory_space<vmem>>) target_semaphore(%run_scoped3A : memref<!tpu.dma_semaphore, #tpu.memory_space<semaphore_mem>>)
        %dma_wait3A_135 = tpu.memref_slice %arg7[%add3A] : memref<501760xi32, #tpu.memory_space<hbm>> -> memref<80xi32, #tpu.memory_space<hbm>>
        %dma_wait3A_136 = tpu.memref_slice %arg7[%add3A] : memref<501760xi32, #tpu.memory_space<hbm>> -> memref<80xi32, #tpu.memory_space<hbm>>
        tpu.wait_dma2 semaphore(%run_scoped3A : memref<!tpu.dma_semaphore, #tpu.memory_space<semaphore_mem>>) src(%dma_wait3A_136 : memref<80xi32, #tpu.memory_space<hbm>>) dst(%arg11 : memref<80xi32, #tpu.memory_space<vmem>>)
        tpu.yield
      }) : () -> ()
      %get3A = arith.constant 0 : index
      %get3A_70 = tpu.vector_load %arg10[%get3A] {strides = array<i32>} : memref<80xi32, #tpu.memory_space<vmem>>, vector<16xi32>,
      %get3A_71 = vector.shape_cast %get3A_70 : vector<16xi32> to vector<16xi32>
      %mul3A_72 = arith.constant 2 : i32
      %mul3A_73 = vector.broadcast %mul3A_72 : i32 to vector<16xi32>
      %mul3A_74 = arith.muli %get3A_71, %mul3A_73 : vector<16xi32>
      %add3A_75 = vector.broadcast %arg0 : i32 to vector<16xi32>
      %add3A_76 = arith.addi %mul3A_74, %add3A_75 : vector<16xi32>
      %swap3A = arith.constant 0 : index
      %swap3A_77 = tpu.vector_load %arg12[%swap3A] {strides = array<i32>} : memref<80xi32, #tpu.memory_space<vmem>>, vector<16xi32>,
      %swap3A_78 = vector.shape_cast %swap3A_77 : vector<16xi32> to vector<16xi32>
      %swap3A_79 = vector.shape_cast %add3A_76 : vector<16xi32> to vector<16xi32>
      tpu.vector_store %arg12[%swap3A], %swap3A_79 {strides = array<i32>} : memref<80xi32, #tpu.memory_space<vmem>>, vector<16xi32>,
      %get3A_80 = arith.constant 16 : index
      %get3A_81 = tpu.vector_load %arg10[%get3A_80] {strides = array<i32>} : memref<80xi32, #tpu.memory_space<vmem>>, vector<16xi32>,
      %get3A_82 = vector.shape_cast %get3A_81 : vector<16xi32> to vector<16xi32>
      %mul3A_83 = arith.constant 2 : i32
      %mul3A_84 = vector.broadcast %mul3A_83 : i32 to vector<16xi32>
      %mul3A_85 = arith.muli %get3A_82, %mul3A_84 : vector<16xi32>
      %add3A_86 = vector.broadcast %arg0 : i32 to vector<16xi32>
      %add3A_87 = arith.addi %mul3A_85, %add3A_86 : vector<16xi32>
      %swap3A_88 = arith.constant 16 : index
      %swap3A_89 = tpu.vector_load %arg12[%swap3A_88] {strides = array<i32>} : memref<80xi32, #tpu.memory_space<vmem>>, vector<16xi32>,
      %swap3A_90 = vector.shape_cast %swap3A_89 : vector<16xi32> to vector<16xi32>
      %swap3A_91 = vector.shape_cast %add3A_87 : vector<16xi32> to vector<16xi32>
      tpu.vector_store %arg12[%swap3A_88], %swap3A_91 {strides = array<i32>} : memref<80xi32, #tpu.memory_space<vmem>>, vector<16xi32>,
      %get3A_92 = arith.constant 32 : index
      %get3A_93 = tpu.vector_load %arg10[%get3A_92] {strides = array<i32>} : memref<80xi32, #tpu.memory_space<vmem>>, vector<16xi32>,
      %get3A_94 = vector.shape_cast %get3A_93 : vector<16xi32> to vector<16xi32>
      %mul3A_95 = arith.constant 2 : i32
      %mul3A_96 = vector.broadcast %mul3A_95 : i32 to vector<16xi32>
      %mul3A_97 = arith.muli %get3A_94, %mul3A_96 : vector<16xi32>
      %add3A_98 = vector.broadcast %arg0 : i32 to vector<16xi32>
      %add3A_99 = arith.addi %mul3A_97, %add3A_98 : vector<16xi32>
      %swap3A_100 = arith.constant 32 : index
      %swap3A_101 = tpu.vector_load %arg12[%swap3A_100] {strides = array<i32>} : memref<80xi32, #tpu.memory_space<vmem>>, vector<16xi32>,
      %swap3A_102 = vector.shape_cast %swap3A_101 : vector<16xi32> to vector<16xi32>
      %swap3A_103 = vector.shape_cast %add3A_99 : vector<16xi32> to vector<16xi32>
      tpu.vector_store %arg12[%swap3A_100], %swap3A_103 {strides = array<i32>} : memref<80xi32, #tpu.memory_space<vmem>>, vector<16xi32>,
      %get3A_104 = arith.constant 48 : index
      %get3A_105 = tpu.vector_load %arg10[%get3A_104] {strides = array<i32>} : memref<80xi32, #tpu.memory_space<vmem>>, vector<16xi32>,
      %get3A_106 = vector.shape_cast %get3A_105 : vector<16xi32> to vector<16xi32>
      %mul3A_107 = arith.constant 2 : i32
      %mul3A_108 = vector.broadcast %mul3A_107 : i32 to vector<16xi32>
      %mul3A_109 = arith.muli %get3A_106, %mul3A_108 : vector<16xi32>
      %add3A_110 = vector.broadcast %arg0 : i32 to vector<16xi32>
      %add3A_111 = arith.addi %mul3A_109, %add3A_110 : vector<16xi32>
      %swap3A_112 = arith.constant 48 : index
      %swap3A_113 = tpu.vector_load %arg12[%swap3A_112] {strides = array<i32>} : memref<80xi32, #tpu.memory_space<vmem>>, vector<16xi32>,
      %swap3A_114 = vector.shape_cast %swap3A_113 : vector<16xi32> to vector<16xi32>
      %swap3A_115 = vector.shape_cast %add3A_111 : vector<16xi32> to vector<16xi32>
      tpu.vector_store %arg12[%swap3A_112], %swap3A_115 {strides = array<i32>} : memref<80xi32, #tpu.memory_space<vmem>>, vector<16xi32>,
      %get3A_116 = arith.constant 64 : index
      %get3A_117 = tpu.vector_load %arg10[%get3A_116] {strides = array<i32>} : memref<80xi32, #tpu.memory_space<vmem>>, vector<16xi32>,
      %get3A_118 = vector.shape_cast %get3A_117 : vector<16xi32> to vector<16xi32>
      %mul3A_119 = arith.constant 2 : i32
      %mul3A_120 = vector.broadcast %mul3A_119 : i32 to vector<16xi32>
      %mul3A_121 = arith.muli %get3A_118, %mul3A_120 : vector<16xi32>
      %add3A_122 = vector.broadcast %arg0 : i32 to vector<16xi32>
      %add3A_123 = arith.addi %mul3A_121, %add3A_122 : vector<16xi32>
      %swap3A_124 = arith.constant 64 : index
      %swap3A_125 = tpu.vector_load %arg12[%swap3A_124] {strides = array<i32>} : memref<80xi32, #tpu.memory_space<vmem>>, vector<16xi32>,
      %swap3A_126 = vector.shape_cast %swap3A_125 : vector<16xi32> to vector<16xi32>
      %swap3A_127 = vector.shape_cast %add3A_123 : vector<16xi32> to vector<16xi32>
      tpu.vector_store %arg12[%swap3A_124], %swap3A_127 {strides = array<i32>} : memref<80xi32, #tpu.memory_space<vmem>>, vector<16xi32>,
      %dma_start3A = arith.constant 0 : i32
      %dma_start3A_128 = arith.constant 0 : i32
      %dma_start3A_129 = tpu.memref_slice %arg5[%dma_start3A, %dma_start3A_128] : memref<50000x64xf32, #tpu.memory_space<hbm>> -> memref<50000x64xf32, #tpu.memory_space<hbm>>
      tpu.enqueue_indirect_dma source(%dma_start3A_129 : memref<50000x64xf32, #tpu.memory_space<hbm>>) target(%arg13 : memref<80x64xf32, #tpu.memory_space<vmem>>) offsets(%arg12 : memref<80xi32, #tpu.memory_space<vmem>>) semaphore(%arg15 : memref<!tpu.dma_semaphore, #tpu.memory_space<semaphore_mem>>)
      %dma_wait3A = arith.constant 0 : i32
      %dma_wait3A_130 = arith.constant 0 : i32
      %dma_wait3A_131 = tpu.memref_slice %arg5[%dma_wait3A, %dma_wait3A_130] : memref<50000x64xf32, #tpu.memory_space<hbm>> -> memref<50000x64xf32, #tpu.memory_space<hbm>>
      tpu.wait_indirect_dma semaphore(%arg15 : memref<!tpu.dma_semaphore, #tpu.memory_space<semaphore_mem>>) src(%dma_wait3A_131 : memref<50000x64xf32, #tpu.memory_space<hbm>>) dst(%arg13 : memref<80x64xf32, #tpu.memory_space<vmem>>)
      "tpu.region"() ({
        %run_scoped3A = tpu.sem_alloc : memref<!tpu.dma_semaphore, #tpu.memory_space<semaphore_mem>>
        %dma_start3A_133 = arith.constant 0 : i32
        %dma_start3A_134 = arith.constant 0 : i32
        %dma_start3A_135 = tpu.memref_slice %arg16[%dma_start3A_133, %dma_start3A_134] : memref<25088x64xf32, #tpu.memory_space<vmem_shared>> -> memref<25088x64xf32, #tpu.memory_space<vmem_shared>>
        tpu.enqueue_indirect_dma source(%arg13 : memref<80x64xf32, #tpu.memory_space<vmem>>) target(%dma_start3A_135 : memref<25088x64xf32, #tpu.memory_space<vmem_shared>>) offsets(%arg11 : memref<80xi32, #tpu.memory_space<vmem>>) semaphore(%run_scoped3A : memref<!tpu.dma_semaphore, #tpu.memory_space<semaphore_mem>>) {add = true}
        %dma_wait3A_136 = arith.constant 0 : i32
        %dma_wait3A_137 = arith.constant 0 : i32
        %dma_wait3A_138 = tpu.memref_slice %arg16[%dma_wait3A_136, %dma_wait3A_137] : memref<25088x64xf32, #tpu.memory_space<vmem_shared>> -> memref<25088x64xf32, #tpu.memory_space<vmem_shared>>
        tpu.wait_indirect_dma semaphore(%run_scoped3A : memref<!tpu.dma_semaphore, #tpu.memory_space<semaphore_mem>>) src(%arg13 : memref<80x64xf32, #tpu.memory_space<vmem>>) dst(%dma_wait3A_138 : memref<25088x64xf32, #tpu.memory_space<vmem_shared>>)
        tpu.yield
      }) : () -> ()
      %scan3A_132 = arith.constant 0 : i32
      scf.yield %scan3A_132 : i32
    }
    %scan3A_56 = arith.constant 392 : i32
    %barrier3A_57 = arith.constant 0 : index
    tpu.barrier barrier_id(%barrier3A_57)
    %scan3A_58 = arith.constant 0 : i32
    %scan3A_59 = arith.constant 0 : i32
    %scan3A_60 = arith.constant 14 : i32
    %scan3A_61 = arith.addi %scan3A_59, %scan3A_60 : i32
    %scan3A_62 = arith.constant 1 : i32
    %scan3A_63 = scf.for %scan3A_66 = %scan3A_59 to %scan3A_61 step %scan3A_62 iter_args(%scan3A_67 = %scan3A_58) -> (i32)  : i32 {
      %mul3A_68 = arith.constant 112 : i32
      %mul3A_69 = arith.muli %scan3A_66, %mul3A_68 : i32
      %add3A = arith.addi %mul3A_0, %mul3A_69 : i32
      "tpu.region"() ({
        %run_scoped3A = tpu.sem_alloc : memref<!tpu.dma_semaphore, #tpu.memory_space<semaphore_mem>>
        %dma_start3A = arith.constant 0 : i32
        %dma_start3A_71 = tpu.memref_slice %arg16[%add3A, %dma_start3A] : memref<25088x64xf32, #tpu.memory_space<vmem_shared>> -> memref<112x64xf32, #tpu.memory_space<vmem_shared>>
        %dma_start3A_72 = arith.constant 0 : i32
        %dma_start3A_73 = tpu.memref_slice %arg16[%add3A, %dma_start3A_72] : memref<25088x64xf32, #tpu.memory_space<vmem_shared>> -> memref<112x64xf32, #tpu.memory_space<vmem_shared>>
        tpu.enqueue_dma source(%dma_start3A_73 : memref<112x64xf32, #tpu.memory_space<vmem_shared>>) target(%arg14 : memref<112x64xf32, #tpu.memory_space<vmem>>) target_semaphore(%run_scoped3A : memref<!tpu.dma_semaphore, #tpu.memory_space<semaphore_mem>>)
        %dma_wait3A = arith.constant 0 : i32
        %dma_wait3A_74 = tpu.memref_slice %arg16[%add3A, %dma_wait3A] : memref<25088x64xf32, #tpu.memory_space<vmem_shared>> -> memref<112x64xf32, #tpu.memory_space<vmem_shared>>
        %dma_wait3A_75 = arith.constant 0 : i32
        %dma_wait3A_76 = tpu.memref_slice %arg16[%add3A, %dma_wait3A_75] : memref<25088x64xf32, #tpu.memory_space<vmem_shared>> -> memref<112x64xf32, #tpu.memory_space<vmem_shared>>
        tpu.wait_dma2 semaphore(%run_scoped3A : memref<!tpu.dma_semaphore, #tpu.memory_space<semaphore_mem>>) src(%dma_wait3A_76 : memref<112x64xf32, #tpu.memory_space<vmem_shared>>) dst(%arg14 : memref<112x64xf32, #tpu.memory_space<vmem>>)
        tpu.yield
      }) : () -> ()
      "tpu.region"() ({
        %run_scoped3A = tpu.sem_alloc : memref<!tpu.dma_semaphore, #tpu.memory_space<semaphore_mem>>
        %dma_start3A = arith.constant 0 : i32
        %dma_start3A_71 = tpu.memref_slice %arg9[%arg0, %add3A, %dma_start3A] : memref<2x25088x64xf32, #tpu.memory_space<hbm>> -> memref<1x112x64xf32, #tpu.memory_space<hbm>>
        %dma_start3A_72 = tpu.memref_squeeze %dma_start3A_71 : memref<1x112x64xf32, #tpu.memory_space<hbm>> -> memref<112x64xf32, #tpu.memory_space<hbm>>
        %dma_start3A_73 = arith.constant 0 : i32
        %dma_start3A_74 = tpu.memref_slice %arg9[%arg0, %add3A, %dma_start3A_73] : memref<2x25088x64xf32, #tpu.memory_space<hbm>> -> memref<1x112x64xf32, #tpu.memory_space<hbm>>
        %dma_start3A_75 = tpu.memref_squeeze %dma_start3A_74 : memref<1x112x64xf32, #tpu.memory_space<hbm>> -> memref<112x64xf32, #tpu.memory_space<hbm>>
        tpu.enqueue_dma source(%arg14 : memref<112x64xf32, #tpu.memory_space<vmem>>) target(%dma_start3A_75 : memref<112x64xf32, #tpu.memory_space<hbm>>) target_semaphore(%run_scoped3A : memref<!tpu.dma_semaphore, #tpu.memory_space<semaphore_mem>>)
        %dma_wait3A = arith.constant 0 : i32
        %dma_wait3A_76 = tpu.memref_slice %arg9[%arg0, %add3A, %dma_wait3A] : memref<2x25088x64xf32, #tpu.memory_space<hbm>> -> memref<1x112x64xf32, #tpu.memory_space<hbm>>
        %dma_wait3A_77 = tpu.memref_squeeze %dma_wait3A_76 : memref<1x112x64xf32, #tpu.memory_space<hbm>> -> memref<112x64xf32, #tpu.memory_space<hbm>>
        %dma_wait3A_78 = arith.constant 0 : i32
        %dma_wait3A_79 = tpu.memref_slice %arg9[%arg0, %add3A, %dma_wait3A_78] : memref<2x25088x64xf32, #tpu.memory_space<hbm>> -> memref<1x112x64xf32, #tpu.memory_space<hbm>>
        %dma_wait3A_80 = tpu.memref_squeeze %dma_wait3A_79 : memref<1x112x64xf32, #tpu.memory_space<hbm>> -> memref<112x64xf32, #tpu.memory_space<hbm>>
        tpu.wait_dma2 semaphore(%run_scoped3A : memref<!tpu.dma_semaphore, #tpu.memory_space<semaphore_mem>>) src(%arg14 : memref<112x64xf32, #tpu.memory_space<vmem>>) dst(%dma_wait3A_80 : memref<112x64xf32, #tpu.memory_space<hbm>>)
        tpu.yield
      }) : () -> ()
      %scan3A_70 = arith.constant 0 : i32
      scf.yield %scan3A_70 : i32
    }
    %scan3A_64 = arith.constant 14 : i32
    %barrier3A_65 = arith.constant 0 : index
    tpu.barrier barrier_id(%barrier3A_65)
    return
  }
}

#map = affine_map<(d0, d1) -> (0)>
#map1 = affine_map<(d0, d1) -> (0, 0)>
module attributes {stable_mosaic.version = 14 : i64} {
  func.func @body(%arg0: i32, %arg1: i32, %arg2: memref<501760xi32, #tpu.memory_space<hbm>>, %arg3: memref<501760xi32, #tpu.memory_space<hbm>>, %arg4: memref<25088x16xf32, #tpu.memory_space<hbm>>, %arg5: memref<25088x16xf32, #tpu.memory_space<hbm>>, %arg6: memref<80xi32, #tpu.memory_space<vmem>>, %arg7: memref<80x16xf32, #tpu.memory_space<vmem>>, %arg8: memref<112x16xf32, #tpu.memory_space<vmem>>, %arg9: memref<112x16xf32, #tpu.memory_space<vmem>>, %arg10: memref<25088x16xf32, #tpu.memory_space<vmem_shared>>) attributes {dimension_semantics = [#tpu.dimension_semantics<core_parallel>, #tpu.dimension_semantics<subcore_parallel>], iteration_bounds = array<i64: 2, 16>, scalar_prefetch = 0 : i64, scratch_operands = 5 : i64, tpu.core_type = #tpu.core_type<sc_vector_subcore>, window_params = [{transform_indices = #map}, {transform_indices = #map}, {transform_indices = #map1}, {transform_indices = #map1}]} {
    %mul3A = arith.constant 1568 : i32
    %mul3A_0 = arith.muli %arg1, %mul3A : i32
    %broadcast_in_dim3A = arith.constant 0.000000e+00 : f32
    %broadcast_in_dim3A_1 = vector.broadcast %broadcast_in_dim3A : f32 to vector<16xf32>
    %broadcast_in_dim3A_2 = arith.constant 1.000000e+00 : f32
    %broadcast_in_dim3A_3 = vector.broadcast %broadcast_in_dim3A_2 : f32 to vector<16xf32>
    %scan3A = arith.constant 0 : i32
    %scan3A_4 = arith.constant 0 : i32
    %scan3A_5 = arith.constant 112 : i32
    %scan3A_6 = arith.addi %scan3A_4, %scan3A_5 : i32
    %scan3A_7 = arith.constant 1 : i32
    %scan3A_8 = scf.for %scan3A_24 = %scan3A_4 to %scan3A_6 step %scan3A_7 iter_args(%scan3A_25 = %scan3A) -> (i32)  : i32 {
      %swap3A = arith.index_cast %scan3A_24 : i32 to index
      %swap3A_26 = arith.constant 0 : index
      %swap3A_27 = tpu.vector_load %arg8[%swap3A, %swap3A_26] {strides = array<i32>} : memref<112x16xf32, #tpu.memory_space<vmem>>, vector<1x16xf32>,
      %swap3A_28 = vector.shape_cast %swap3A_27 : vector<1x16xf32> to vector<16xf32>
      %swap3A_29 = vector.shape_cast %broadcast_in_dim3A_1 : vector<16xf32> to vector<1x16xf32>
      tpu.vector_store %arg8[%swap3A, %swap3A_26], %swap3A_29 {strides = array<i32>} : memref<112x16xf32, #tpu.memory_space<vmem>>, vector<1x16xf32>,
      %scan3A_30 = arith.constant 0 : i32
      scf.yield %scan3A_30 : i32
    }
    %scan3A_9 = arith.constant 112 : i32
    %scan3A_10 = arith.constant 0 : i32
    %scan3A_11 = arith.constant 0 : i32
    %scan3A_12 = arith.constant 80 : i32
    %scan3A_13 = arith.addi %scan3A_11, %scan3A_12 : i32
    %scan3A_14 = arith.constant 1 : i32
    %scan3A_15 = scf.for %scan3A_24 = %scan3A_11 to %scan3A_13 step %scan3A_14 iter_args(%scan3A_25 = %scan3A_10) -> (i32)  : i32 {
      %swap3A = arith.index_cast %scan3A_24 : i32 to index
      %swap3A_26 = arith.constant 0 : index
      %swap3A_27 = tpu.vector_load %arg7[%swap3A, %swap3A_26] {strides = array<i32>} : memref<80x16xf32, #tpu.memory_space<vmem>>, vector<1x16xf32>,
      %swap3A_28 = vector.shape_cast %swap3A_27 : vector<1x16xf32> to vector<16xf32>
      %swap3A_29 = vector.shape_cast %broadcast_in_dim3A_3 : vector<16xf32> to vector<1x16xf32>
      tpu.vector_store %arg7[%swap3A, %swap3A_26], %swap3A_29 {strides = array<i32>} : memref<80x16xf32, #tpu.memory_space<vmem>>, vector<1x16xf32>,
      %scan3A_30 = arith.constant 0 : i32
      scf.yield %scan3A_30 : i32
    }
    %scan3A_16 = arith.constant 80 : i32
    %eq3A = arith.constant 0 : i32
    %eq3A_17 = arith.cmpi eq, %arg0, %eq3A : i32
    %convert_element_type3A = arith.extui %eq3A_17 : i1 to i32
    %cond3A = arith.constant 0 : i32
    %cond3A_18 = arith.cmpi ne, %convert_element_type3A, %cond3A : i32
    scf.if %cond3A_18 {
      %scan3A_24 = arith.constant 0 : i32
      %scan3A_25 = arith.constant 0 : i32
      %scan3A_26 = arith.constant 14 : i32
      %scan3A_27 = arith.addi %scan3A_25, %scan3A_26 : i32
      %scan3A_28 = arith.constant 1 : i32
      %scan3A_29 = scf.for %scan3A_48 = %scan3A_25 to %scan3A_27 step %scan3A_28 iter_args(%scan3A_49 = %scan3A_24) -> (i32)  : i32 {
        %mul3A_50 = arith.constant 112 : i32
        %mul3A_51 = arith.muli %scan3A_48, %mul3A_50 : i32
        %add3A = arith.addi %mul3A_0, %mul3A_51 : i32
        "tpu.region"() ({
          %run_scoped3A = tpu.sem_alloc : memref<!tpu.dma_semaphore, #tpu.memory_space<semaphore_mem>>
          %dma_start3A = arith.constant 0 : i32
          %dma_start3A_53 = tpu.memref_slice %arg10[%add3A, %dma_start3A] : memref<25088x16xf32, #tpu.memory_space<vmem_shared>> -> memref<112x16xf32, #tpu.memory_space<vmem_shared>>
          %dma_start3A_54 = arith.constant 0 : i32
          %dma_start3A_55 = tpu.memref_slice %arg10[%add3A, %dma_start3A_54] : memref<25088x16xf32, #tpu.memory_space<vmem_shared>> -> memref<112x16xf32, #tpu.memory_space<vmem_shared>>
          tpu.enqueue_dma source(%arg8 : memref<112x16xf32, #tpu.memory_space<vmem>>) target(%dma_start3A_55 : memref<112x16xf32, #tpu.memory_space<vmem_shared>>) target_semaphore(%run_scoped3A : memref<!tpu.dma_semaphore, #tpu.memory_space<semaphore_mem>>)
          %dma_wait3A = arith.constant 0 : i32
          %dma_wait3A_56 = tpu.memref_slice %arg10[%add3A, %dma_wait3A] : memref<25088x16xf32, #tpu.memory_space<vmem_shared>> -> memref<112x16xf32, #tpu.memory_space<vmem_shared>>
          %dma_wait3A_57 = arith.constant 0 : i32
          %dma_wait3A_58 = tpu.memref_slice %arg10[%add3A, %dma_wait3A_57] : memref<25088x16xf32, #tpu.memory_space<vmem_shared>> -> memref<112x16xf32, #tpu.memory_space<vmem_shared>>
          tpu.wait_dma2 semaphore(%run_scoped3A : memref<!tpu.dma_semaphore, #tpu.memory_space<semaphore_mem>>) src(%arg8 : memref<112x16xf32, #tpu.memory_space<vmem>>) dst(%dma_wait3A_58 : memref<112x16xf32, #tpu.memory_space<vmem_shared>>)
          tpu.yield
        }) : () -> ()
        %scan3A_52 = arith.constant 0 : i32
        scf.yield %scan3A_52 : i32
      }
      %scan3A_30 = arith.constant 14 : i32
      %barrier3A = arith.constant 0 : index
      tpu.barrier barrier_id(%barrier3A)
      %mul3A_31 = arith.constant 31360 : i32
      %mul3A_32 = arith.muli %arg1, %mul3A_31 : i32
      %scan3A_33 = arith.constant 0 : i32
      %scan3A_34 = arith.constant 0 : i32
      %scan3A_35 = arith.constant 392 : i32
      %scan3A_36 = arith.addi %scan3A_34, %scan3A_35 : i32
      %scan3A_37 = arith.constant 1 : i32
      %scan3A_38 = scf.for %scan3A_48 = %scan3A_34 to %scan3A_36 step %scan3A_37 iter_args(%scan3A_49 = %scan3A_33) -> (i32)  : i32 {
        %mul3A_50 = arith.constant 80 : i32
        %mul3A_51 = arith.muli %scan3A_48, %mul3A_50 : i32
        %add3A = arith.addi %mul3A_32, %mul3A_51 : i32
        "tpu.region"() ({
          %run_scoped3A = tpu.sem_alloc : memref<!tpu.dma_semaphore, #tpu.memory_space<semaphore_mem>>
          %dma_start3A = tpu.memref_slice %arg2[%add3A] : memref<501760xi32, #tpu.memory_space<hbm>> -> memref<80xi32, #tpu.memory_space<hbm>>
          %dma_start3A_53 = tpu.memref_slice %arg2[%add3A] : memref<501760xi32, #tpu.memory_space<hbm>> -> memref<80xi32, #tpu.memory_space<hbm>>
          tpu.enqueue_dma source(%dma_start3A_53 : memref<80xi32, #tpu.memory_space<hbm>>) target(%arg6 : memref<80xi32, #tpu.memory_space<vmem>>) target_semaphore(%run_scoped3A : memref<!tpu.dma_semaphore, #tpu.memory_space<semaphore_mem>>)
          %dma_wait3A = tpu.memref_slice %arg2[%add3A] : memref<501760xi32, #tpu.memory_space<hbm>> -> memref<80xi32, #tpu.memory_space<hbm>>
          %dma_wait3A_54 = tpu.memref_slice %arg2[%add3A] : memref<501760xi32, #tpu.memory_space<hbm>> -> memref<80xi32, #tpu.memory_space<hbm>>
          tpu.wait_dma2 semaphore(%run_scoped3A : memref<!tpu.dma_semaphore, #tpu.memory_space<semaphore_mem>>) src(%dma_wait3A_54 : memref<80xi32, #tpu.memory_space<hbm>>) dst(%arg6 : memref<80xi32, #tpu.memory_space<vmem>>)
          tpu.yield
        }) : () -> ()
        "tpu.region"() ({
          %run_scoped3A = tpu.sem_alloc : memref<!tpu.dma_semaphore, #tpu.memory_space<semaphore_mem>>
          %dma_start3A = arith.constant 0 : i32
          %dma_start3A_53 = arith.constant 0 : i32
          %dma_start3A_54 = tpu.memref_slice %arg10[%dma_start3A, %dma_start3A_53] : memref<25088x16xf32, #tpu.memory_space<vmem_shared>> -> memref<25088x16xf32, #tpu.memory_space<vmem_shared>>
          tpu.enqueue_indirect_dma source(%arg7 : memref<80x16xf32, #tpu.memory_space<vmem>>) target(%dma_start3A_54 : memref<25088x16xf32, #tpu.memory_space<vmem_shared>>) offsets(%arg6 : memref<80xi32, #tpu.memory_space<vmem>>) semaphore(%run_scoped3A : memref<!tpu.dma_semaphore, #tpu.memory_space<semaphore_mem>>) {add = true}
          %dma_wait3A = arith.constant 0 : i32
          %dma_wait3A_55 = arith.constant 0 : i32
          %dma_wait3A_56 = tpu.memref_slice %arg10[%dma_wait3A, %dma_wait3A_55] : memref<25088x16xf32, #tpu.memory_space<vmem_shared>> -> memref<25088x16xf32, #tpu.memory_space<vmem_shared>>
          tpu.wait_indirect_dma semaphore(%run_scoped3A : memref<!tpu.dma_semaphore, #tpu.memory_space<semaphore_mem>>) src(%arg7 : memref<80x16xf32, #tpu.memory_space<vmem>>) dst(%dma_wait3A_56 : memref<25088x16xf32, #tpu.memory_space<vmem_shared>>)
          tpu.yield
        }) : () -> ()
        %scan3A_52 = arith.constant 0 : i32
        scf.yield %scan3A_52 : i32
      }
      %scan3A_39 = arith.constant 392 : i32
      %barrier3A_40 = arith.constant 0 : index
      tpu.barrier barrier_id(%barrier3A_40)
      %scan3A_41 = arith.constant 0 : i32
      %scan3A_42 = arith.constant 0 : i32
      %scan3A_43 = arith.constant 14 : i32
      %scan3A_44 = arith.addi %scan3A_42, %scan3A_43 : i32
      %scan3A_45 = arith.constant 1 : i32
      %scan3A_46 = scf.for %scan3A_48 = %scan3A_42 to %scan3A_44 step %scan3A_45 iter_args(%scan3A_49 = %scan3A_41) -> (i32)  : i32 {
        %mul3A_50 = arith.constant 112 : i32
        %mul3A_51 = arith.muli %scan3A_48, %mul3A_50 : i32
        %add3A = arith.addi %mul3A_0, %mul3A_51 : i32
        "tpu.region"() ({
          %run_scoped3A = tpu.sem_alloc : memref<!tpu.dma_semaphore, #tpu.memory_space<semaphore_mem>>
          %dma_start3A = arith.constant 0 : i32
          %dma_start3A_53 = tpu.memref_slice %arg10[%add3A, %dma_start3A] : memref<25088x16xf32, #tpu.memory_space<vmem_shared>> -> memref<112x16xf32, #tpu.memory_space<vmem_shared>>
          %dma_start3A_54 = arith.constant 0 : i32
          %dma_start3A_55 = tpu.memref_slice %arg10[%add3A, %dma_start3A_54] : memref<25088x16xf32, #tpu.memory_space<vmem_shared>> -> memref<112x16xf32, #tpu.memory_space<vmem_shared>>
          tpu.enqueue_dma source(%dma_start3A_55 : memref<112x16xf32, #tpu.memory_space<vmem_shared>>) target(%arg9 : memref<112x16xf32, #tpu.memory_space<vmem>>) target_semaphore(%run_scoped3A : memref<!tpu.dma_semaphore, #tpu.memory_space<semaphore_mem>>)
          %dma_wait3A = arith.constant 0 : i32
          %dma_wait3A_56 = tpu.memref_slice %arg10[%add3A, %dma_wait3A] : memref<25088x16xf32, #tpu.memory_space<vmem_shared>> -> memref<112x16xf32, #tpu.memory_space<vmem_shared>>
          %dma_wait3A_57 = arith.constant 0 : i32
          %dma_wait3A_58 = tpu.memref_slice %arg10[%add3A, %dma_wait3A_57] : memref<25088x16xf32, #tpu.memory_space<vmem_shared>> -> memref<112x16xf32, #tpu.memory_space<vmem_shared>>
          tpu.wait_dma2 semaphore(%run_scoped3A : memref<!tpu.dma_semaphore, #tpu.memory_space<semaphore_mem>>) src(%dma_wait3A_58 : memref<112x16xf32, #tpu.memory_space<vmem_shared>>) dst(%arg9 : memref<112x16xf32, #tpu.memory_space<vmem>>)
          tpu.yield
        }) : () -> ()
        "tpu.region"() ({
          %run_scoped3A = tpu.sem_alloc : memref<!tpu.dma_semaphore, #tpu.memory_space<semaphore_mem>>
          %dma_start3A = arith.constant 0 : i32
          %dma_start3A_53 = tpu.memref_slice %arg4[%add3A, %dma_start3A] : memref<25088x16xf32, #tpu.memory_space<hbm>> -> memref<112x16xf32, #tpu.memory_space<hbm>>
          %dma_start3A_54 = arith.constant 0 : i32
          %dma_start3A_55 = tpu.memref_slice %arg4[%add3A, %dma_start3A_54] : memref<25088x16xf32, #tpu.memory_space<hbm>> -> memref<112x16xf32, #tpu.memory_space<hbm>>
          tpu.enqueue_dma source(%arg9 : memref<112x16xf32, #tpu.memory_space<vmem>>) target(%dma_start3A_55 : memref<112x16xf32, #tpu.memory_space<hbm>>) target_semaphore(%run_scoped3A : memref<!tpu.dma_semaphore, #tpu.memory_space<semaphore_mem>>)
          %dma_wait3A = arith.constant 0 : i32
          %dma_wait3A_56 = tpu.memref_slice %arg4[%add3A, %dma_wait3A] : memref<25088x16xf32, #tpu.memory_space<hbm>> -> memref<112x16xf32, #tpu.memory_space<hbm>>
          %dma_wait3A_57 = arith.constant 0 : i32
          %dma_wait3A_58 = tpu.memref_slice %arg4[%add3A, %dma_wait3A_57] : memref<25088x16xf32, #tpu.memory_space<hbm>> -> memref<112x16xf32, #tpu.memory_space<hbm>>
          tpu.wait_dma2 semaphore(%run_scoped3A : memref<!tpu.dma_semaphore, #tpu.memory_space<semaphore_mem>>) src(%arg9 : memref<112x16xf32, #tpu.memory_space<vmem>>) dst(%dma_wait3A_58 : memref<112x16xf32, #tpu.memory_space<hbm>>)
          tpu.yield
        }) : () -> ()
        %scan3A_52 = arith.constant 0 : i32
        scf.yield %scan3A_52 : i32
      }
      %scan3A_47 = arith.constant 14 : i32
    } else {
    }
    %eq3A_19 = arith.constant 1 : i32
    %eq3A_20 = arith.cmpi eq, %arg0, %eq3A_19 : i32
    %convert_element_type3A_21 = arith.extui %eq3A_20 : i1 to i32
    %cond3A_22 = arith.constant 0 : i32
    %cond3A_23 = arith.cmpi ne, %convert_element_type3A_21, %cond3A_22 : i32
    scf.if %cond3A_23 {
      %scan3A_24 = arith.constant 0 : i32
      %scan3A_25 = arith.constant 0 : i32
      %scan3A_26 = arith.constant 14 : i32
      %scan3A_27 = arith.addi %scan3A_25, %scan3A_26 : i32
      %scan3A_28 = arith.constant 1 : i32
      %scan3A_29 = scf.for %scan3A_48 = %scan3A_25 to %scan3A_27 step %scan3A_28 iter_args(%scan3A_49 = %scan3A_24) -> (i32)  : i32 {
        %mul3A_50 = arith.constant 112 : i32
        %mul3A_51 = arith.muli %scan3A_48, %mul3A_50 : i32
        %add3A = arith.addi %mul3A_0, %mul3A_51 : i32
        "tpu.region"() ({
          %run_scoped3A = tpu.sem_alloc : memref<!tpu.dma_semaphore, #tpu.memory_space<semaphore_mem>>
          %dma_start3A = arith.constant 0 : i32
          %dma_start3A_53 = tpu.memref_slice %arg10[%add3A, %dma_start3A] : memref<25088x16xf32, #tpu.memory_space<vmem_shared>> -> memref<112x16xf32, #tpu.memory_space<vmem_shared>>
          %dma_start3A_54 = arith.constant 0 : i32
          %dma_start3A_55 = tpu.memref_slice %arg10[%add3A, %dma_start3A_54] : memref<25088x16xf32, #tpu.memory_space<vmem_shared>> -> memref<112x16xf32, #tpu.memory_space<vmem_shared>>
          tpu.enqueue_dma source(%arg8 : memref<112x16xf32, #tpu.memory_space<vmem>>) target(%dma_start3A_55 : memref<112x16xf32, #tpu.memory_space<vmem_shared>>) target_semaphore(%run_scoped3A : memref<!tpu.dma_semaphore, #tpu.memory_space<semaphore_mem>>)
          %dma_wait3A = arith.constant 0 : i32
          %dma_wait3A_56 = tpu.memref_slice %arg10[%add3A, %dma_wait3A] : memref<25088x16xf32, #tpu.memory_space<vmem_shared>> -> memref<112x16xf32, #tpu.memory_space<vmem_shared>>
          %dma_wait3A_57 = arith.constant 0 : i32
          %dma_wait3A_58 = tpu.memref_slice %arg10[%add3A, %dma_wait3A_57] : memref<25088x16xf32, #tpu.memory_space<vmem_shared>> -> memref<112x16xf32, #tpu.memory_space<vmem_shared>>
          tpu.wait_dma2 semaphore(%run_scoped3A : memref<!tpu.dma_semaphore, #tpu.memory_space<semaphore_mem>>) src(%arg8 : memref<112x16xf32, #tpu.memory_space<vmem>>) dst(%dma_wait3A_58 : memref<112x16xf32, #tpu.memory_space<vmem_shared>>)
          tpu.yield
        }) : () -> ()
        %scan3A_52 = arith.constant 0 : i32
        scf.yield %scan3A_52 : i32
      }
      %scan3A_30 = arith.constant 14 : i32
      %barrier3A = arith.constant 0 : index
      tpu.barrier barrier_id(%barrier3A)
      %mul3A_31 = arith.constant 31360 : i32
      %mul3A_32 = arith.muli %arg1, %mul3A_31 : i32
      %scan3A_33 = arith.constant 0 : i32
      %scan3A_34 = arith.constant 0 : i32
      %scan3A_35 = arith.constant 392 : i32
      %scan3A_36 = arith.addi %scan3A_34, %scan3A_35 : i32
      %scan3A_37 = arith.constant 1 : i32
      %scan3A_38 = scf.for %scan3A_48 = %scan3A_34 to %scan3A_36 step %scan3A_37 iter_args(%scan3A_49 = %scan3A_33) -> (i32)  : i32 {
        %mul3A_50 = arith.constant 80 : i32
        %mul3A_51 = arith.muli %scan3A_48, %mul3A_50 : i32
        %add3A = arith.addi %mul3A_32, %mul3A_51 : i32
        "tpu.region"() ({
          %run_scoped3A = tpu.sem_alloc : memref<!tpu.dma_semaphore, #tpu.memory_space<semaphore_mem>>
          %dma_start3A = tpu.memref_slice %arg3[%add3A] : memref<501760xi32, #tpu.memory_space<hbm>> -> memref<80xi32, #tpu.memory_space<hbm>>
          %dma_start3A_53 = tpu.memref_slice %arg3[%add3A] : memref<501760xi32, #tpu.memory_space<hbm>> -> memref<80xi32, #tpu.memory_space<hbm>>
          tpu.enqueue_dma source(%dma_start3A_53 : memref<80xi32, #tpu.memory_space<hbm>>) target(%arg6 : memref<80xi32, #tpu.memory_space<vmem>>) target_semaphore(%run_scoped3A : memref<!tpu.dma_semaphore, #tpu.memory_space<semaphore_mem>>)
          %dma_wait3A = tpu.memref_slice %arg3[%add3A] : memref<501760xi32, #tpu.memory_space<hbm>> -> memref<80xi32, #tpu.memory_space<hbm>>
          %dma_wait3A_54 = tpu.memref_slice %arg3[%add3A] : memref<501760xi32, #tpu.memory_space<hbm>> -> memref<80xi32, #tpu.memory_space<hbm>>
          tpu.wait_dma2 semaphore(%run_scoped3A : memref<!tpu.dma_semaphore, #tpu.memory_space<semaphore_mem>>) src(%dma_wait3A_54 : memref<80xi32, #tpu.memory_space<hbm>>) dst(%arg6 : memref<80xi32, #tpu.memory_space<vmem>>)
          tpu.yield
        }) : () -> ()
        "tpu.region"() ({
          %run_scoped3A = tpu.sem_alloc : memref<!tpu.dma_semaphore, #tpu.memory_space<semaphore_mem>>
          %dma_start3A = arith.constant 0 : i32
          %dma_start3A_53 = arith.constant 0 : i32
          %dma_start3A_54 = tpu.memref_slice %arg10[%dma_start3A, %dma_start3A_53] : memref<25088x16xf32, #tpu.memory_space<vmem_shared>> -> memref<25088x16xf32, #tpu.memory_space<vmem_shared>>
          tpu.enqueue_indirect_dma source(%arg7 : memref<80x16xf32, #tpu.memory_space<vmem>>) target(%dma_start3A_54 : memref<25088x16xf32, #tpu.memory_space<vmem_shared>>) offsets(%arg6 : memref<80xi32, #tpu.memory_space<vmem>>) semaphore(%run_scoped3A : memref<!tpu.dma_semaphore, #tpu.memory_space<semaphore_mem>>) {add = true}
          %dma_wait3A = arith.constant 0 : i32
          %dma_wait3A_55 = arith.constant 0 : i32
          %dma_wait3A_56 = tpu.memref_slice %arg10[%dma_wait3A, %dma_wait3A_55] : memref<25088x16xf32, #tpu.memory_space<vmem_shared>> -> memref<25088x16xf32, #tpu.memory_space<vmem_shared>>
          tpu.wait_indirect_dma semaphore(%run_scoped3A : memref<!tpu.dma_semaphore, #tpu.memory_space<semaphore_mem>>) src(%arg7 : memref<80x16xf32, #tpu.memory_space<vmem>>) dst(%dma_wait3A_56 : memref<25088x16xf32, #tpu.memory_space<vmem_shared>>)
          tpu.yield
        }) : () -> ()
        %scan3A_52 = arith.constant 0 : i32
        scf.yield %scan3A_52 : i32
      }
      %scan3A_39 = arith.constant 392 : i32
      %barrier3A_40 = arith.constant 0 : index
      tpu.barrier barrier_id(%barrier3A_40)
      %scan3A_41 = arith.constant 0 : i32
      %scan3A_42 = arith.constant 0 : i32
      %scan3A_43 = arith.constant 14 : i32
      %scan3A_44 = arith.addi %scan3A_42, %scan3A_43 : i32
      %scan3A_45 = arith.constant 1 : i32
      %scan3A_46 = scf.for %scan3A_48 = %scan3A_42 to %scan3A_44 step %scan3A_45 iter_args(%scan3A_49 = %scan3A_41) -> (i32)  : i32 {
        %mul3A_50 = arith.constant 112 : i32
        %mul3A_51 = arith.muli %scan3A_48, %mul3A_50 : i32
        %add3A = arith.addi %mul3A_0, %mul3A_51 : i32
        "tpu.region"() ({
          %run_scoped3A = tpu.sem_alloc : memref<!tpu.dma_semaphore, #tpu.memory_space<semaphore_mem>>
          %dma_start3A = arith.constant 0 : i32
          %dma_start3A_53 = tpu.memref_slice %arg10[%add3A, %dma_start3A] : memref<25088x16xf32, #tpu.memory_space<vmem_shared>> -> memref<112x16xf32, #tpu.memory_space<vmem_shared>>
          %dma_start3A_54 = arith.constant 0 : i32
          %dma_start3A_55 = tpu.memref_slice %arg10[%add3A, %dma_start3A_54] : memref<25088x16xf32, #tpu.memory_space<vmem_shared>> -> memref<112x16xf32, #tpu.memory_space<vmem_shared>>
          tpu.enqueue_dma source(%dma_start3A_55 : memref<112x16xf32, #tpu.memory_space<vmem_shared>>) target(%arg9 : memref<112x16xf32, #tpu.memory_space<vmem>>) target_semaphore(%run_scoped3A : memref<!tpu.dma_semaphore, #tpu.memory_space<semaphore_mem>>)
          %dma_wait3A = arith.constant 0 : i32
          %dma_wait3A_56 = tpu.memref_slice %arg10[%add3A, %dma_wait3A] : memref<25088x16xf32, #tpu.memory_space<vmem_shared>> -> memref<112x16xf32, #tpu.memory_space<vmem_shared>>
          %dma_wait3A_57 = arith.constant 0 : i32
          %dma_wait3A_58 = tpu.memref_slice %arg10[%add3A, %dma_wait3A_57] : memref<25088x16xf32, #tpu.memory_space<vmem_shared>> -> memref<112x16xf32, #tpu.memory_space<vmem_shared>>
          tpu.wait_dma2 semaphore(%run_scoped3A : memref<!tpu.dma_semaphore, #tpu.memory_space<semaphore_mem>>) src(%dma_wait3A_58 : memref<112x16xf32, #tpu.memory_space<vmem_shared>>) dst(%arg9 : memref<112x16xf32, #tpu.memory_space<vmem>>)
          tpu.yield
        }) : () -> ()
        "tpu.region"() ({
          %run_scoped3A = tpu.sem_alloc : memref<!tpu.dma_semaphore, #tpu.memory_space<semaphore_mem>>
          %dma_start3A = arith.constant 0 : i32
          %dma_start3A_53 = tpu.memref_slice %arg5[%add3A, %dma_start3A] : memref<25088x16xf32, #tpu.memory_space<hbm>> -> memref<112x16xf32, #tpu.memory_space<hbm>>
          %dma_start3A_54 = arith.constant 0 : i32
          %dma_start3A_55 = tpu.memref_slice %arg5[%add3A, %dma_start3A_54] : memref<25088x16xf32, #tpu.memory_space<hbm>> -> memref<112x16xf32, #tpu.memory_space<hbm>>
          tpu.enqueue_dma source(%arg9 : memref<112x16xf32, #tpu.memory_space<vmem>>) target(%dma_start3A_55 : memref<112x16xf32, #tpu.memory_space<hbm>>) target_semaphore(%run_scoped3A : memref<!tpu.dma_semaphore, #tpu.memory_space<semaphore_mem>>)
          %dma_wait3A = arith.constant 0 : i32
          %dma_wait3A_56 = tpu.memref_slice %arg5[%add3A, %dma_wait3A] : memref<25088x16xf32, #tpu.memory_space<hbm>> -> memref<112x16xf32, #tpu.memory_space<hbm>>
          %dma_wait3A_57 = arith.constant 0 : i32
          %dma_wait3A_58 = tpu.memref_slice %arg5[%add3A, %dma_wait3A_57] : memref<25088x16xf32, #tpu.memory_space<hbm>> -> memref<112x16xf32, #tpu.memory_space<hbm>>
          tpu.wait_dma2 semaphore(%run_scoped3A : memref<!tpu.dma_semaphore, #tpu.memory_space<semaphore_mem>>) src(%arg9 : memref<112x16xf32, #tpu.memory_space<vmem>>) dst(%dma_wait3A_58 : memref<112x16xf32, #tpu.memory_space<hbm>>)
          tpu.yield
        }) : () -> ()
        %scan3A_52 = arith.constant 0 : i32
        scf.yield %scan3A_52 : i32
      }
      %scan3A_47 = arith.constant 14 : i32
    } else {
    }
    return
  }
}

module attributes {stable_mosaic.version = 14 : i64} {
  func.func @_proj_body(%arg0: i32, %arg1: memref<1000x128xf32, #tpu.memory_space<vmem>>, %arg2: memref<1000x16xf32, #tpu.memory_space<vmem>>, %arg3: memref<128x128xf32, #tpu.memory_space<vmem>>, %arg4: memref<128x16xf32, #tpu.memory_space<vmem>>, %arg5: memref<1x128xf32, #tpu.memory_space<vmem>>, %arg6: memref<1000x128xf32, #tpu.memory_space<vmem>>) attributes {dimension_semantics = [#tpu.dimension_semantics<arbitrary>], iteration_bounds = array<i64: 25>, scalar_prefetch = 0 : i64, scratch_operands = 0 : i64, tpu.core_type = #tpu.core_type<tc>, window_params = [{transform_indices = @transform_0, window_bounds = array<i64: 1000, 128>}, {transform_indices = @transform_1, window_bounds = array<i64: 1000, 16>}, {pipeline_mode = #tpu.pipeline_mode<synchronous>, transform_indices = @transform_2, window_bounds = array<i64: 128, 128>}, {pipeline_mode = #tpu.pipeline_mode<synchronous>, transform_indices = @transform_3, window_bounds = array<i64: 128, 16>}, {pipeline_mode = #tpu.pipeline_mode<synchronous>, transform_indices = @transform_4, window_bounds = array<i64: 1, 128>}, {transform_indices = @transform_5, window_bounds = array<i64: 1000, 128>}]} {
    %get3A = arith.constant 0 : index
    %get3A_0 = arith.constant 0 : index
    %get3A_1 = vector.load %arg1[%get3A, %get3A_0] : memref<1000x128xf32, #tpu.memory_space<vmem>>, vector<1000x128xf32>
    %get3A_2 = arith.constant 0 : index
    %get3A_3 = arith.constant 0 : index
    %get3A_4 = vector.load %arg3[%get3A_2, %get3A_3] : memref<128x128xf32, #tpu.memory_space<vmem>>, vector<128x128xf32>
    %dot_general3A = arith.constant dense<0.000000e+00> : vector<1000x128xf32>
    %dot_general3A_5 = tpu.matmul %get3A_1, %get3A_4, %dot_general3A {dimension_numbers = #tpu.dot_dimension_numbers<[1], [1], [0], [0], [0, 0, 1, 0], [], []>, transpose_lhs_hint = false} : vector<1000x128xf32>, vector<128x128xf32>, vector<1000x128xf32> -> vector<1000x128xf32>
    %get3A_6 = arith.constant 0 : index
    %get3A_7 = arith.constant 0 : index
    %get3A_8 = vector.load %arg2[%get3A_6, %get3A_7] : memref<1000x16xf32, #tpu.memory_space<vmem>>, vector<1000x16xf32>
    %get3A_9 = arith.constant 0 : index
    %get3A_10 = arith.constant 0 : index
    %get3A_11 = vector.load %arg4[%get3A_9, %get3A_10] : memref<128x16xf32, #tpu.memory_space<vmem>>, vector<128x16xf32>
    %dot_general3A_12 = arith.constant dense<0.000000e+00> : vector<1000x128xf32>
    %dot_general3A_13 = tpu.matmul %get3A_8, %get3A_11, %dot_general3A_12 {dimension_numbers = #tpu.dot_dimension_numbers<[1], [1], [0], [0], [0, 0, 1, 0], [], []>, transpose_lhs_hint = false} : vector<1000x16xf32>, vector<128x16xf32>, vector<1000x128xf32> -> vector<1000x128xf32>
    %add3A = arith.addf %dot_general3A_5, %dot_general3A_13 : vector<1000x128xf32>
    %get3A_14 = arith.constant 0 : index
    %get3A_15 = arith.constant 0 : index
    %get3A_16 = vector.load %arg5[%get3A_14, %get3A_15] : memref<1x128xf32, #tpu.memory_space<vmem>>, vector<1x128xf32>
    %add3A_17 = vector.broadcast %get3A_16 : vector<1x128xf32> to vector<1000x128xf32>
    %add3A_18 = arith.addf %add3A, %add3A_17 : vector<1000x128xf32>
    %swap3A = arith.constant 0 : index
    %swap3A_19 = arith.constant 0 : index
    %swap3A_20 = vector.load %arg6[%swap3A, %swap3A_19] : memref<1000x128xf32, #tpu.memory_space<vmem>>, vector<1000x128xf32>
    tpu.vector_store %arg6[%swap3A, %swap3A_19], %add3A_18 {strides = array<i32>} : memref<1000x128xf32, #tpu.memory_space<vmem>>, vector<1000x128xf32>,
    return
  }
  func.func @transform_0(%arg0: i32) -> (i32, i32) {
    %c0_i32 = arith.constant 0 : i32
    %c0_i32_0 = arith.constant 0 : i32
    return %arg0, %c0_i32 : i32, i32
  }
  func.func @transform_1(%arg0: i32) -> (i32, i32) {
    %c0_i32 = arith.constant 0 : i32
    %c0_i32_0 = arith.constant 0 : i32
    return %arg0, %c0_i32 : i32, i32
  }
  func.func @transform_2(%arg0: i32) -> (i32, i32) {
    %c0_i32 = arith.constant 0 : i32
    %c0_i32_0 = arith.constant 0 : i32
    %c0_i32_1 = arith.constant 0 : i32
    return %c0_i32, %c0_i32_0 : i32, i32
  }
  func.func @transform_3(%arg0: i32) -> (i32, i32) {
    %c0_i32 = arith.constant 0 : i32
    %c0_i32_0 = arith.constant 0 : i32
    %c0_i32_1 = arith.constant 0 : i32
    return %c0_i32, %c0_i32_0 : i32, i32
  }
  func.func @transform_4(%arg0: i32) -> (i32, i32) {
    %c0_i32 = arith.constant 0 : i32
    %c0_i32_0 = arith.constant 0 : i32
    %c0_i32_1 = arith.constant 0 : i32
    return %c0_i32, %c0_i32_0 : i32, i32
  }
  func.func @transform_5(%arg0: i32) -> (i32, i32) {
    %c0_i32 = arith.constant 0 : i32
    %c0_i32_0 = arith.constant 0 : i32
    return %arg0, %c0_i32 : i32, i32
  }
}

module attributes {stable_mosaic.version = 14 : i64} {
  func.func @_combine_body(%arg0: i32, %arg1: memref<1x1000x64xf32, #tpu.memory_space<vmem>>, %arg2: memref<1x1000x64xf32, #tpu.memory_space<vmem>>, %arg3: memref<1000x16xf32, #tpu.memory_space<vmem>>, %arg4: memref<1000x128xf32, #tpu.memory_space<vmem>>, %arg5: memref<128x64xf32, #tpu.memory_space<vmem>>, %arg6: memref<128x64xf32, #tpu.memory_space<vmem>>, %arg7: memref<128x128xf32, #tpu.memory_space<vmem>>, %arg8: memref<1x128xf32, #tpu.memory_space<vmem>>, %arg9: memref<1000x128xf32, #tpu.memory_space<vmem>>) attributes {dimension_semantics = [#tpu.dimension_semantics<arbitrary>], iteration_bounds = array<i64: 25>, scalar_prefetch = 0 : i64, scratch_operands = 0 : i64, tpu.core_type = #tpu.core_type<tc>, window_params = [{transform_indices = @transform_0, window_bounds = array<i64: 1, 1000, 64>}, {transform_indices = @transform_1, window_bounds = array<i64: 1, 1000, 64>}, {transform_indices = @transform_2, window_bounds = array<i64: 1000, 16>}, {transform_indices = @transform_3, window_bounds = array<i64: 1000, 128>}, {pipeline_mode = #tpu.pipeline_mode<synchronous>, transform_indices = @transform_4, window_bounds = array<i64: 128, 64>}, {pipeline_mode = #tpu.pipeline_mode<synchronous>, transform_indices = @transform_5, window_bounds = array<i64: 128, 64>}, {pipeline_mode = #tpu.pipeline_mode<synchronous>, transform_indices = @transform_6, window_bounds = array<i64: 128, 128>}, {pipeline_mode = #tpu.pipeline_mode<synchronous>, transform_indices = @transform_7, window_bounds = array<i64: 1, 128>}, {transform_indices = @transform_8, window_bounds = array<i64: 1000, 128>}]} {
    %get3A = arith.constant 0 : index
    %get3A_0 = arith.constant 0 : index
    %get3A_1 = vector.load %arg3[%get3A, %get3A_0] : memref<1000x16xf32, #tpu.memory_space<vmem>>, vector<1000x16xf32>
    %slice3A = vector.extract_strided_slice %get3A_1 {offsets = [0, 0], sizes = [1000, 1], strides = [1, 1]} : vector<1000x16xf32> to vector<1000x1xf32>
    %max3A = arith.constant 1.000000e+00 : f32
    %max3A_2 = vector.broadcast %max3A : f32 to vector<1000x1xf32>
    %max3A_3 = arith.maximumf %slice3A, %max3A_2 : vector<1000x1xf32>
    %div3A = arith.constant 1.000000e+00 : f32
    %div3A_4 = vector.broadcast %div3A : f32 to vector<1000x1xf32>
    %div3A_5 = arith.divf %div3A_4, %max3A_3 : vector<1000x1xf32>
    %get3A_6 = arith.constant 0 : index
    %get3A_7 = arith.constant 0 : index
    %get3A_8 = arith.constant 0 : index
    %get3A_9 = vector.load %arg1[%get3A_6, %get3A_7, %get3A_8] : memref<1x1000x64xf32, #tpu.memory_space<vmem>>, vector<1x1000x64xf32>
    %get3A_10 = vector.shape_cast %get3A_9 : vector<1x1000x64xf32> to vector<1000x64xf32>
    %mul3A = vector.broadcast %div3A_5 : vector<1000x1xf32> to vector<1000x64xf32>
    %mul3A_11 = arith.mulf %get3A_10, %mul3A : vector<1000x64xf32>
    %get3A_12 = arith.constant 0 : index
    %get3A_13 = arith.constant 0 : index
    %get3A_14 = vector.load %arg5[%get3A_12, %get3A_13] : memref<128x64xf32, #tpu.memory_space<vmem>>, vector<128x64xf32>
    %dot_general3A = arith.constant dense<0.000000e+00> : vector<1000x128xf32>
    %dot_general3A_15 = tpu.matmul %mul3A_11, %get3A_14, %dot_general3A {dimension_numbers = #tpu.dot_dimension_numbers<[1], [1], [0], [0], [0, 0, 1, 0], [], []>, transpose_lhs_hint = false} : vector<1000x64xf32>, vector<128x64xf32>, vector<1000x128xf32> -> vector<1000x128xf32>
    %get3A_16 = arith.constant 0 : index
    %get3A_17 = arith.constant 0 : index
    %get3A_18 = arith.constant 0 : index
    %get3A_19 = vector.load %arg2[%get3A_16, %get3A_17, %get3A_18] : memref<1x1000x64xf32, #tpu.memory_space<vmem>>, vector<1x1000x64xf32>
    %get3A_20 = vector.shape_cast %get3A_19 : vector<1x1000x64xf32> to vector<1000x64xf32>
    %mul3A_21 = vector.broadcast %div3A_5 : vector<1000x1xf32> to vector<1000x64xf32>
    %mul3A_22 = arith.mulf %get3A_20, %mul3A_21 : vector<1000x64xf32>
    %get3A_23 = arith.constant 0 : index
    %get3A_24 = arith.constant 0 : index
    %get3A_25 = vector.load %arg6[%get3A_23, %get3A_24] : memref<128x64xf32, #tpu.memory_space<vmem>>, vector<128x64xf32>
    %dot_general3A_26 = arith.constant dense<0.000000e+00> : vector<1000x128xf32>
    %dot_general3A_27 = tpu.matmul %mul3A_22, %get3A_25, %dot_general3A_26 {dimension_numbers = #tpu.dot_dimension_numbers<[1], [1], [0], [0], [0, 0, 1, 0], [], []>, transpose_lhs_hint = false} : vector<1000x64xf32>, vector<128x64xf32>, vector<1000x128xf32> -> vector<1000x128xf32>
    %add3A = arith.addf %dot_general3A_15, %dot_general3A_27 : vector<1000x128xf32>
    %get3A_28 = arith.constant 0 : index
    %get3A_29 = arith.constant 0 : index
    %get3A_30 = vector.load %arg4[%get3A_28, %get3A_29] : memref<1000x128xf32, #tpu.memory_space<vmem>>, vector<1000x128xf32>
    %get3A_31 = arith.constant 0 : index
    %get3A_32 = arith.constant 0 : index
    %get3A_33 = vector.load %arg7[%get3A_31, %get3A_32] : memref<128x128xf32, #tpu.memory_space<vmem>>, vector<128x128xf32>
    %dot_general3A_34 = arith.constant dense<0.000000e+00> : vector<1000x128xf32>
    %dot_general3A_35 = tpu.matmul %get3A_30, %get3A_33, %dot_general3A_34 {dimension_numbers = #tpu.dot_dimension_numbers<[1], [1], [0], [0], [0, 0, 1, 0], [], []>, transpose_lhs_hint = false} : vector<1000x128xf32>, vector<128x128xf32>, vector<1000x128xf32> -> vector<1000x128xf32>
    %add3A_36 = arith.addf %add3A, %dot_general3A_35 : vector<1000x128xf32>
    %get3A_37 = arith.constant 0 : index
    %get3A_38 = arith.constant 0 : index
    %get3A_39 = vector.load %arg8[%get3A_37, %get3A_38] : memref<1x128xf32, #tpu.memory_space<vmem>>, vector<1x128xf32>
    %add3A_40 = vector.broadcast %get3A_39 : vector<1x128xf32> to vector<1000x128xf32>
    %add3A_41 = arith.addf %add3A_36, %add3A_40 : vector<1000x128xf32>
    %max3A_42 = arith.constant 0.000000e+00 : f32
    %max3A_43 = vector.broadcast %max3A_42 : f32 to vector<1000x128xf32>
    %max3A_44 = arith.maximumf %add3A_41, %max3A_43 : vector<1000x128xf32>
    %swap3A = arith.constant 0 : index
    %swap3A_45 = arith.constant 0 : index
    %swap3A_46 = vector.load %arg9[%swap3A, %swap3A_45] : memref<1000x128xf32, #tpu.memory_space<vmem>>, vector<1000x128xf32>
    tpu.vector_store %arg9[%swap3A, %swap3A_45], %max3A_44 {strides = array<i32>} : memref<1000x128xf32, #tpu.memory_space<vmem>>, vector<1000x128xf32>,
    return
  }
  func.func @transform_0(%arg0: i32) -> (i32, i32, i32) {
    %c0_i32 = arith.constant 0 : i32
    %c0_i32_0 = arith.constant 0 : i32
    %c0_i32_1 = arith.constant 0 : i32
    return %c0_i32, %arg0, %c0_i32_0 : i32, i32, i32
  }
  func.func @transform_1(%arg0: i32) -> (i32, i32, i32) {
    %c1_i32 = arith.constant 1 : i32
    %c0_i32 = arith.constant 0 : i32
    %c0_i32_0 = arith.constant 0 : i32
    return %c1_i32, %arg0, %c0_i32 : i32, i32, i32
  }
  func.func @transform_2(%arg0: i32) -> (i32, i32) {
    %c0_i32 = arith.constant 0 : i32
    %c0_i32_0 = arith.constant 0 : i32
    return %arg0, %c0_i32 : i32, i32
  }
  func.func @transform_3(%arg0: i32) -> (i32, i32) {
    %c0_i32 = arith.constant 0 : i32
    %c0_i32_0 = arith.constant 0 : i32
    return %arg0, %c0_i32 : i32, i32
  }
  func.func @transform_4(%arg0: i32) -> (i32, i32) {
    %c0_i32 = arith.constant 0 : i32
    %c0_i32_0 = arith.constant 0 : i32
    %c0_i32_1 = arith.constant 0 : i32
    return %c0_i32, %c0_i32_0 : i32, i32
  }
  func.func @transform_5(%arg0: i32) -> (i32, i32) {
    %c0_i32 = arith.constant 0 : i32
    %c0_i32_0 = arith.constant 0 : i32
    %c0_i32_1 = arith.constant 0 : i32
    return %c0_i32, %c0_i32_0 : i32, i32
  }
  func.func @transform_6(%arg0: i32) -> (i32, i32) {
    %c0_i32 = arith.constant 0 : i32
    %c0_i32_0 = arith.constant 0 : i32
    %c0_i32_1 = arith.constant 0 : i32
    return %c0_i32, %c0_i32_0 : i32, i32
  }
  func.func @transform_7(%arg0: i32) -> (i32, i32) {
    %c0_i32 = arith.constant 0 : i32
    %c0_i32_0 = arith.constant 0 : i32
    %c0_i32_1 = arith.constant 0 : i32
    return %c0_i32, %c0_i32_0 : i32, i32
  }
  func.func @transform_8(%arg0: i32) -> (i32, i32) {
    %c0_i32 = arith.constant 0 : i32
    %c0_i32_0 = arith.constant 0 : i32
    return %arg0, %c0_i32 : i32, i32
  }
}

module attributes {stable_mosaic.version = 14 : i64} {
  func.func @_combine_body(%arg0: i32, %arg1: memref<1x1000x64xf32, #tpu.memory_space<vmem>>, %arg2: memref<1x1000x64xf32, #tpu.memory_space<vmem>>, %arg3: memref<1000x16xf32, #tpu.memory_space<vmem>>, %arg4: memref<1000x128xf32, #tpu.memory_space<vmem>>, %arg5: memref<128x64xf32, #tpu.memory_space<vmem>>, %arg6: memref<128x64xf32, #tpu.memory_space<vmem>>, %arg7: memref<128x128xf32, #tpu.memory_space<vmem>>, %arg8: memref<1x128xf32, #tpu.memory_space<vmem>>, %arg9: memref<1000x128xf32, #tpu.memory_space<vmem>>) attributes {dimension_semantics = [#tpu.dimension_semantics<arbitrary>], iteration_bounds = array<i64: 25>, scalar_prefetch = 0 : i64, scratch_operands = 0 : i64, tpu.core_type = #tpu.core_type<tc>, window_params = [{transform_indices = @transform_0, window_bounds = array<i64: 1, 1000, 64>}, {transform_indices = @transform_1, window_bounds = array<i64: 1, 1000, 64>}, {transform_indices = @transform_2, window_bounds = array<i64: 1000, 16>}, {transform_indices = @transform_3, window_bounds = array<i64: 1000, 128>}, {pipeline_mode = #tpu.pipeline_mode<synchronous>, transform_indices = @transform_4, window_bounds = array<i64: 128, 64>}, {pipeline_mode = #tpu.pipeline_mode<synchronous>, transform_indices = @transform_5, window_bounds = array<i64: 128, 64>}, {pipeline_mode = #tpu.pipeline_mode<synchronous>, transform_indices = @transform_6, window_bounds = array<i64: 128, 128>}, {pipeline_mode = #tpu.pipeline_mode<synchronous>, transform_indices = @transform_7, window_bounds = array<i64: 1, 128>}, {transform_indices = @transform_8, window_bounds = array<i64: 1000, 128>}]} {
    %get3A = arith.constant 0 : index
    %get3A_0 = arith.constant 0 : index
    %get3A_1 = vector.load %arg3[%get3A, %get3A_0] : memref<1000x16xf32, #tpu.memory_space<vmem>>, vector<1000x16xf32>
    %slice3A = vector.extract_strided_slice %get3A_1 {offsets = [0, 0], sizes = [1000, 1], strides = [1, 1]} : vector<1000x16xf32> to vector<1000x1xf32>
    %max3A = arith.constant 1.000000e+00 : f32
    %max3A_2 = vector.broadcast %max3A : f32 to vector<1000x1xf32>
    %max3A_3 = arith.maximumf %slice3A, %max3A_2 : vector<1000x1xf32>
    %div3A = arith.constant 1.000000e+00 : f32
    %div3A_4 = vector.broadcast %div3A : f32 to vector<1000x1xf32>
    %div3A_5 = arith.divf %div3A_4, %max3A_3 : vector<1000x1xf32>
    %get3A_6 = arith.constant 0 : index
    %get3A_7 = arith.constant 0 : index
    %get3A_8 = arith.constant 0 : index
    %get3A_9 = vector.load %arg1[%get3A_6, %get3A_7, %get3A_8] : memref<1x1000x64xf32, #tpu.memory_space<vmem>>, vector<1x1000x64xf32>
    %get3A_10 = vector.shape_cast %get3A_9 : vector<1x1000x64xf32> to vector<1000x64xf32>
    %mul3A = vector.broadcast %div3A_5 : vector<1000x1xf32> to vector<1000x64xf32>
    %mul3A_11 = arith.mulf %get3A_10, %mul3A : vector<1000x64xf32>
    %get3A_12 = arith.constant 0 : index
    %get3A_13 = arith.constant 0 : index
    %get3A_14 = vector.load %arg5[%get3A_12, %get3A_13] : memref<128x64xf32, #tpu.memory_space<vmem>>, vector<128x64xf32>
    %dot_general3A = arith.constant dense<0.000000e+00> : vector<1000x128xf32>
    %dot_general3A_15 = tpu.matmul %mul3A_11, %get3A_14, %dot_general3A {dimension_numbers = #tpu.dot_dimension_numbers<[1], [1], [0], [0], [0, 0, 1, 0], [], []>, transpose_lhs_hint = false} : vector<1000x64xf32>, vector<128x64xf32>, vector<1000x128xf32> -> vector<1000x128xf32>
    %get3A_16 = arith.constant 0 : index
    %get3A_17 = arith.constant 0 : index
    %get3A_18 = arith.constant 0 : index
    %get3A_19 = vector.load %arg2[%get3A_16, %get3A_17, %get3A_18] : memref<1x1000x64xf32, #tpu.memory_space<vmem>>, vector<1x1000x64xf32>
    %get3A_20 = vector.shape_cast %get3A_19 : vector<1x1000x64xf32> to vector<1000x64xf32>
    %mul3A_21 = vector.broadcast %div3A_5 : vector<1000x1xf32> to vector<1000x64xf32>
    %mul3A_22 = arith.mulf %get3A_20, %mul3A_21 : vector<1000x64xf32>
    %get3A_23 = arith.constant 0 : index
    %get3A_24 = arith.constant 0 : index
    %get3A_25 = vector.load %arg6[%get3A_23, %get3A_24] : memref<128x64xf32, #tpu.memory_space<vmem>>, vector<128x64xf32>
    %dot_general3A_26 = arith.constant dense<0.000000e+00> : vector<1000x128xf32>
    %dot_general3A_27 = tpu.matmul %mul3A_22, %get3A_25, %dot_general3A_26 {dimension_numbers = #tpu.dot_dimension_numbers<[1], [1], [0], [0], [0, 0, 1, 0], [], []>, transpose_lhs_hint = false} : vector<1000x64xf32>, vector<128x64xf32>, vector<1000x128xf32> -> vector<1000x128xf32>
    %add3A = arith.addf %dot_general3A_15, %dot_general3A_27 : vector<1000x128xf32>
    %get3A_28 = arith.constant 0 : index
    %get3A_29 = arith.constant 0 : index
    %get3A_30 = vector.load %arg4[%get3A_28, %get3A_29] : memref<1000x128xf32, #tpu.memory_space<vmem>>, vector<1000x128xf32>
    %get3A_31 = arith.constant 0 : index
    %get3A_32 = arith.constant 0 : index
    %get3A_33 = vector.load %arg7[%get3A_31, %get3A_32] : memref<128x128xf32, #tpu.memory_space<vmem>>, vector<128x128xf32>
    %dot_general3A_34 = arith.constant dense<0.000000e+00> : vector<1000x128xf32>
    %dot_general3A_35 = tpu.matmul %get3A_30, %get3A_33, %dot_general3A_34 {dimension_numbers = #tpu.dot_dimension_numbers<[1], [1], [0], [0], [0, 0, 1, 0], [], []>, transpose_lhs_hint = false} : vector<1000x128xf32>, vector<128x128xf32>, vector<1000x128xf32> -> vector<1000x128xf32>
    %add3A_36 = arith.addf %add3A, %dot_general3A_35 : vector<1000x128xf32>
    %get3A_37 = arith.constant 0 : index
    %get3A_38 = arith.constant 0 : index
    %get3A_39 = vector.load %arg8[%get3A_37, %get3A_38] : memref<1x128xf32, #tpu.memory_space<vmem>>, vector<1x128xf32>
    %add3A_40 = vector.broadcast %get3A_39 : vector<1x128xf32> to vector<1000x128xf32>
    %add3A_41 = arith.addf %add3A_36, %add3A_40 : vector<1000x128xf32>
    %swap3A = arith.constant 0 : index
    %swap3A_42 = arith.constant 0 : index
    %swap3A_43 = vector.load %arg9[%swap3A, %swap3A_42] : memref<1000x128xf32, #tpu.memory_space<vmem>>, vector<1000x128xf32>
    tpu.vector_store %arg9[%swap3A, %swap3A_42], %add3A_41 {strides = array<i32>} : memref<1000x128xf32, #tpu.memory_space<vmem>>, vector<1000x128xf32>,
    return
  }
  func.func @transform_0(%arg0: i32) -> (i32, i32, i32) {
    %c0_i32 = arith.constant 0 : i32
    %c0_i32_0 = arith.constant 0 : i32
    %c0_i32_1 = arith.constant 0 : i32
    return %c0_i32, %arg0, %c0_i32_0 : i32, i32, i32
  }
  func.func @transform_1(%arg0: i32) -> (i32, i32, i32) {
    %c1_i32 = arith.constant 1 : i32
    %c0_i32 = arith.constant 0 : i32
    %c0_i32_0 = arith.constant 0 : i32
    return %c1_i32, %arg0, %c0_i32 : i32, i32, i32
  }
  func.func @transform_2(%arg0: i32) -> (i32, i32) {
    %c0_i32 = arith.constant 0 : i32
    %c0_i32_0 = arith.constant 0 : i32
    return %arg0, %c0_i32 : i32, i32
  }
  func.func @transform_3(%arg0: i32) -> (i32, i32) {
    %c0_i32 = arith.constant 0 : i32
    %c0_i32_0 = arith.constant 0 : i32
    return %arg0, %c0_i32 : i32, i32
  }
  func.func @transform_4(%arg0: i32) -> (i32, i32) {
    %c0_i32 = arith.constant 0 : i32
    %c0_i32_0 = arith.constant 0 : i32
    %c0_i32_1 = arith.constant 0 : i32
    return %c0_i32, %c0_i32_0 : i32, i32
  }
  func.func @transform_5(%arg0: i32) -> (i32, i32) {
    %c0_i32 = arith.constant 0 : i32
    %c0_i32_0 = arith.constant 0 : i32
    %c0_i32_1 = arith.constant 0 : i32
    return %c0_i32, %c0_i32_0 : i32, i32
  }
  func.func @transform_6(%arg0: i32) -> (i32, i32) {
    %c0_i32 = arith.constant 0 : i32
    %c0_i32_0 = arith.constant 0 : i32
    %c0_i32_1 = arith.constant 0 : i32
    return %c0_i32, %c0_i32_0 : i32, i32
  }
  func.func @transform_7(%arg0: i32) -> (i32, i32) {
    %c0_i32 = arith.constant 0 : i32
    %c0_i32_0 = arith.constant 0 : i32
    %c0_i32_1 = arith.constant 0 : i32
    return %c0_i32, %c0_i32_0 : i32, i32
  }
  func.func @transform_8(%arg0: i32) -> (i32, i32) {
    %c0_i32 = arith.constant 0 : i32
    %c0_i32_0 = arith.constant 0 : i32
    return %arg0, %c0_i32 : i32, i32
  }
}

</mosaic_0001>

<sc_bundles>
// kernel: kernel.10.cloned.1.call-start
scs
__scs_entry_jumppad:
0x0: {  	(pc) =	sbr.rel $0x88, $3  }
0x1: {  	(tag) =	ssettag $0x0;
	lr =	simm.s32 $0x1  }
0x2: {  	[smem:$0x3F8E] =	sst lr;
	_ =	strace $0xD0000000  }
0x3: {  	_ = 	snop  }
0x4: {  	_ = 	snop  }
0x5: {  	_ = 	snop  }
0x6: {  	_ = 	snop  }
0x7: {  	_ = 	snop  }
__scs_overlays_trampoline_lowered:
0x8: {  	[smem:$0x3F9D] =	sst s0  }
0x9: {  	[smem:$0x3F9E] =	sst s1  }
0xa: {  	[smem:$0x3F9F] =	sst s2  }
0xb: {  	[smem:$0x3FA0] =	sst s3  }
0xc: {  	[smem:$0x3FA1] =	sst s4  }
0xd: {  	[smem:$0x3FA2] =	sst s5  }
0xe: {  	[smem:$0x3FA3] =	sst s6  }
0xf: {  	[smem:$0x3FA4] =	sst s7  }
0x10: {  	[smem:$0x3FA5] =	sst s8  }
0x11: {  	[smem:$0x3FA6] =	sst s9;
	s0 =	simm.s32 @!p0 $0x0  }
0x12: {  	s1 =	sld [smem:$0x3F8C];
	s0 =	simm.s32 @p0 $0x1  }
0x13: {  	[smem:$0x3FA7] =	sst s0;
	s0 =	simm.s32 @!p1 $0x0  }
0x14: {  	s2 =	sld [smem:$0x3F8B];
	s0 =	simm.s32 @p1 $0x1  }
0x15: {  	[smem:$0x3FA8] =	sst s0;
	s0 =	simm.s32 @!p2 $0x0  }
0x16: {  	s3 =	sld [smem:$0x3FDB];
	s0 =	simm.s32 @p2 $0x1  }
0x17: {  	s4 =	simm.s32 $0x1BF5;
	[smem:$0x3FAA] =	sst s0  }
0x18: {  	s0 =	sld [smem:$0x3F8D];
	_ =	swait.ge [sflag:s4], $0x0  }
0x19: {  	s7 =	sld [smem:$0x3F8E]  }
0x1a: {  	s8 =	sadd.s32 $0xFFFFE003, lr  }
0x1b: {  	s9 =	sadd.s32 $0xFFFFFEF7, lr;
	s5 =	simm.s32 $0xFFFFFFFF;
	p2 =	slt.u32 s8, $0xFFFFF086  }
0x1c: {  	p1 =	slt.u32 s9, $0xF7A;
	s5 =	simm.s32 @!p2 $0x0  }
0x1d: {  	s5 =	simm.s32 @p1 $0x1;
	p0 =	seq.s32 s7, s2  }
0x1e: {  	s7 =	smul.u32 @!p0 $0xF7A, s2;
	p2 =	seq.s32 @!p0 s5, $0x0  }
0x1f: {  	s9 =	smul.u32 $0xF7A, s1;
	s8 =	simm.s32 @!p0 $0x1BF5;
	p2 =	por !p2, p0  }
0x20: {  	[sflag:s8] =	ssyncset.s32 @!p0 $0xFFFFF086;
	s6 =	sadd.s32 @!p0 s3, s7;
	s7 =	simm.s32 @!p0 $0x108  }
0x21: {  	s3 =	sadd.s32 s3, s9;
	s6 =	sadd.s32 @!p0 $0x88, s6;
	s7 =	simm.s32 @p2 $0x1082  }
0x22: {  	[simem:s7], [sflag:s8] =	dma.local @!p0 [hbm:s6], $0xF7A  }
0x23: {  	s9 =	sor.u32 $0xD0000000, s2;
	s6 =	simm.s32 $0x108;
	_ =	swait.ge @!p0 [sflag:s8], $0x0  }
0x24: {  	s3 =	sadd.s32 $0x88, s3;
	s6 =	simm.s32 @!p1 $0x1082;
	[sflag:s4] =	ssyncset.s32 $0xFFFFF086  }
0x25: {  	[simem:s6], [sflag:s4] =	dma.local [hbm:s3], $0xF7A  }
0x26: {  	[smem:$0x3F8E] =	sst s1;
	(tag) =	ssettag s2;
	_ =	strace s9  }
0x27: {  	s1 =	sld [smem:$0x3F9E]  }
0x28: {  	s2 =	sld [smem:$0x3F9F]  }
0x29: {  	s4 =	sld [smem:$0x3FA1]  }
0x2a: {  	p0 =	seq.s32 s5, $0x0;
	s5 =	sld [smem:$0x3FA2]  }
0x2b: {  	s6 =	sld [smem:$0x3FA3]  }
0x2c: {  	s7 =	sld [smem:$0x3FA4]  }
0x2d: {  	s3 =	simm.s32 $0x108;
	s8 =	sld [smem:$0x3FA5]  }
0x2e: {  	s3 =	simm.s32 @!p0 $0x1082;
	s9 =	sld [smem:$0x3FA6]  }
0x2f: {  	lr =	sadd.s32 s0, s3;
	s0 =	sld [smem:$0x3F9D]  }
0x30: {  	s3 =	sld [smem:$0x3FA0]  }
0x31: {  	[smem:$0x3FA9] =	sst s10  }
0x32: {  	s10 =	sld [smem:$0x3FA7];
	_ =	sdelay $0x3  }
0x33: {  	p0 =	seq.s32 s10, $0x1;
	s10 =	sld [smem:$0x3FA9];
	_ =	sdelay $0x3  }
0x34: {  	[smem:$0x3FA9] =	sst s10  }
0x35: {  	s10 =	sld [smem:$0x3FA8];
	_ =	sdelay $0x3  }
0x36: {  	p1 =	seq.s32 s10, $0x1;
	s10 =	sld [smem:$0x3FA9];
	_ =	sdelay $0x3  }
0x37: {  	[smem:$0x3FA9] =	sst s10  }
0x38: {  	s10 =	sld [smem:$0x3FAA]  }
0x39: {  	_ = 	snop;
	(pc) =	sbr.ind lr, $3  }
0x3a: {  	_ = 	snop  }
0x3b: {  	_ = 	snop  }
0x3c: {  	p2 =	seq.s32 s10, $0x1;
	s10 =	sld [smem:$0x3FA9]  }
0x3d: {  	_ =	shalt  }
0x3e: {  	_ =	shalt  }
0x3f: {  	_ =	shalt  }
0x40: {  	_ =	shalt  }
0x41: {  	_ =	shalt  }
0x42: {  	_ =	shalt  }
0x43: {  	_ =	shalt  }
0x44: {  	_ =	shalt  }
0x45: {  	_ =	shalt  }
0x46: {  	_ =	shalt  }
0x47: {  	_ =	shalt  }
0x48: {  	_ =	shalt  }
0x49: {  	_ =	shalt  }
0x4a: {  	_ =	shalt  }
0x4b: {  	_ =	shalt  }
0x4c: {  	_ =	shalt  }
0x4d: {  	_ =	shalt  }
0x4e: {  	_ =	shalt  }
0x4f: {  	_ =	shalt  }
0x50: {  	_ =	shalt  }
0x51: {  	_ =	shalt  }
0x52: {  	_ =	shalt  }
0x53: {  	_ =	shalt  }
0x54: {  	_ =	shalt  }
0x55: {  	_ =	shalt  }
0x56: {  	_ =	shalt  }
0x57: {  	_ =	shalt  }
0x58: {  	_ =	shalt  }
0x59: {  	_ =	shalt  }
0x5a: {  	_ =	shalt  }
0x5b: {  	_ =	shalt  }
0x5c: {  	_ =	shalt  }
0x5d: {  	_ =	shalt  }
0x5e: {  	_ =	shalt  }
0x5f: {  	_ =	shalt  }
0x60: {  	_ =	shalt  }
0x61: {  	_ =	shalt  }
0x62: {  	_ =	shalt  }
0x63: {  	_ =	shalt  }
0x64: {  	_ =	shalt  }
0x65: {  	_ =	shalt  }
0x66: {  	_ =	shalt  }
0x67: {  	_ =	shalt  }
0x68: {  	_ =	shalt  }
0x69: {  	_ =	shalt  }
0x6a: {  	_ =	shalt  }
0x6b: {  	_ =	shalt  }
0x6c: {  	_ =	shalt  }
0x6d: {  	_ =	shalt  }
0x6e: {  	_ =	shalt  }
0x6f: {  	_ =	shalt  }
0x70: {  	_ =	shalt  }
0x71: {  	_ =	shalt  }
0x72: {  	_ =	shalt  }
0x73: {  	_ =	shalt  }
0x74: {  	_ =	shalt  }
0x75: {  	_ =	shalt  }
0x76: {  	_ =	shalt  }
0x77: {  	_ =	shalt  }
0x78: {  	_ =	shalt  }
0x79: {  	_ =	shalt  }
0x7a: {  	_ =	shalt  }
0x7b: {  	_ =	shalt  }
0x7c: {  	_ =	shalt  }
0x7d: {  	_ =	shalt  }
0x7e: {  	_ =	shalt  }
0x7f: {  	_ =	shalt  }
0x80: {  	_ =	shalt  }
0x81: {  	_ =	shalt  }
0x82: {  	_ =	shalt  }
0x83: {  	_ =	shalt  }
0x84: {  	_ =	shalt  }
0x85: {  	_ =	shalt  }
0x86: {  	_ =	shalt  }
0x87: {  	_ =	shalt  }
.Lfunc_end0:
.L_simem_size_0:
called_computation_lowered:
.L_overlay_start_0:
0x88: {  	s2 =	sld [smem:$0x3FD9]  }
0x89: {  	s3 =	sld [smem:$0x3FFE];
	_ =	sdelay $0x1  }
0x8a: {  	s1 =	srdreg.scid  }
0x8b: {  	s0 =	sand.u32 $0x1, s1  }
0x8c: {  	s15 =	sshll.u32 s0, $0xA;
	s2 =	sadd.s32 s3, s2  }
0x8d: {  	s2 =	sadd.s32 s2, s15  }
0x8e: {  	[smem:$0x3FB5] =	sst s2  }
0x8f: {  	_ = 	snop  }
0x90: {  	s2 =	sld [smem:$0x3FD0];
	_ =	sdelay $0x2  }
0x91: {  	s16 =	simm.s32 $0xB;
	s4 =	simm.s32 $0x10  }
0x92: {  	[smem:s4], [sflag:s16] =	dma.local [hbm:s2], $0x1  }
0x93: {  	_ =	swait.eq [sflag:s16], $0x1  }
0x94: {  	[sflag:s16] =	ssyncset.done $0x0  }
0x95: {  	[sflag:s16] =	ssyncadd.s32 $0xFFFFFFFF  }
0x96: {  	s17 =	sld [smem:$0x10];
	(tm) =	ssettm $0x1  }
0x97: {  	s18 =	sld [smem:$0x3FFB];
	_ =	sdelay $0x3  }
0x98: {  	_ =	strace s18  }
0x99: {  	s2 =	sld [smem:$0x3FFC];
	_ =	sdelay $0x3  }
0x9a: {  	_ =	strace s2  }
0x9b: {  	s2 =	sld [smem:$0x3FFD];
	_ =	sdelay $0x3  }
0x9c: {  	_ =	strace s2  }
0x9d: {  	_ =	strace $0x8FFFFFFF  }
0x9e: {  	s19 =	sld [smem:$0x3FDB];
	_ =	sdelay $0x1  }
0x9f: {  	s20 =	simm.s32 $_scs_section_size  }
0xa0: {  	s5 =	simm.s32 $_size__tile_overlayer_lowered;
	s6 =	simm.s32 $_tile_overlayer_lowered  }
0xa1: {  	s7 =	simm.s32 $0x1BFF;
	s21 =	sshll.u32 s6, $0x1;
	s4 =	sadd.s32 s20, s19  }
0xa2: {  	s22 =	simm.s32 $0x0;
	s5 =	sshll.u32 s5, $0x1;
	s6 =	sadd.s32 s21, s4  }
0xa3: {  	[timem:s22], [sflag:s7] =	dma.local [hbm:s6], s5  }
0xa4: {  	_ =	swait.ge [sflag:s7], s5  }
0xa5: {  	s5 =	ssub.s32 $0x0, s5;
	[sflag:s7] =	ssyncset.done $0x0  }
0xa6: {  	[sflag:s7] =	ssyncadd.s32 s5;
	_ =	sdelay $0x1  }
0xa7: {  	s23 =	simm.s32 $0x1B8B  }
0xa8: {  	_ =	swait.ge [sflag:s23], $0x1  }
0xa9: {  	[sflag:s23] =	ssyncset.done $0x0  }
0xaa: {  	[sflag:s23] =	ssyncadd.s32 $0xFFFFFFFF  }
0xab: {  	s5 =	sld [smem:$0x0]  }
0xac: {  	s6 =	sand.u32 $0xFFFFFFFE, s1  }
0xad: {  	p0 =	sne.s32 s1, s6  }
0xae: {  	s6 =	sshll.u32 @p0 s6, $0xE  }
0xaf: {  	s6 =	sadd.s32 @p0 $0x11B8D, s6;
	s7 =	sshll.u32 @p0 s5, $0x11  }
0xb0: {  	s6 =	sor.u32 @p0 s7, s6  }
0xb1: {  	[sflag:s6] =	ssyncadd.remote.s32 @p0 $0x1;
	_ =	sdelay $0x1  }
0xb2: {  	s6 =	simm.s32 @p0 $0x1B8D  }
0xb3: {  	_ =	swait.eq @p0 [sflag:s6], $0x1  }
0xb4: {  	[sflag:s6] =	ssyncadd.s32 @p0 $0xFFFFFFFF  }
0xb5: {  	s7 =	sshll.u32 @!p0 s1, $0xE  }
0xb6: {  	s7 =	sor.u32 @!p0 $0x4000, s7;
	s6 =	simm.s32 @!p0 $0x1B8D  }
0xb7: {  	s5 =	sshll.u32 @!p0 s5, $0x11;
	s7 =	sadd.s32 @!p0 $0x11B8D, s7;
	_ =	swait.eq @!p0 [sflag:s6], $0x1  }
0xb8: {  	s5 =	sor.u32 @!p0 s5, s7;
	[sflag:s6] =	ssyncadd.s32 @!p0 $0xFFFFFFFF  }
0xb9: {  	s25 =	simm.s32 $0x1B8E;
	s24 =	sld [smem:$0x3FFE];
	[sflag:s5] =	ssyncadd.remote.s32 @!p0 $0x1  }
0xba: {  	s26 =	simm.s32 $execute0_lowered;
	[smem:$0x3FD2] =	sst s25  }
0xbb: {  	s6 =	sshll.u32 s26, $0x1;
	_ =	strace $0x80000049;
	[dreg:$0x1] =	wrdreg $0xFFFFFFFF  }
0xbc: {  	s28 =	simm.s32 $_size_execute0_lowered;
	s4 =	sadd.s32 s4, s6;
	[dreg:$0x0] =	wrdreg $0x0  }
0xbd: {  	s6 =	sshll.u32 s28, $0x1;
	[dreg:$0x2] =	wrdreg s4  }
0xbe: {  	[dreg:$0x3] =	wrdreg s6  }
0xbf: {  	[dreg:$0x4] =	wrdreg $0xC0  }
0xc0: {  	_ =	task [dreg:s22], $0x5FFFF  }
0xc1: {  	[dreg:$0x1] =	wrdreg $0xFFFFFFFF  }
0xc2: {  	[dreg:$0x0] =	wrdreg $0x60  }
0xc3: {  	[dreg:$0x2] =	wrdreg s24  }
0xc4: {  	[dreg:$0x3] =	wrdreg s17  }
0xc5: {  	[dreg:$0x4] =	wrdreg $0x13500  }
0xc6: {  	[dreg:$0x5] =	wrdreg $0x9  }
0xc7: {  	_ =	task.clear_ibuf [dreg:s22], $0x6FFFF;
	_ =	strace $0x90000049  }
0xc8: {  	s29 =	simm.s32 $0x9;
	_ =	strace $0x8000004B  }
0xc9: {  	_ =	swait.ge [sflag:s29], $0x1  }
0xca: {  	[sflag:s29] =	ssyncadd.s32 $0xFFFFFFFF  }
0xcb: {  	_ =	strace $0x9000004B  }
0xcc: {  	_ =	sfence  }
0xcd: {  	s30 =	sld [smem:$0x0];
	_ =	sdelay $0x2  }
0xce: {  	s31 =	sshll.u32 s1, $0xD;
	s1 =	sshrl.u32 s1, $0x2  }
0xcf: {  	s4 =	sand.u32 $0x4000, s31;
	s1 =	sadd.s32 s1, s30  }
0xd0: {  	s0 =	sor.u32 s4, s0;
	s1 =	sshll.u32 s1, $0x11  }
0xd1: {  	s0 =	sor.u32 s1, s0  }
0xd2: {  	s0 =	sadd.s32 $0x8F2B, s0  }
0xd3: {  	[sflag:s0] =	ssyncadd.remote.s32 $0x1  }
0xd4: {  	_ =	sfence.sel $0xFFFF  }
0xd5: {  	[dreg:$0x0] =	wrdreg $0xFFFFFFFF;
	(pc) =	sbr.abs _section_cstart, $3  }
0xd6: {  	[dreg:$0x1] =	wrdreg $0xFFFFFFFF  }
0xd7: {  	_ =	task.clear_ibuf [dreg:s22], $0x2FFFF;
	_ =	strace $0x9FFFFFFF  }
0xd8: {  	(tm) =	ssettm $0x7FFFFFFF  }
0xd9: {  	_ =	shalt  }
tec
execute0_lowered:
.L_overlay_start_1:
0x0: {  	(tag) =	ssettag $0x1  }
0x1: {  	s4 =	rddreg [dreg:$0x0]  }
0x2: {  	s20 =	rddreg [dreg:$0x1]  }
0x3: {  	s2 =	rddreg [dreg:$0x2];
	s1 =	stileid.u32;
	s3 =	simm.s32 $0x0  }
0x4: {  	s6 =	srdreg.scid;
	s24 =	simm.s32 $0x1;
	s25 =	simm.s32 $0x50  }
0x5: {  	s26 =	simm.s32 $0xC50;
	s28 =	simm.s32 $0x0;
	s5 =	smul.u32 $0xF50, s1  }
0x6: {  	[smem:$0x7FF] =	sst s3;
	s6 =	sand.u32 $0x1, s6;
	s7 =	smul.u32 $0x18800, s1  }
0x7: {  	s21 =	smul.u32 $0xC40, s1;
	_ =	strace $0x8000004A;
	s8 =	ssub.s32 $0x2, s6  }
0x8: {  	p0 =	seq.s32 s6, $0x1;
	s22 =	sadd.s32 s5, s4;
	s31 =	sshrl.u32 s8, $0x1  }
0x9: {  	s7 =	sshrl.u32 s7, $0x2;
	s23 =	sadd.s32 s21, s4;
	s20 =	sadd.s32 s21, s20  }
0xa: {  	s5 =	ssub.s32 s8, s31;
	s4 =	sadd.s32 s7, s2;
	s19 =	sadd.s32 $0x15400, s22  }
0xb: {  	s21 =	sadd.s32 $0x5E00, s22;
	s22 =	sadd.s32 $0x107600, s23;
	s23 =	simm.s32 $0x550  }
.Ltmp0:
0xc: {  	s5 =	smax.u32 s5, $0x1;
	s6 =	sadd.s32 $0x700, s4;
	(pc) =	sbr.rel .LBB2_1-.Ltmp0, $4  }
0xd: {  	s7 =	sadd.s32 $0xE00, s4;
	s8 =	sadd.s32 $0x1500, s4;
	s9 =	sadd.s32 $0x1C00, s4  }
0xe: {  	s10 =	sadd.s32 $0x2300, s4;
	s11 =	sadd.s32 $0x2A00, s4;
	s12 =	sadd.s32 $0x3100, s4  }
0xf: {  	s13 =	sadd.s32 $0x3800, s4;
	s14 =	sadd.s32 $0x3F00, s4;
	s15 =	sadd.s32 $0x4600, s4  }
0x10: {  	v0 =	vimm.f32 $0.0e+00;
	v1 =	vimm.f32 $1.000000000e+00;
	s16 =	sadd.s32 $0x4D00, s4;
	s17 =	sadd.s32 $0x5400, s4;
	s18 =	sadd.s32 $0x5B00, s4  }
.LBB2_10:
0x11: {  	[sflag:s24] =	ssyncadd.s32 $0xFFFFF900  }
.LBB2_16:
0x12: {  	s28 =	sadd.s32 $0x1, s28  }
0x13: {  	p1 =	sne.s32 s28, s5  }
.Ltmp1:
0x14: {  	_ = 	snop;
	(pc) =	sbr.rel @!p1 .LBB2_17-.Ltmp1, $1  }
0x15: {  	_ =	sdelay $0x3  }
.LBB2_1:
0x16: {  	s29 =	simm.s32 $0x0  }
.LBB2_2:
0x17: {  	p1 =	sne.s32 s29, $0x1BC0  }
.Ltmp2:
0x18: {  	_ = 	snop;
	(pc) =	sbr.rel @p1 .LBB2_2-.Ltmp2, $3  }
0x19: {  	_ =	sdelay $0x1  }
0x1a: {  	s30 =	sshra.s32 s29, $0x2  }
0x1b: {  	s29 =	sadd.s32 $0x40, s29;
	[tilespmem:s30+$0x550] =	vst v0  }
0x1c: {  	s29 =	simm.s32 $0x40;
	s30 =	simm.s32 $0x0  }
.LBB2_4:
0x1d: {  	p1 =	sne.s32 s29, $0x13C0;
	[tilespmem:s30+$0x50] =	vst v1;
	s30 =	smov.u32 s29;
	s29 =	sadd.s32 $0x40, s29  }
.Ltmp3:
0x1e: {  	(pc) =	sbr.rel @p1 .LBB2_4-.Ltmp3, $2  }
0x1f: {  	_ =	sdelay $0x2  }
0x20: {  	s30 =	sshra.s32 s30, $0x2  }
.Ltmp4:
0x21: {  	(pc) =	sbr.rel @!p0 .LBB2_6-.Ltmp4, $2  }
0x22: {  	_ =	sdelay $0x2  }
0x23: {  	[tilespmem:s30+$0x50] =	vst v1  }
0x24: {  	[spmem:s4] =	stream.linear.scatter [tilespmem:s23], [sflag:$0x1], $0x700, $0x38;
	[tilespmem:$0x7550] =	vst v63  }
0x25: {  	_ =	swait.ge [sflag:s24], $0x700  }
0x26: {  	[sflag:s24] =	ssyncset.done $0x0  }
0x27: {  	[sflag:s24] =	ssyncadd.s32 $0xFFFFF900  }
0x28: {  	[spmem:s6] =	stream.linear.scatter [tilespmem:s23], [sflag:$0x1], $0x700, $0x38;
	[tilespmem:$0x7550] =	vst v63  }
0x29: {  	_ =	swait.ge [sflag:s24], $0x700  }
0x2a: {  	[sflag:s24] =	ssyncset.done $0x0  }
0x2b: {  	[sflag:s24] =	ssyncadd.s32 $0xFFFFF900  }
0x2c: {  	[spmem:s7] =	stream.linear.scatter [tilespmem:s23], [sflag:$0x1], $0x700, $0x38;
	[tilespmem:$0x7550] =	vst v63  }
0x2d: {  	_ =	swait.ge [sflag:s24], $0x700  }
0x2e: {  	[sflag:s24] =	ssyncset.done $0x0  }
0x2f: {  	[sflag:s24] =	ssyncadd.s32 $0xFFFFF900  }
0x30: {  	[spmem:s8] =	stream.linear.scatter [tilespmem:s23], [sflag:$0x1], $0x700, $0x38;
	[tilespmem:$0x7550] =	vst v63  }
0x31: {  	_ =	swait.ge [sflag:s24], $0x700  }
0x32: {  	[sflag:s24] =	ssyncset.done $0x0  }
0x33: {  	[sflag:s24] =	ssyncadd.s32 $0xFFFFF900  }
0x34: {  	[spmem:s9] =	stream.linear.scatter [tilespmem:s23], [sflag:$0x1], $0x700, $0x38;
	[tilespmem:$0x7550] =	vst v63  }
0x35: {  	_ =	swait.ge [sflag:s24], $0x700  }
0x36: {  	[sflag:s24] =	ssyncset.done $0x0  }
0x37: {  	[sflag:s24] =	ssyncadd.s32 $0xFFFFF900  }
0x38: {  	[spmem:s10] =	stream.linear.scatter [tilespmem:s23], [sflag:$0x1], $0x700, $0x38;
	[tilespmem:$0x7550] =	vst v63  }
0x39: {  	_ =	swait.ge [sflag:s24], $0x700  }
0x3a: {  	[sflag:s24] =	ssyncset.done $0x0  }
0x3b: {  	[sflag:s24] =	ssyncadd.s32 $0xFFFFF900  }
0x3c: {  	[spmem:s11] =	stream.linear.scatter [tilespmem:s23], [sflag:$0x1], $0x700, $0x38;
	[tilespmem:$0x7550] =	vst v63  }
0x3d: {  	_ =	swait.ge [sflag:s24], $0x700  }
0x3e: {  	[sflag:s24] =	ssyncset.done $0x0  }
0x3f: {  	[sflag:s24] =	ssyncadd.s32 $0xFFFFF900  }
0x40: {  	[spmem:s12] =	stream.linear.scatter [tilespmem:s23], [sflag:$0x1], $0x700, $0x38;
	[tilespmem:$0x7550] =	vst v63  }
0x41: {  	_ =	swait.ge [sflag:s24], $0x700  }
0x42: {  	[sflag:s24] =	ssyncset.done $0x0  }
0x43: {  	[sflag:s24] =	ssyncadd.s32 $0xFFFFF900  }
0x44: {  	[spmem:s13] =	stream.linear.scatter [tilespmem:s23], [sflag:$0x1], $0x700, $0x38;
	[tilespmem:$0x7550] =	vst v63  }
0x45: {  	_ =	swait.ge [sflag:s24], $0x700  }
0x46: {  	[sflag:s24] =	ssyncset.done $0x0  }
0x47: {  	[sflag:s24] =	ssyncadd.s32 $0xFFFFF900  }
0x48: {  	[spmem:s14] =	stream.linear.scatter [tilespmem:s23], [sflag:$0x1], $0x700, $0x38;
	[tilespmem:$0x7550] =	vst v63  }
0x49: {  	_ =	swait.ge [sflag:s24], $0x700  }
0x4a: {  	[sflag:s24] =	ssyncset.done $0x0  }
0x4b: {  	[sflag:s24] =	ssyncadd.s32 $0xFFFFF900  }
0x4c: {  	[spmem:s15] =	stream.linear.scatter [tilespmem:s23], [sflag:$0x1], $0x700, $0x38;
	[tilespmem:$0x7550] =	vst v63  }
0x4d: {  	_ =	swait.ge [sflag:s24], $0x700  }
0x4e: {  	[sflag:s24] =	ssyncset.done $0x0  }
0x4f: {  	[sflag:s24] =	ssyncadd.s32 $0xFFFFF900  }
0x50: {  	[spmem:s16] =	stream.linear.scatter [tilespmem:s23], [sflag:$0x1], $0x700, $0x38;
	[tilespmem:$0x7550] =	vst v63  }
0x51: {  	_ =	swait.ge [sflag:s24], $0x700  }
0x52: {  	[sflag:s24] =	ssyncset.done $0x0  }
0x53: {  	[sflag:s24] =	ssyncadd.s32 $0xFFFFF900  }
0x54: {  	[spmem:s17] =	stream.linear.scatter [tilespmem:s23], [sflag:$0x1], $0x700, $0x38;
	[tilespmem:$0x7550] =	vst v63  }
0x55: {  	_ =	swait.ge [sflag:s24], $0x700  }
0x56: {  	[sflag:s24] =	ssyncset.done $0x0  }
0x57: {  	[sflag:s24] =	ssyncadd.s32 $0xFFFFF900  }
0x58: {  	[spmem:s18] =	stream.linear.scatter [tilespmem:s23], [sflag:$0x1], $0x700, $0x38;
	[tilespmem:$0x7550] =	vst v63  }
0x59: {  	_ =	swait.ge [sflag:s24], $0x700  }
0x5a: {  	[sflag:s24] =	ssyncset.done $0x0  }
0x5b: {  	[sflag:s24] =	ssyncadd.s32 $0xFFFFF900  }
0x5c: {  	s0 =	sadd.s32 $0x0, s21;
	[bflag:$0x0] =	sbarrier.arrive $0xFFFF  }
0x5d: {  	[tilespmem:s3], [sflag:$0x1] =	stream.linear.gather [hbm4b:s0+s3], $0x50, $0x38;
	[tilespmem:$0x7550] =	vst v63  }
0x5e: {  	_ =	swait.ge [sflag:s24], $0x50  }
0x5f: {  	[sflag:s24] =	ssyncset.done $0x0  }
0x60: {  	[sflag:s24] =	ssyncadd.s32 $0xFFFFFFB0  }
0x61: {  	[spmem:s2] =	stream.indirect.scatter.add.f32 [tilespmem:s25], [sflag:$0x1], $0x10, s3, s25, $0xb8;
	[tilespmem:$0x7550] =	vst v63  }
0x62: {  	_ =	swait.ge [sflag:s24], $0x500  }
0x63: {  	s29 =	simm.s32 $0xA;
	s30 =	simm.s32 $0x14;
	[sflag:s24] =	ssyncset.done $0x0  }
.LBB2_12:
0x64: {  	s0 =	sadd.s32 s29, s21  }
0x65: {  	[sflag:s24] =	ssyncadd.s32 $0xFFFFFB00;
	s29 =	smov.u32 s30;
	s31 =	sadd.s32 $0xA, s30  }
0x66: {  	[tilespmem:s3], [sflag:$0x1] =	stream.linear.gather [hbm4b:s0+s3], $0x50, $0x38;
	[tilespmem:$0x7550] =	vst v63  }
0x67: {  	p1 =	sne.s32 s30, $0xF46;
	_ =	swait.ge [sflag:s24], $0x50  }
.Ltmp5:
0x68: {  	[sflag:s24] =	ssyncset.done $0x0;
	(pc) =	sbr.rel @p1 .LBB2_12-.Ltmp5, $4  }
0x69: {  	[sflag:s24] =	ssyncadd.s32 $0xFFFFFFB0  }
0x6a: {  	[spmem:s2] =	stream.indirect.scatter.add.f32 [tilespmem:s25], [sflag:$0x1], $0x10, s3, s25, $0xb8;
	[tilespmem:$0x7550] =	vst v63  }
0x6b: {  	_ =	swait.ge [sflag:s24], $0x500  }
0x6c: {  	s30 =	smov.u32 s31;
	[sflag:s24] =	ssyncset.done $0x0  }
0x6d: {  	s0 =	sadd.s32 s29, s21;
	[sflag:s24] =	ssyncadd.s32 $0xFFFFFB00  }
0x6e: {  	[tilespmem:s3], [sflag:$0x1] =	stream.linear.gather [hbm4b:s0+s3], $0x50, $0x38;
	[tilespmem:$0x7550] =	vst v63  }
0x6f: {  	_ =	swait.ge [sflag:s24], $0x50  }
0x70: {  	[sflag:s24] =	ssyncset.done $0x0  }
0x71: {  	[sflag:s24] =	ssyncadd.s32 $0xFFFFFFB0  }
0x72: {  	[spmem:s2] =	stream.indirect.scatter.add.f32 [tilespmem:s25], [sflag:$0x1], $0x10, s3, s25, $0xb8;
	[tilespmem:$0x7550] =	vst v63  }
0x73: {  	_ =	swait.ge [sflag:s24], $0x500  }
0x74: {  	[sflag:s24] =	ssyncset.done $0x0  }
0x75: {  	[sflag:s24] =	ssyncadd.s32 $0xFFFFFB00  }
0x76: {  	[bflag:$0x0] =	sbarrier.arrive $0xFFFF  }
0x77: {  	[tilespmem:s26], [sflag:$0x1] =	stream.linear.gather [spmem:s4], $0x700, $0x38;
	[tilespmem:$0x7550] =	vst v63  }
0x78: {  	_ =	swait.ge [sflag:s24], $0x700  }
0x79: {  	[sflag:s24] =	ssyncset.done $0x0  }
0x7a: {  	s31 =	sadd.s32 $0x0, s22;
	[sflag:s24] =	ssyncadd.s32 $0xFFFFF900  }
0x7b: {  	[hbm4b:s31+s3] =	stream.linear.scatter [tilespmem:s26], [sflag:$0x1], $0x700, $0x38;
	[tilespmem:$0x7550] =	vst v63  }
0x7c: {  	_ =	swait.ge [sflag:s24], $0x700  }
0x7d: {  	s29 =	simm.s32 $0xE0;
	s30 =	smov.u32 s4;
	[sflag:s24] =	ssyncset.done $0x0  }
.LBB2_14:
0x7e: {  	p1 =	sne.s32 s29, $0xB60;
	[sflag:s24] =	ssyncadd.s32 $0xFFFFF900;
	s30 =	sadd.s32 $0x700, s30  }
0x7f: {  	[tilespmem:s26], [sflag:$0x1] =	stream.linear.gather [spmem:s30], $0x700, $0x38;
	[tilespmem:$0x7550] =	vst v63  }
0x80: {  	s0 =	smov.u32 s29;
	s29 =	sadd.s32 $0xE0, s29;
	_ =	swait.ge [sflag:s24], $0x700  }
.Ltmp6:
0x81: {  	[sflag:s24] =	ssyncset.done $0x0;
	(pc) =	sbr.rel @p1 .LBB2_14-.Ltmp6, $4  }
0x82: {  	s0 =	sadd.s32 s0, s22;
	[sflag:s24] =	ssyncadd.s32 $0xFFFFF900  }
0x83: {  	[hbm4b:s0+s3] =	stream.linear.scatter [tilespmem:s26], [sflag:$0x1], $0x700, $0x38;
	[tilespmem:$0x7550] =	vst v63  }
0x84: {  	_ =	swait.ge [sflag:s24], $0x700  }
0x85: {  	[sflag:s24] =	ssyncset.done $0x0  }
.Ltmp7:
0x86: {  	(pc) =	sbr.rel .LBB2_16-.Ltmp7, $2  }
0x87: {  	_ =	sdelay $0x2  }
0x88: {  	[sflag:s24] =	ssyncadd.s32 $0xFFFFF900  }
.LBB2_6:
0x89: {  	[spmem:s4] =	stream.linear.scatter [tilespmem:s23], [sflag:$0x1], $0x700, $0x38;
	[tilespmem:$0x7550] =	vst v63  }
0x8a: {  	_ =	swait.ge [sflag:s24], $0x700  }
0x8b: {  	[sflag:s24] =	ssyncset.done $0x0  }
0x8c: {  	[sflag:s24] =	ssyncadd.s32 $0xFFFFF900  }
0x8d: {  	[spmem:s6] =	stream.linear.scatter [tilespmem:s23], [sflag:$0x1], $0x700, $0x38;
	[tilespmem:$0x7550] =	vst v63  }
0x8e: {  	_ =	swait.ge [sflag:s24], $0x700  }
0x8f: {  	[sflag:s24] =	ssyncset.done $0x0  }
0x90: {  	[sflag:s24] =	ssyncadd.s32 $0xFFFFF900  }
0x91: {  	[spmem:s7] =	stream.linear.scatter [tilespmem:s23], [sflag:$0x1], $0x700, $0x38;
	[tilespmem:$0x7550] =	vst v63  }
0x92: {  	_ =	swait.ge [sflag:s24], $0x700  }
0x93: {  	[sflag:s24] =	ssyncset.done $0x0  }
0x94: {  	[sflag:s24] =	ssyncadd.s32 $0xFFFFF900  }
0x95: {  	[spmem:s8] =	stream.linear.scatter [tilespmem:s23], [sflag:$0x1], $0x700, $0x38;
	[tilespmem:$0x7550] =	vst v63  }
0x96: {  	_ =	swait.ge [sflag:s24], $0x700  }
0x97: {  	[sflag:s24] =	ssyncset.done $0x0  }
0x98: {  	[sflag:s24] =	ssyncadd.s32 $0xFFFFF900  }
0x99: {  	[spmem:s9] =	stream.linear.scatter [tilespmem:s23], [sflag:$0x1], $0x700, $0x38;
	[tilespmem:$0x7550] =	vst v63  }
0x9a: {  	_ =	swait.ge [sflag:s24], $0x700  }
0x9b: {  	[sflag:s24] =	ssyncset.done $0x0  }
0x9c: {  	[sflag:s24] =	ssyncadd.s32 $0xFFFFF900  }
0x9d: {  	[spmem:s10] =	stream.linear.scatter [tilespmem:s23], [sflag:$0x1], $0x700, $0x38;
	[tilespmem:$0x7550] =	vst v63  }
0x9e: {  	_ =	swait.ge [sflag:s24], $0x700  }
0x9f: {  	[sflag:s24] =	ssyncset.done $0x0  }
0xa0: {  	[sflag:s24] =	ssyncadd.s32 $0xFFFFF900  }
0xa1: {  	[spmem:s11] =	stream.linear.scatter [tilespmem:s23], [sflag:$0x1], $0x700, $0x38;
	[tilespmem:$0x7550] =	vst v63  }
0xa2: {  	_ =	swait.ge [sflag:s24], $0x700  }
0xa3: {  	[sflag:s24] =	ssyncset.done $0x0  }
0xa4: {  	[sflag:s24] =	ssyncadd.s32 $0xFFFFF900  }
0xa5: {  	[spmem:s12] =	stream.linear.scatter [tilespmem:s23], [sflag:$0x1], $0x700, $0x38;
	[tilespmem:$0x7550] =	vst v63  }
0xa6: {  	_ =	swait.ge [sflag:s24], $0x700  }
0xa7: {  	[sflag:s24] =	ssyncset.done $0x0  }
0xa8: {  	[sflag:s24] =	ssyncadd.s32 $0xFFFFF900  }
0xa9: {  	[spmem:s13] =	stream.linear.scatter [tilespmem:s23], [sflag:$0x1], $0x700, $0x38;
	[tilespmem:$0x7550] =	vst v63  }
0xaa: {  	_ =	swait.ge [sflag:s24], $0x700  }
0xab: {  	[sflag:s24] =	ssyncset.done $0x0  }
0xac: {  	[sflag:s24] =	ssyncadd.s32 $0xFFFFF900  }
0xad: {  	[spmem:s14] =	stream.linear.scatter [tilespmem:s23], [sflag:$0x1], $0x700, $0x38;
	[tilespmem:$0x7550] =	vst v63  }
0xae: {  	_ =	swait.ge [sflag:s24], $0x700  }
0xaf: {  	[sflag:s24] =	ssyncset.done $0x0  }
0xb0: {  	[sflag:s24] =	ssyncadd.s32 $0xFFFFF900  }
0xb1: {  	[spmem:s15] =	stream.linear.scatter [tilespmem:s23], [sflag:$0x1], $0x700, $0x38;
	[tilespmem:$0x7550] =	vst v63  }
0xb2: {  	_ =	swait.ge [sflag:s24], $0x700  }
0xb3: {  	[sflag:s24] =	ssyncset.done $0x0  }
0xb4: {  	[sflag:s24] =	ssyncadd.s32 $0xFFFFF900  }
0xb5: {  	[spmem:s16] =	stream.linear.scatter [tilespmem:s23], [sflag:$0x1], $0x700, $0x38;
	[tilespmem:$0x7550] =	vst v63  }
0xb6: {  	_ =	swait.ge [sflag:s24], $0x700  }
0xb7: {  	[sflag:s24] =	ssyncset.done $0x0  }
0xb8: {  	[sflag:s24] =	ssyncadd.s32 $0xFFFFF900  }
0xb9: {  	[spmem:s17] =	stream.linear.scatter [tilespmem:s23], [sflag:$0x1], $0x700, $0x38;
	[tilespmem:$0x7550] =	vst v63  }
0xba: {  	_ =	swait.ge [sflag:s24], $0x700  }
0xbb: {  	[sflag:s24] =	ssyncset.done $0x0  }
0xbc: {  	[sflag:s24] =	ssyncadd.s32 $0xFFFFF900  }
0xbd: {  	[spmem:s18] =	stream.linear.scatter [tilespmem:s23], [sflag:$0x1], $0x700, $0x38;
	[tilespmem:$0x7550] =	vst v63  }
0xbe: {  	_ =	swait.ge [sflag:s24], $0x700  }
0xbf: {  	[sflag:s24] =	ssyncset.done $0x0  }
0xc0: {  	[sflag:s24] =	ssyncadd.s32 $0xFFFFF900  }
0xc1: {  	s29 =	sadd.s32 $0x0, s19;
	[bflag:$0x0] =	sbarrier.arrive $0xFFFF  }
0xc2: {  	[tilespmem:s3], [sflag:$0x1] =	stream.linear.gather [hbm4b:s29+s3], $0x50, $0x38;
	[tilespmem:$0x7550] =	vst v63  }
0xc3: {  	_ =	swait.ge [sflag:s24], $0x50  }
0xc4: {  	[sflag:s24] =	ssyncset.done $0x0  }
0xc5: {  	[sflag:s24] =	ssyncadd.s32 $0xFFFFFFB0  }
0xc6: {  	[spmem:s2] =	stream.indirect.scatter.add.f32 [tilespmem:s25], [sflag:$0x1], $0x10, s3, s25, $0xb8;
	[tilespmem:$0x7550] =	vst v63  }
0xc7: {  	_ =	swait.ge [sflag:s24], $0x500  }
0xc8: {  	s30 =	simm.s32 $0x14;
	s29 =	simm.s32 $0xA;
	[sflag:s24] =	ssyncset.done $0x0  }
.LBB2_7:
0xc9: {  	s31 =	sadd.s32 s29, s19  }
0xca: {  	[sflag:s24] =	ssyncadd.s32 $0xFFFFFB00;
	s29 =	smov.u32 s30;
	s0 =	sadd.s32 $0xA, s30  }
0xcb: {  	[tilespmem:s3], [sflag:$0x1] =	stream.linear.gather [hbm4b:s31+s3], $0x50, $0x38;
	[tilespmem:$0x7550] =	vst v63  }
0xcc: {  	p1 =	sne.s32 s30, $0xF46;
	_ =	swait.ge [sflag:s24], $0x50  }
.Ltmp8:
0xcd: {  	[sflag:s24] =	ssyncset.done $0x0;
	(pc) =	sbr.rel @p1 .LBB2_7-.Ltmp8, $4  }
0xce: {  	[sflag:s24] =	ssyncadd.s32 $0xFFFFFFB0  }
0xcf: {  	[spmem:s2] =	stream.indirect.scatter.add.f32 [tilespmem:s25], [sflag:$0x1], $0x10, s3, s25, $0xb8;
	[tilespmem:$0x7550] =	vst v63  }
0xd0: {  	_ =	swait.ge [sflag:s24], $0x500  }
0xd1: {  	s30 =	smov.u32 s0;
	[sflag:s24] =	ssyncset.done $0x0  }
0xd2: {  	s0 =	sadd.s32 s29, s19;
	[sflag:s24] =	ssyncadd.s32 $0xFFFFFB00  }
0xd3: {  	[tilespmem:s3], [sflag:$0x1] =	stream.linear.gather [hbm4b:s0+s3], $0x50, $0x38;
	[tilespmem:$0x7550] =	vst v63  }
0xd4: {  	_ =	swait.ge [sflag:s24], $0x50  }
0xd5: {  	[sflag:s24] =	ssyncset.done $0x0  }
0xd6: {  	[sflag:s24] =	ssyncadd.s32 $0xFFFFFFB0  }
0xd7: {  	[spmem:s2] =	stream.indirect.scatter.add.f32 [tilespmem:s25], [sflag:$0x1], $0x10, s3, s25, $0xb8;
	[tilespmem:$0x7550] =	vst v63  }
0xd8: {  	_ =	swait.ge [sflag:s24], $0x500  }
0xd9: {  	[sflag:s24] =	ssyncset.done $0x0  }
0xda: {  	[sflag:s24] =	ssyncadd.s32 $0xFFFFFB00  }
0xdb: {  	[bflag:$0x0] =	sbarrier.arrive $0xFFFF  }
0xdc: {  	[tilespmem:s26], [sflag:$0x1] =	stream.linear.gather [spmem:s4], $0x700, $0x38;
	[tilespmem:$0x7550] =	vst v63  }
0xdd: {  	_ =	swait.ge [sflag:s24], $0x700  }
0xde: {  	[sflag:s24] =	ssyncset.done $0x0  }
0xdf: {  	s31 =	sadd.s32 $0x0, s20;
	[sflag:s24] =	ssyncadd.s32 $0xFFFFF900  }
0xe0: {  	[hbm4b:s31+s3] =	stream.linear.scatter [tilespmem:s26], [sflag:$0x1], $0x700, $0x38;
	[tilespmem:$0x7550] =	vst v63  }
0xe1: {  	_ =	swait.ge [sflag:s24], $0x700  }
0xe2: {  	s29 =	simm.s32 $0xE0;
	s30 =	smov.u32 s4;
	[sflag:s24] =	ssyncset.done $0x0  }
.LBB2_9:
0xe3: {  	p1 =	seq.s32 s29, $0xB60;
	[sflag:s24] =	ssyncadd.s32 $0xFFFFF900;
	s30 =	sadd.s32 $0x700, s30  }
0xe4: {  	[tilespmem:s26], [sflag:$0x1] =	stream.linear.gather [spmem:s30], $0x700, $0x38;
	[tilespmem:$0x7550] =	vst v63  }
0xe5: {  	s0 =	smov.u32 s29;
	s29 =	sadd.s32 $0xE0, s29;
	_ =	swait.ge [sflag:s24], $0x700  }
.Ltmp9:
0xe6: {  	[sflag:s24] =	ssyncset.done $0x0;
	(pc) =	sbr.rel @!p1 .LBB2_9-.Ltmp9, $4  }
0xe7: {  	s0 =	sadd.s32 s0, s20;
	[sflag:s24] =	ssyncadd.s32 $0xFFFFF900  }
0xe8: {  	[hbm4b:s0+s3] =	stream.linear.scatter [tilespmem:s26], [sflag:$0x1], $0x700, $0x38;
	[tilespmem:$0x7550] =	vst v63  }
0xe9: {  	_ =	swait.ge [sflag:s24], $0x700  }
0xea: {  	[sflag:s24] =	ssyncset.done $0x0  }
.Ltmp10:
0xeb: {  	_ = 	snop;
	(pc) =	sbr.rel .LBB2_10-.Ltmp10, $1  }
0xec: {  	_ =	sdelay $0x3  }
.LBB2_17:
0xed: {  	_ =	sfence.sel $0x180000  }
0xee: {  	[bflag:$0x0] =	sbarrier.arrive $0xFFFF  }
0xef: {  	_ =	strace $0x9000004A  }
0xf0: {  	[bflag:$0x2] =	sbarrier.arrive $0xFFFF  }
0xf1: {  	p0 =	sne.s32 s1, $0x0;
	s0 =	rddreg [dreg:$0x3]  }
0xf2: {  	s0 =	sadd.s32 @!p0 $0x100000, s0  }
0xf3: {  	[sflag:s0] =	ssyncadd.tile.s32 @!p0 $0x1;
	_ =	shalt  }
.Lfunc_end2:
_tile_overlayer_lowered:
.L_overlay_start_2:
0xf4: {  	(tag) =	ssettag $0x2  }
0xf5: {  	s0 =	rddreg [dreg:$0x0];
	s2 =	stileid.u32  }
0xf6: {  	s1 =	rddreg [dreg:$0x1];
	p0 =	sne.s32 s2, $0x0  }
0xf7: {  	s3 =	rddreg [dreg:$0x2];
	[bflag:$0x3] =	sbarrier.arrive $0xFFFF;
	s2 =	simm.s32 @!p0 $0x1C01  }
0xf8: {  	[timem:s3], [sflag:s2] =	dma.local @!p0 [hbm:s0], s1  }
0xf9: {  	s0 =	simm.s32 @!p0 $0x1  }
0xfa: {  	_ =	swait.ge @!p0 [sflag:s0], s1  }
0xfb: {  	s1 =	ssub.s32 @!p0 $0x0, s1;
	[sflag:s0] =	ssyncset.done @!p0 $0x0  }
0xfc: {  	[sflag:s0] =	ssyncadd.s32 @!p0 s1  }
0xfd: {  	[bflag:$0x3] =	sbarrier.arrive $0xFFFF  }
0xfe: {  	_ =	shalt  }

// kernel: kernel.13.cloned.1.call-start
scs
__scs_entry_jumppad:
0x0: {  	(pc) =	sbr.rel $0x88, $3  }
0x1: {  	(tag) =	ssettag $0x0;
	lr =	simm.s32 $0x1  }
0x2: {  	[smem:$0x3F8E] =	sst lr;
	_ =	strace $0xD0000000  }
0x3: {  	_ = 	snop  }
0x4: {  	_ = 	snop  }
0x5: {  	_ = 	snop  }
0x6: {  	_ = 	snop  }
0x7: {  	_ = 	snop  }
__scs_overlays_trampoline_lowered:
0x8: {  	[smem:$0x3F9D] =	sst s0  }
0x9: {  	[smem:$0x3F9E] =	sst s1  }
0xa: {  	[smem:$0x3F9F] =	sst s2  }
0xb: {  	[smem:$0x3FA0] =	sst s3  }
0xc: {  	[smem:$0x3FA1] =	sst s4  }
0xd: {  	[smem:$0x3FA2] =	sst s5  }
0xe: {  	[smem:$0x3FA3] =	sst s6  }
0xf: {  	[smem:$0x3FA4] =	sst s7  }
0x10: {  	[smem:$0x3FA5] =	sst s8  }
0x11: {  	[smem:$0x3FA6] =	sst s9;
	s0 =	simm.s32 @!p0 $0x0  }
0x12: {  	s1 =	sld [smem:$0x3F8C];
	s0 =	simm.s32 @p0 $0x1  }
0x13: {  	[smem:$0x3FA7] =	sst s0;
	s0 =	simm.s32 @!p1 $0x0  }
0x14: {  	s2 =	sld [smem:$0x3F8B];
	s0 =	simm.s32 @p1 $0x1  }
0x15: {  	[smem:$0x3FA8] =	sst s0;
	s0 =	simm.s32 @!p2 $0x0  }
0x16: {  	s3 =	sld [smem:$0x3FDB];
	s0 =	simm.s32 @p2 $0x1  }
0x17: {  	s4 =	simm.s32 $0x1BF5;
	[smem:$0x3FAA] =	sst s0  }
0x18: {  	s0 =	sld [smem:$0x3F8D];
	_ =	swait.ge [sflag:s4], $0x0  }
0x19: {  	s7 =	sld [smem:$0x3F8E]  }
0x1a: {  	s8 =	sadd.s32 $0xFFFFE003, lr  }
0x1b: {  	s9 =	sadd.s32 $0xFFFFFEF7, lr;
	s5 =	simm.s32 $0xFFFFFFFF;
	p2 =	slt.u32 s8, $0xFFFFF086  }
0x1c: {  	p1 =	slt.u32 s9, $0xF7A;
	s5 =	simm.s32 @!p2 $0x0  }
0x1d: {  	s5 =	simm.s32 @p1 $0x1;
	p0 =	seq.s32 s7, s2  }
0x1e: {  	s7 =	smul.u32 @!p0 $0xF7A, s2;
	p2 =	seq.s32 @!p0 s5, $0x0  }
0x1f: {  	s9 =	smul.u32 $0xF7A, s1;
	s8 =	simm.s32 @!p0 $0x1BF5;
	p2 =	por !p2, p0  }
0x20: {  	[sflag:s8] =	ssyncset.s32 @!p0 $0xFFFFF086;
	s6 =	sadd.s32 @!p0 s3, s7;
	s7 =	simm.s32 @!p0 $0x108  }
0x21: {  	s3 =	sadd.s32 s3, s9;
	s6 =	sadd.s32 @!p0 $0x88, s6;
	s7 =	simm.s32 @p2 $0x1082  }
0x22: {  	[simem:s7], [sflag:s8] =	dma.local @!p0 [hbm:s6], $0xF7A  }
0x23: {  	s9 =	sor.u32 $0xD0000000, s2;
	s6 =	simm.s32 $0x108;
	_ =	swait.ge @!p0 [sflag:s8], $0x0  }
0x24: {  	s3 =	sadd.s32 $0x88, s3;
	s6 =	simm.s32 @!p1 $0x1082;
	[sflag:s4] =	ssyncset.s32 $0xFFFFF086  }
0x25: {  	[simem:s6], [sflag:s4] =	dma.local [hbm:s3], $0xF7A  }
0x26: {  	[smem:$0x3F8E] =	sst s1;
	(tag) =	ssettag s2;
	_ =	strace s9  }
0x27: {  	s1 =	sld [smem:$0x3F9E]  }
0x28: {  	s2 =	sld [smem:$0x3F9F]  }
0x29: {  	s4 =	sld [smem:$0x3FA1]  }
0x2a: {  	p0 =	seq.s32 s5, $0x0;
	s5 =	sld [smem:$0x3FA2]  }
0x2b: {  	s6 =	sld [smem:$0x3FA3]  }
0x2c: {  	s7 =	sld [smem:$0x3FA4]  }
0x2d: {  	s3 =	simm.s32 $0x108;
	s8 =	sld [smem:$0x3FA5]  }
0x2e: {  	s3 =	simm.s32 @!p0 $0x1082;
	s9 =	sld [smem:$0x3FA6]  }
0x2f: {  	lr =	sadd.s32 s0, s3;
	s0 =	sld [smem:$0x3F9D]  }
0x30: {  	s3 =	sld [smem:$0x3FA0]  }
0x31: {  	[smem:$0x3FA9] =	sst s10  }
0x32: {  	s10 =	sld [smem:$0x3FA7];
	_ =	sdelay $0x3  }
0x33: {  	p0 =	seq.s32 s10, $0x1;
	s10 =	sld [smem:$0x3FA9];
	_ =	sdelay $0x3  }
0x34: {  	[smem:$0x3FA9] =	sst s10  }
0x35: {  	s10 =	sld [smem:$0x3FA8];
	_ =	sdelay $0x3  }
0x36: {  	p1 =	seq.s32 s10, $0x1;
	s10 =	sld [smem:$0x3FA9];
	_ =	sdelay $0x3  }
0x37: {  	[smem:$0x3FA9] =	sst s10  }
0x38: {  	s10 =	sld [smem:$0x3FAA]  }
0x39: {  	_ = 	snop;
	(pc) =	sbr.ind lr, $3  }
0x3a: {  	_ = 	snop  }
0x3b: {  	_ = 	snop  }
0x3c: {  	p2 =	seq.s32 s10, $0x1;
	s10 =	sld [smem:$0x3FA9]  }
0x3d: {  	_ =	shalt  }
0x3e: {  	_ =	shalt  }
0x3f: {  	_ =	shalt  }
0x40: {  	_ =	shalt  }
0x41: {  	_ =	shalt  }
0x42: {  	_ =	shalt  }
0x43: {  	_ =	shalt  }
0x44: {  	_ =	shalt  }
0x45: {  	_ =	shalt  }
0x46: {  	_ =	shalt  }
0x47: {  	_ =	shalt  }
0x48: {  	_ =	shalt  }
0x49: {  	_ =	shalt  }
0x4a: {  	_ =	shalt  }
0x4b: {  	_ =	shalt  }
0x4c: {  	_ =	shalt  }
0x4d: {  	_ =	shalt  }
0x4e: {  	_ =	shalt  }
0x4f: {  	_ =	shalt  }
0x50: {  	_ =	shalt  }
0x51: {  	_ =	shalt  }
0x52: {  	_ =	shalt  }
0x53: {  	_ =	shalt  }
0x54: {  	_ =	shalt  }
0x55: {  	_ =	shalt  }
0x56: {  	_ =	shalt  }
0x57: {  	_ =	shalt  }
0x58: {  	_ =	shalt  }
0x59: {  	_ =	shalt  }
0x5a: {  	_ =	shalt  }
0x5b: {  	_ =	shalt  }
0x5c: {  	_ =	shalt  }
0x5d: {  	_ =	shalt  }
0x5e: {  	_ =	shalt  }
0x5f: {  	_ =	shalt  }
0x60: {  	_ =	shalt  }
0x61: {  	_ =	shalt  }
0x62: {  	_ =	shalt  }
0x63: {  	_ =	shalt  }
0x64: {  	_ =	shalt  }
0x65: {  	_ =	shalt  }
0x66: {  	_ =	shalt  }
0x67: {  	_ =	shalt  }
0x68: {  	_ =	shalt  }
0x69: {  	_ =	shalt  }
0x6a: {  	_ =	shalt  }
0x6b: {  	_ =	shalt  }
0x6c: {  	_ =	shalt  }
0x6d: {  	_ =	shalt  }
0x6e: {  	_ =	shalt  }
0x6f: {  	_ =	shalt  }
0x70: {  	_ =	shalt  }
0x71: {  	_ =	shalt  }
0x72: {  	_ =	shalt  }
0x73: {  	_ =	shalt  }
0x74: {  	_ =	shalt  }
0x75: {  	_ =	shalt  }
0x76: {  	_ =	shalt  }
0x77: {  	_ =	shalt  }
0x78: {  	_ =	shalt  }
0x79: {  	_ =	shalt  }
0x7a: {  	_ =	shalt  }
0x7b: {  	_ =	shalt  }
0x7c: {  	_ =	shalt  }
0x7d: {  	_ =	shalt  }
0x7e: {  	_ =	shalt  }
0x7f: {  	_ =	shalt  }
0x80: {  	_ =	shalt  }
0x81: {  	_ =	shalt  }
0x82: {  	_ =	shalt  }
0x83: {  	_ =	shalt  }
0x84: {  	_ =	shalt  }
0x85: {  	_ =	shalt  }
0x86: {  	_ =	shalt  }
0x87: {  	_ =	shalt  }
.Lfunc_end0:
.L_simem_size_0:
called_computation.1_lowered:
.L_overlay_start_0:
0x88: {  	s2 =	sld [smem:$0x3FD9]  }
0x89: {  	s3 =	sld [smem:$0x3FFE];
	_ =	sdelay $0x1  }
0x8a: {  	s1 =	srdreg.scid  }
0x8b: {  	s0 =	sand.u32 $0x1, s1  }
0x8c: {  	s14 =	sshll.u32 s0, $0xA;
	s2 =	sadd.s32 s3, s2  }
0x8d: {  	s2 =	sadd.s32 s2, s14  }
0x8e: {  	[smem:$0x3FB5] =	sst s2  }
0x8f: {  	_ = 	snop  }
0x90: {  	s2 =	sld [smem:$0x3FD0];
	_ =	sdelay $0x2  }
0x91: {  	s4 =	simm.s32 $0xB;
	s5 =	simm.s32 $0x10;
	s15 =	sld [smem:$0x3FC6]  }
0x92: {  	[smem:s5], [sflag:s4] =	dma.local [hbm:s2], $0x1  }
0x93: {  	_ =	swait.eq [sflag:s4], $0x1  }
0x94: {  	[sflag:s4] =	ssyncset.done $0x0  }
0x95: {  	[sflag:s4] =	ssyncadd.s32 $0xFFFFFFFF  }
0x96: {  	s16 =	sld [smem:$0x11];
	(tm) =	ssettm $0x1  }
0x97: {  	s17 =	sld [smem:$0x3FFB];
	_ =	sdelay $0x3  }
0x98: {  	_ =	strace s17  }
0x99: {  	s4 =	sld [smem:$0x3FFC];
	_ =	sdelay $0x3  }
0x9a: {  	_ =	strace s4  }
0x9b: {  	s4 =	sld [smem:$0x3FFD];
	_ =	sdelay $0x3  }
0x9c: {  	_ =	strace s4  }
0x9d: {  	_ =	strace $0x8FFFFFFF  }
0x9e: {  	s18 =	sld [smem:$0x3FDB];
	_ =	sdelay $0x1  }
0x9f: {  	s19 =	simm.s32 $_scs_section_size  }
0xa0: {  	s6 =	simm.s32 $_size__tile_overlayer_lowered;
	s7 =	simm.s32 $_tile_overlayer_lowered  }
0xa1: {  	s22 =	simm.s32 $0x1BFF;
	s21 =	sshll.u32 s7, $0x1;
	s4 =	sadd.s32 s19, s18  }
0xa2: {  	s8 =	simm.s32 $0x0;
	s20 =	sshll.u32 s6, $0x1;
	s6 =	sadd.s32 s21, s4  }
0xa3: {  	[timem:s8], [sflag:s22] =	dma.local [hbm:s6], s20  }
0xa4: {  	_ =	swait.ge [sflag:s22], s20  }
0xa5: {  	s5 =	ssub.s32 $0x0, s20;
	[sflag:s22] =	ssyncset.done $0x0  }
0xa6: {  	[sflag:s22] =	ssyncadd.s32 s5;
	_ =	sdelay $0x1  }
0xa7: {  	s23 =	simm.s32 $0x1B8B  }
0xa8: {  	_ =	swait.ge [sflag:s23], $0x1  }
0xa9: {  	[sflag:s23] =	ssyncset.done $0x0  }
0xaa: {  	s25 =	simm.s32 $0x1B8E;
	s24 =	sld [smem:$0x3FFE];
	[sflag:s23] =	ssyncadd.s32 $0xFFFFFFFF  }
0xab: {  	s26 =	simm.s32 $execute0_lowered;
	[smem:$0x3FD2] =	sst s25  }
0xac: {  	s6 =	sshll.u32 s26, $0x1;
	_ =	strace $0x80000046;
	[dreg:$0x1] =	wrdreg $0xFFFFFFFF  }
0xad: {  	s28 =	simm.s32 $_size_execute0_lowered;
	s4 =	sadd.s32 s4, s6;
	[dreg:$0x0] =	wrdreg $0x0  }
0xae: {  	s6 =	sshll.u32 s28, $0x1;
	[dreg:$0x2] =	wrdreg s4  }
0xaf: {  	[dreg:$0x3] =	wrdreg s6  }
0xb0: {  	[dreg:$0x4] =	wrdreg $0xC0  }
0xb1: {  	_ =	task [dreg:s8], $0x5FFFF  }
0xb2: {  	[dreg:$0x1] =	wrdreg $0xFFFFFFFF  }
0xb3: {  	[dreg:$0x0] =	wrdreg $0x60  }
0xb4: {  	[dreg:$0x2] =	wrdreg s15  }
0xb5: {  	[dreg:$0x3] =	wrdreg s24  }
0xb6: {  	[dreg:$0x4] =	wrdreg s16  }
0xb7: {  	[dreg:$0x5] =	wrdreg $0x30F00  }
0xb8: {  	[dreg:$0x6] =	wrdreg $0xA  }
0xb9: {  	_ =	task.clear_ibuf [dreg:s8], $0x7FFFF;
	_ =	strace $0x90000046  }
0xba: {  	s29 =	simm.s32 $0xA;
	_ =	strace $0x80000048  }
0xbb: {  	_ =	swait.ge [sflag:s29], $0x1  }
0xbc: {  	[sflag:s29] =	ssyncadd.s32 $0xFFFFFFFF  }
0xbd: {  	_ =	strace $0x90000048  }
0xbe: {  	_ =	sfence  }
0xbf: {  	s30 =	sld [smem:$0x0];
	_ =	sdelay $0x2  }
0xc0: {  	s31 =	sshll.u32 s1, $0xD;
	s1 =	sshrl.u32 s1, $0x2  }
0xc1: {  	s3 =	sand.u32 $0x4000, s31;
	s1 =	sadd.s32 s1, s30  }
0xc2: {  	s0 =	sor.u32 s3, s0;
	s1 =	sshll.u32 s1, $0x11  }
0xc3: {  	s0 =	sor.u32 s1, s0  }
0xc4: {  	s0 =	sadd.s32 $0x8F2B, s0  }
0xc5: {  	[sflag:s0] =	ssyncadd.remote.s32 $0x1  }
0xc6: {  	_ =	sfence.sel $0xFFFF  }
0xc7: {  	[dreg:$0x0] =	wrdreg $0xFFFFFFFF;
	(pc) =	sbr.abs _section_cstart, $3  }
0xc8: {  	[dreg:$0x1] =	wrdreg $0xFFFFFFFF  }
0xc9: {  	_ =	task.clear_ibuf [dreg:s8], $0x2FFFF;
	_ =	strace $0x9FFFFFFF  }
0xca: {  	(tm) =	ssettm $0x7FFFFFFF  }
0xcb: {  	_ =	shalt  }
tec
execute0_lowered:
.L_overlay_start_1:
0x0: {  	(tag) =	ssettag $0x1  }
0x1: {  	s1 =	rddreg [dreg:$0x0]  }
0x2: {  	s0 =	rddreg [dreg:$0x1]  }
0x3: {  	s3 =	rddreg [dreg:$0x2];
	s9 =	stileid.u32  }
0x4: {  	s2 =	srdreg.scid;
	s4 =	rddreg [dreg:$0x3]  }
0x5: {  	s5 =	simm.s32 $0x0;
	s28 =	simm.s32 $0x14F0;
	s6 =	smul.u32 $0xF50, s9  }
0x6: {  	s29 =	simm.s32 $0x2;
	s30 =	simm.s32 $0x50;
	s8 =	smul.u32 $0x18800, s9  }
0x7: {  	s2 =	sand.u32 $0x1, s2;
	[smem:$0x7FF] =	sst s5;
	s9 =	smul.u32 $0x62000, s9  }
0x8: {  	s31 =	simm.s32 $0xA0;
	s7 =	smul.u32 $0x188000, s2;
	_ =	strace $0x80000047  }
0x9: {  	s22 =	ssub.s32 $0x2, s2;
	v0 =	vmov s2;
	s2 =	simm.s32 $0xF0;
	s6 =	sadd.s32 s6, s0  }
0xa: {  	s10 =	sshrl.u32 s22, $0x1;
	s9 =	sshrl.u32 s9, $0x2;
	s7 =	sadd.s32 s8, s7  }
0xb: {  	s23 =	ssub.s32 s22, s10;
	s9 =	sadd.s32 s9, s4;
	s19 =	sadd.s32 $0x15400, s6  }
0xc: {  	s20 =	sadd.s32 $0x34000, s6;
	s22 =	sadd.s32 $0x5E00, s6;
	s7 =	sshrl.u32 s7, $0x3  }
0xd: {  	s24 =	sadd.s32 $0x1C00, s9;
	s25 =	sadd.s32 $0x3800, s9;
	s26 =	sadd.s32 $0x5400, s9  }
0xe: {  	s11 =	sadd.s32 $0x7000, s9;
	s12 =	sadd.s32 $0x8C00, s9;
	s13 =	sadd.s32 $0xA800, s9  }
0xf: {  	s14 =	sadd.s32 $0xC400, s9;
	s15 =	sadd.s32 $0xE000, s9;
	s16 =	sadd.s32 $0xFC00, s9  }
0x10: {  	s17 =	sadd.s32 $0x11800, s9;
	s18 =	sadd.s32 $0x13400, s9;
	[dreg:$0x6] =	wrdreg s24  }
0x11: {  	s0 =	sadd.s32 s7, s0;
	s7 =	smax.u32 s23, $0x1;
	[dreg:$0x7] =	wrdreg s25  }
0x12: {  	[dreg:$0x8] =	wrdreg s26;
	s23 =	sadd.s32 $0x24A00, s6;
	s25 =	sadd.s32 $0x15000, s9  }
0x13: {  	s26 =	sadd.s32 $0x16C00, s9;
	[dreg:$0x5] =	wrdreg s7;
	s21 =	sadd.s32 $0x43600, s0  }
0x14: {  	v1 =	vimm.f32 $0.0e+00;
	s24 =	sadd.s32 $0xA5600, s0;
	s0 =	simm.s32 $0x1;
	s7 =	simm.s32 $0x0  }
.LBB2_1:
0x15: {  	s8 =	simm.s32 $0x100;
	s6 =	simm.s32 $0x0  }
.LBB2_2:
0x16: {  	p0 =	sne.s32 s8, $0x6F00;
	[tilespmem:s6+$0x1520] =	vst v1;
	s10 =	smov.u32 s8;
	s8 =	sadd.s32 $0x100, s8  }
.Ltmp0:
0x17: {  	[tilespmem:s6+$0x1510] =	vst v1;
	(pc) =	sbr.rel @p0 .LBB2_2-.Ltmp0, $3  }
0x18: {  	[tilespmem:s6+$0x14F0] =	vst v1  }
0x19: {  	[tilespmem:s6+$0x1500] =	vst v1;
	_ =	sdelay $0x1  }
0x1a: {  	s6 =	sshra.s32 s10, $0x2  }
0x1b: {  	[tilespmem:s6+$0x1520] =	vst v1  }
0x1c: {  	[tilespmem:s6+$0x1510] =	vst v1  }
0x1d: {  	[tilespmem:s6+$0x14F0] =	vst v1  }
0x1e: {  	[tilespmem:s6+$0x1500] =	vst v1  }
0x1f: {  	[spmem:s9] =	stream.linear.scatter [tilespmem:s28], [sflag:$0x2], $0x1C00, $0x38;
	[tilespmem:$0x1B8F0] =	vst v63  }
0x20: {  	_ =	swait.ge [sflag:s29], $0x1C00  }
0x21: {  	[sflag:s29] =	ssyncset.done $0x0  }
0x22: {  	s10 =	rddreg [dreg:$0x6];
	[sflag:s29] =	ssyncadd.s32 $0xFFFFE400  }
0x23: {  	[spmem:s10] =	stream.linear.scatter [tilespmem:s28], [sflag:$0x2], $0x1C00, $0x38;
	[tilespmem:$0x1B8F0] =	vst v63  }
0x24: {  	_ =	swait.ge [sflag:s29], $0x1C00  }
0x25: {  	[sflag:s29] =	ssyncset.done $0x0  }
0x26: {  	s8 =	rddreg [dreg:$0x7];
	[sflag:s29] =	ssyncadd.s32 $0xFFFFE400  }
0x27: {  	[spmem:s8] =	stream.linear.scatter [tilespmem:s28], [sflag:$0x2], $0x1C00, $0x38;
	[tilespmem:$0x1B8F0] =	vst v63  }
0x28: {  	_ =	swait.ge [sflag:s29], $0x1C00  }
0x29: {  	[sflag:s29] =	ssyncset.done $0x0  }
0x2a: {  	s10 =	rddreg [dreg:$0x8];
	[sflag:s29] =	ssyncadd.s32 $0xFFFFE400  }
0x2b: {  	[spmem:s10] =	stream.linear.scatter [tilespmem:s28], [sflag:$0x2], $0x1C00, $0x38;
	[tilespmem:$0x1B8F0] =	vst v63  }
0x2c: {  	_ =	swait.ge [sflag:s29], $0x1C00  }
0x2d: {  	[sflag:s29] =	ssyncset.done $0x0  }
0x2e: {  	[sflag:s29] =	ssyncadd.s32 $0xFFFFE400  }
0x2f: {  	[spmem:s11] =	stream.linear.scatter [tilespmem:s28], [sflag:$0x2], $0x1C00, $0x38;
	[tilespmem:$0x1B8F0] =	vst v63  }
0x30: {  	_ =	swait.ge [sflag:s29], $0x1C00  }
0x31: {  	[sflag:s29] =	ssyncset.done $0x0  }
0x32: {  	[sflag:s29] =	ssyncadd.s32 $0xFFFFE400  }
0x33: {  	[spmem:s12] =	stream.linear.scatter [tilespmem:s28], [sflag:$0x2], $0x1C00, $0x38;
	[tilespmem:$0x1B8F0] =	vst v63  }
0x34: {  	_ =	swait.ge [sflag:s29], $0x1C00  }
0x35: {  	[sflag:s29] =	ssyncset.done $0x0  }
0x36: {  	[sflag:s29] =	ssyncadd.s32 $0xFFFFE400  }
0x37: {  	[spmem:s13] =	stream.linear.scatter [tilespmem:s28], [sflag:$0x2], $0x1C00, $0x38;
	[tilespmem:$0x1B8F0] =	vst v63  }
0x38: {  	_ =	swait.ge [sflag:s29], $0x1C00  }
0x39: {  	[sflag:s29] =	ssyncset.done $0x0  }
0x3a: {  	[sflag:s29] =	ssyncadd.s32 $0xFFFFE400  }
0x3b: {  	[spmem:s14] =	stream.linear.scatter [tilespmem:s28], [sflag:$0x2], $0x1C00, $0x38;
	[tilespmem:$0x1B8F0] =	vst v63  }
0x3c: {  	_ =	swait.ge [sflag:s29], $0x1C00  }
0x3d: {  	[sflag:s29] =	ssyncset.done $0x0  }
0x3e: {  	[sflag:s29] =	ssyncadd.s32 $0xFFFFE400  }
0x3f: {  	[spmem:s15] =	stream.linear.scatter [tilespmem:s28], [sflag:$0x2], $0x1C00, $0x38;
	[tilespmem:$0x1B8F0] =	vst v63  }
0x40: {  	_ =	swait.ge [sflag:s29], $0x1C00  }
0x41: {  	[sflag:s29] =	ssyncset.done $0x0  }
0x42: {  	[sflag:s29] =	ssyncadd.s32 $0xFFFFE400  }
0x43: {  	[spmem:s16] =	stream.linear.scatter [tilespmem:s28], [sflag:$0x2], $0x1C00, $0x38;
	[tilespmem:$0x1B8F0] =	vst v63  }
0x44: {  	_ =	swait.ge [sflag:s29], $0x1C00  }
0x45: {  	[sflag:s29] =	ssyncset.done $0x0  }
0x46: {  	[sflag:s29] =	ssyncadd.s32 $0xFFFFE400  }
0x47: {  	[spmem:s17] =	stream.linear.scatter [tilespmem:s28], [sflag:$0x2], $0x1C00, $0x38;
	[tilespmem:$0x1B8F0] =	vst v63  }
0x48: {  	_ =	swait.ge [sflag:s29], $0x1C00  }
0x49: {  	[sflag:s29] =	ssyncset.done $0x0  }
0x4a: {  	[sflag:s29] =	ssyncadd.s32 $0xFFFFE400  }
0x4b: {  	[spmem:s18] =	stream.linear.scatter [tilespmem:s28], [sflag:$0x2], $0x1C00, $0x38;
	[tilespmem:$0x1B8F0] =	vst v63  }
0x4c: {  	_ =	swait.ge [sflag:s29], $0x1C00  }
0x4d: {  	[sflag:s29] =	ssyncset.done $0x0  }
0x4e: {  	[sflag:s29] =	ssyncadd.s32 $0xFFFFE400  }
0x4f: {  	[spmem:s25] =	stream.linear.scatter [tilespmem:s28], [sflag:$0x2], $0x1C00, $0x38;
	[tilespmem:$0x1B8F0] =	vst v63  }
0x50: {  	_ =	swait.ge [sflag:s29], $0x1C00  }
0x51: {  	[sflag:s29] =	ssyncset.done $0x0  }
0x52: {  	[sflag:s29] =	ssyncadd.s32 $0xFFFFE400  }
0x53: {  	[spmem:s26] =	stream.linear.scatter [tilespmem:s28], [sflag:$0x2], $0x1C00, $0x38;
	[tilespmem:$0x1B8F0] =	vst v63  }
0x54: {  	_ =	swait.ge [sflag:s29], $0x1C00  }
0x55: {  	[sflag:s29] =	ssyncset.done $0x0  }
0x56: {  	[sflag:s29] =	ssyncadd.s32 $0xFFFFE400  }
0x57: {  	s8 =	sadd.s32 $0x0, s20;
	[bflag:$0x0] =	sbarrier.arrive $0xFFFF  }
0x58: {  	[tilespmem:s5], [sflag:$0x2] =	stream.linear.gather [hbm4b:s8+s5], $0x50, $0x38;
	[tilespmem:$0x1B8F0] =	vst v63  }
0x59: {  	_ =	swait.ge [sflag:s29], $0x50  }
0x5a: {  	[sflag:s29] =	ssyncset.done $0x0  }
0x5b: {  	s10 =	sadd.s32 $0x0, s19;
	[sflag:s29] =	ssyncadd.s32 $0xFFFFFFB0  }
0x5c: {  	[tilespmem:s30], [sflag:$0x2] =	stream.linear.gather [hbm4b:s10+s5], $0x50, $0x38;
	[tilespmem:$0x1B8F0] =	vst v63  }
0x5d: {  	_ =	swait.ge [sflag:s29], $0x50  }
0x5e: {  	[sflag:s29] =	ssyncset.done $0x0  }
0x5f: {  	[sflag:s29] =	ssyncadd.s32 $0xFFFFFFB0  }
0x60: {  	v2 =	vld [tilespmem:$0x40]  }
0x61: {  	v3 =	vld [tilespmem:$0x30]  }
0x62: {  	v4 =	vld [tilespmem:$0x20]  }
0x63: {  	v5 =	vld [tilespmem:$0x10]  }
0x64: {  	v6 =	vld [tilespmem:$0x0]  }
0x65: {  	v2 =	vshll.u32 v2, $0x1  }
0x66: {  	v3 =	vshll.u32 v3, $0x1;
	v2 =	vor.u32 v0, v2  }
0x67: {  	v4 =	vshll.u32 v4, $0x1;
	v3 =	vor.u32 v0, v3;
	[tilespmem:$0xE0] =	vst v2  }
0x68: {  	v4 =	vor.u32 v0, v4;
	v2 =	vshll.u32 v5, $0x1;
	[tilespmem:$0xD0] =	vst v3  }
0x69: {  	v3 =	vshll.u32 v6, $0x1;
	[tilespmem:$0xC0] =	vst v4;
	v2 =	vor.u32 v0, v2  }
0x6a: {  	v3 =	vor.u32 v0, v3;
	[tilespmem:$0xB0] =	vst v2  }
0x6b: {  	[tilespmem:$0xA0] =	vst v3  }
0x6c: {  	[tilespmem:s2], [sflag:$0x1] =	stream.indirect.gather [hbm4b:s1+s30], $0x40, s31, s30, $0xb8;
	[tilespmem:$0x1B8F0] =	vst v63  }
0x6d: {  	_ =	swait.ge [sflag:s0], $0x1400  }
0x6e: {  	s8 =	simm.s32 $0xA;
	[sflag:s0] =	ssyncset.done $0x0  }
.LBB2_4:
0x6f: {  	p0 =	sne.s32 s8, $0xF46  }
0x70: {  	[sflag:s0] =	ssyncadd.s32 $0xFFFFEC00;
	s6 =	smov.u32 s8;
	s8 =	sadd.s32 $0xA, s8  }
0x71: {  	[spmem:s4] =	stream.indirect.scatter.add.f32 [tilespmem:s2], [sflag:$0x2], $0x40, s30, s30, $0xb8;
	[tilespmem:$0x1B8F0] =	vst v63  }
0x72: {  	_ =	swait.ge [sflag:s29], $0x1400  }
0x73: {  	[sflag:s29] =	ssyncset.done $0x0  }
0x74: {  	s10 =	sadd.s32 s6, s20;
	[sflag:s29] =	ssyncadd.s32 $0xFFFFEC00  }
0x75: {  	[tilespmem:s5], [sflag:$0x2] =	stream.linear.gather [hbm4b:s10+s5], $0x50, $0x38;
	[tilespmem:$0x1B8F0] =	vst v63  }
0x76: {  	_ =	swait.ge [sflag:s29], $0x50  }
0x77: {  	[sflag:s29] =	ssyncset.done $0x0  }
0x78: {  	s6 =	sadd.s32 s6, s19;
	[sflag:s29] =	ssyncadd.s32 $0xFFFFFFB0  }
0x79: {  	[tilespmem:s30], [sflag:$0x2] =	stream.linear.gather [hbm4b:s6+s5], $0x50, $0x38;
	[tilespmem:$0x1B8F0] =	vst v63  }
0x7a: {  	_ =	swait.ge [sflag:s29], $0x50  }
0x7b: {  	[sflag:s29] =	ssyncset.done $0x0  }
0x7c: {  	[sflag:s29] =	ssyncadd.s32 $0xFFFFFFB0  }
0x7d: {  	v2 =	vld [tilespmem:$0x40]  }
0x7e: {  	v3 =	vld [tilespmem:$0x30]  }
0x7f: {  	v4 =	vld [tilespmem:$0x20]  }
0x80: {  	v5 =	vld [tilespmem:$0x10]  }
0x81: {  	v6 =	vld [tilespmem:$0x0]  }
0x82: {  	v2 =	vshll.u32 v2, $0x1  }
0x83: {  	v3 =	vshll.u32 v3, $0x1;
	v2 =	vor.u32 v0, v2  }
0x84: {  	v4 =	vshll.u32 v4, $0x1;
	v3 =	vor.u32 v0, v3;
	[tilespmem:$0xE0] =	vst v2  }
0x85: {  	v2 =	vshll.u32 v5, $0x1;
	v4 =	vor.u32 v0, v4;
	[tilespmem:$0xD0] =	vst v3  }
0x86: {  	v3 =	vshll.u32 v6, $0x1;
	v2 =	vor.u32 v0, v2;
	[tilespmem:$0xC0] =	vst v4  }
.Ltmp1:
0x87: {  	v3 =	vor.u32 v0, v3;
	[tilespmem:$0xB0] =	vst v2;
	(pc) =	sbr.rel @p0 .LBB2_4-.Ltmp1, $4  }
0x88: {  	[tilespmem:$0xA0] =	vst v3  }
0x89: {  	[tilespmem:s2], [sflag:$0x1] =	stream.indirect.gather [hbm4b:s1+s30], $0x40, s31, s30, $0xb8;
	[tilespmem:$0x1B8F0] =	vst v63  }
0x8a: {  	_ =	swait.ge [sflag:s0], $0x1400  }
0x8b: {  	[sflag:s0] =	ssyncset.done $0x0  }
0x8c: {  	[sflag:s0] =	ssyncadd.s32 $0xFFFFEC00  }
0x8d: {  	[spmem:s4] =	stream.indirect.scatter.add.f32 [tilespmem:s2], [sflag:$0x2], $0x40, s30, s30, $0xb8;
	[tilespmem:$0x1B8F0] =	vst v63  }
0x8e: {  	_ =	swait.ge [sflag:s29], $0x1400  }
0x8f: {  	[sflag:s29] =	ssyncset.done $0x0  }
0x90: {  	[sflag:s29] =	ssyncadd.s32 $0xFFFFEC00  }
0x91: {  	[bflag:$0x0] =	sbarrier.arrive $0xFFFF  }
0x92: {  	[tilespmem:s28], [sflag:$0x2] =	stream.linear.gather [spmem:s9], $0x1C00, $0x38;
	[tilespmem:$0x1B8F0] =	vst v63  }
0x93: {  	_ =	swait.ge [sflag:s29], $0x1C00  }
0x94: {  	[sflag:s29] =	ssyncset.done $0x0  }
0x95: {  	s6 =	sadd.s32 $0x0, s21;
	[sflag:s29] =	ssyncadd.s32 $0xFFFFE400  }
0x96: {  	[hbm4b:s6+s5] =	stream.linear.scatter [tilespmem:s28], [sflag:$0x2], $0x1C00, $0x38;
	[tilespmem:$0x1B8F0] =	vst v63  }
0x97: {  	_ =	swait.ge [sflag:s29], $0x1C00  }
0x98: {  	s8 =	simm.s32 $0x380;
	s6 =	smov.u32 s9;
	[sflag:s29] =	ssyncset.done $0x0  }
.LBB2_6:
0x99: {  	p0 =	sne.s32 s8, $0x2D80;
	[sflag:s29] =	ssyncadd.s32 $0xFFFFE400;
	s6 =	sadd.s32 $0x1C00, s6  }
0x9a: {  	[tilespmem:s28], [sflag:$0x2] =	stream.linear.gather [spmem:s6], $0x1C00, $0x38;
	[tilespmem:$0x1B8F0] =	vst v63  }
0x9b: {  	s10 =	smov.u32 s8;
	s8 =	sadd.s32 $0x380, s8;
	_ =	swait.ge [sflag:s29], $0x1C00  }
.Ltmp2:
0x9c: {  	[sflag:s29] =	ssyncset.done $0x0;
	(pc) =	sbr.rel @p0 .LBB2_6-.Ltmp2, $4  }
0x9d: {  	s10 =	sadd.s32 s10, s21;
	[sflag:s29] =	ssyncadd.s32 $0xFFFFE400  }
0x9e: {  	[hbm4b:s10+s5] =	stream.linear.scatter [tilespmem:s28], [sflag:$0x2], $0x1C00, $0x38;
	[tilespmem:$0x1B8F0] =	vst v63  }
0x9f: {  	_ =	swait.ge [sflag:s29], $0x1C00  }
0xa0: {  	[sflag:s29] =	ssyncset.done $0x0  }
0xa1: {  	[sflag:s29] =	ssyncadd.s32 $0xFFFFE400  }
0xa2: {  	s8 =	simm.s32 $0x100;
	s6 =	simm.s32 $0x0;
	[bflag:$0x0] =	sbarrier.arrive $0xFFFF  }
.LBB2_8:
0xa3: {  	p0 =	seq.s32 s8, $0x6F00;
	[tilespmem:s6+$0x1520] =	vst v1;
	s10 =	smov.u32 s8;
	s8 =	sadd.s32 $0x100, s8  }
.Ltmp3:
0xa4: {  	[tilespmem:s6+$0x1510] =	vst v1;
	(pc) =	sbr.rel @!p0 .LBB2_8-.Ltmp3, $3  }
0xa5: {  	[tilespmem:s6+$0x14F0] =	vst v1  }
0xa6: {  	[tilespmem:s6+$0x1500] =	vst v1;
	_ =	sdelay $0x1  }
0xa7: {  	s6 =	sshra.s32 s10, $0x2  }
0xa8: {  	[tilespmem:s6+$0x1520] =	vst v1  }
0xa9: {  	[tilespmem:s6+$0x1510] =	vst v1  }
0xaa: {  	[tilespmem:s6+$0x14F0] =	vst v1  }
0xab: {  	[tilespmem:s6+$0x1500] =	vst v1  }
0xac: {  	[spmem:s9] =	stream.linear.scatter [tilespmem:s28], [sflag:$0x2], $0x1C00, $0x38;
	[tilespmem:$0x1B8F0] =	vst v63  }
0xad: {  	_ =	swait.ge [sflag:s29], $0x1C00  }
0xae: {  	[sflag:s29] =	ssyncset.done $0x0  }
0xaf: {  	s10 =	rddreg [dreg:$0x6];
	[sflag:s29] =	ssyncadd.s32 $0xFFFFE400  }
0xb0: {  	[spmem:s10] =	stream.linear.scatter [tilespmem:s28], [sflag:$0x2], $0x1C00, $0x38;
	[tilespmem:$0x1B8F0] =	vst v63  }
0xb1: {  	_ =	swait.ge [sflag:s29], $0x1C00  }
0xb2: {  	[sflag:s29] =	ssyncset.done $0x0  }
0xb3: {  	s8 =	rddreg [dreg:$0x7];
	[sflag:s29] =	ssyncadd.s32 $0xFFFFE400  }
0xb4: {  	[spmem:s8] =	stream.linear.scatter [tilespmem:s28], [sflag:$0x2], $0x1C00, $0x38;
	[tilespmem:$0x1B8F0] =	vst v63  }
0xb5: {  	_ =	swait.ge [sflag:s29], $0x1C00  }
0xb6: {  	[sflag:s29] =	ssyncset.done $0x0  }
0xb7: {  	s10 =	rddreg [dreg:$0x8];
	[sflag:s29] =	ssyncadd.s32 $0xFFFFE400  }
0xb8: {  	[spmem:s10] =	stream.linear.scatter [tilespmem:s28], [sflag:$0x2], $0x1C00, $0x38;
	[tilespmem:$0x1B8F0] =	vst v63  }
0xb9: {  	_ =	swait.ge [sflag:s29], $0x1C00  }
0xba: {  	[sflag:s29] =	ssyncset.done $0x0  }
0xbb: {  	[sflag:s29] =	ssyncadd.s32 $0xFFFFE400  }
0xbc: {  	[spmem:s11] =	stream.linear.scatter [tilespmem:s28], [sflag:$0x2], $0x1C00, $0x38;
	[tilespmem:$0x1B8F0] =	vst v63  }
0xbd: {  	_ =	swait.ge [sflag:s29], $0x1C00  }
0xbe: {  	[sflag:s29] =	ssyncset.done $0x0  }
0xbf: {  	[sflag:s29] =	ssyncadd.s32 $0xFFFFE400  }
0xc0: {  	[spmem:s12] =	stream.linear.scatter [tilespmem:s28], [sflag:$0x2], $0x1C00, $0x38;
	[tilespmem:$0x1B8F0] =	vst v63  }
0xc1: {  	_ =	swait.ge [sflag:s29], $0x1C00  }
0xc2: {  	[sflag:s29] =	ssyncset.done $0x0  }
0xc3: {  	[sflag:s29] =	ssyncadd.s32 $0xFFFFE400  }
0xc4: {  	[spmem:s13] =	stream.linear.scatter [tilespmem:s28], [sflag:$0x2], $0x1C00, $0x38;
	[tilespmem:$0x1B8F0] =	vst v63  }
0xc5: {  	_ =	swait.ge [sflag:s29], $0x1C00  }
0xc6: {  	[sflag:s29] =	ssyncset.done $0x0  }
0xc7: {  	[sflag:s29] =	ssyncadd.s32 $0xFFFFE400  }
0xc8: {  	[spmem:s14] =	stream.linear.scatter [tilespmem:s28], [sflag:$0x2], $0x1C00, $0x38;
	[tilespmem:$0x1B8F0] =	vst v63  }
0xc9: {  	_ =	swait.ge [sflag:s29], $0x1C00  }
0xca: {  	[sflag:s29] =	ssyncset.done $0x0  }
0xcb: {  	[sflag:s29] =	ssyncadd.s32 $0xFFFFE400  }
0xcc: {  	[spmem:s15] =	stream.linear.scatter [tilespmem:s28], [sflag:$0x2], $0x1C00, $0x38;
	[tilespmem:$0x1B8F0] =	vst v63  }
0xcd: {  	_ =	swait.ge [sflag:s29], $0x1C00  }
0xce: {  	[sflag:s29] =	ssyncset.done $0x0  }
0xcf: {  	[sflag:s29] =	ssyncadd.s32 $0xFFFFE400  }
0xd0: {  	[spmem:s16] =	stream.linear.scatter [tilespmem:s28], [sflag:$0x2], $0x1C00, $0x38;
	[tilespmem:$0x1B8F0] =	vst v63  }
0xd1: {  	_ =	swait.ge [sflag:s29], $0x1C00  }
0xd2: {  	[sflag:s29] =	ssyncset.done $0x0  }
0xd3: {  	[sflag:s29] =	ssyncadd.s32 $0xFFFFE400  }
0xd4: {  	[spmem:s17] =	stream.linear.scatter [tilespmem:s28], [sflag:$0x2], $0x1C00, $0x38;
	[tilespmem:$0x1B8F0] =	vst v63  }
0xd5: {  	_ =	swait.ge [sflag:s29], $0x1C00  }
0xd6: {  	[sflag:s29] =	ssyncset.done $0x0  }
0xd7: {  	[sflag:s29] =	ssyncadd.s32 $0xFFFFE400  }
0xd8: {  	[spmem:s18] =	stream.linear.scatter [tilespmem:s28], [sflag:$0x2], $0x1C00, $0x38;
	[tilespmem:$0x1B8F0] =	vst v63  }
0xd9: {  	_ =	swait.ge [sflag:s29], $0x1C00  }
0xda: {  	[sflag:s29] =	ssyncset.done $0x0  }
0xdb: {  	[sflag:s29] =	ssyncadd.s32 $0xFFFFE400  }
0xdc: {  	[spmem:s25] =	stream.linear.scatter [tilespmem:s28], [sflag:$0x2], $0x1C00, $0x38;
	[tilespmem:$0x1B8F0] =	vst v63  }
0xdd: {  	_ =	swait.ge [sflag:s29], $0x1C00  }
0xde: {  	[sflag:s29] =	ssyncset.done $0x0  }
0xdf: {  	[sflag:s29] =	ssyncadd.s32 $0xFFFFE400  }
0xe0: {  	[spmem:s26] =	stream.linear.scatter [tilespmem:s28], [sflag:$0x2], $0x1C00, $0x38;
	[tilespmem:$0x1B8F0] =	vst v63  }
0xe1: {  	_ =	swait.ge [sflag:s29], $0x1C00  }
0xe2: {  	[sflag:s29] =	ssyncset.done $0x0  }
0xe3: {  	[sflag:s29] =	ssyncadd.s32 $0xFFFFE400  }
0xe4: {  	s8 =	sadd.s32 $0x0, s23;
	[bflag:$0x0] =	sbarrier.arrive $0xFFFF  }
0xe5: {  	[tilespmem:s5], [sflag:$0x2] =	stream.linear.gather [hbm4b:s8+s5], $0x50, $0x38;
	[tilespmem:$0x1B8F0] =	vst v63  }
0xe6: {  	_ =	swait.ge [sflag:s29], $0x50  }
0xe7: {  	[sflag:s29] =	ssyncset.done $0x0  }
0xe8: {  	s10 =	sadd.s32 $0x0, s22;
	[sflag:s29] =	ssyncadd.s32 $0xFFFFFFB0  }
0xe9: {  	[tilespmem:s30], [sflag:$0x2] =	stream.linear.gather [hbm4b:s10+s5], $0x50, $0x38;
	[tilespmem:$0x1B8F0] =	vst v63  }
0xea: {  	_ =	swait.ge [sflag:s29], $0x50  }
0xeb: {  	[sflag:s29] =	ssyncset.done $0x0  }
0xec: {  	[sflag:s29] =	ssyncadd.s32 $0xFFFFFFB0  }
0xed: {  	v2 =	vld [tilespmem:$0x40]  }
0xee: {  	v3 =	vld [tilespmem:$0x30]  }
0xef: {  	v4 =	vld [tilespmem:$0x20]  }
0xf0: {  	v5 =	vld [tilespmem:$0x10]  }
0xf1: {  	v6 =	vld [tilespmem:$0x0]  }
0xf2: {  	v2 =	vshll.u32 v2, $0x1  }
0xf3: {  	v3 =	vshll.u32 v3, $0x1;
	v2 =	vor.u32 v0, v2  }
0xf4: {  	v4 =	vshll.u32 v4, $0x1;
	v3 =	vor.u32 v0, v3;
	[tilespmem:$0xE0] =	vst v2  }
0xf5: {  	v4 =	vor.u32 v0, v4;
	v2 =	vshll.u32 v5, $0x1;
	[tilespmem:$0xD0] =	vst v3  }
0xf6: {  	v3 =	vshll.u32 v6, $0x1;
	[tilespmem:$0xC0] =	vst v4;
	v2 =	vor.u32 v0, v2  }
0xf7: {  	v3 =	vor.u32 v0, v3;
	[tilespmem:$0xB0] =	vst v2  }
0xf8: {  	[tilespmem:$0xA0] =	vst v3  }
0xf9: {  	[tilespmem:s2], [sflag:$0x1] =	stream.indirect.gather [hbm4b:s3+s30], $0x40, s31, s30, $0xb8;
	[tilespmem:$0x1B8F0] =	vst v63  }
0xfa: {  	_ =	swait.ge [sflag:s0], $0x1400  }
0xfb: {  	s8 =	simm.s32 $0xA;
	[sflag:s0] =	ssyncset.done $0x0  }
.LBB2_10:
0xfc: {  	p0 =	sne.s32 s8, $0xF46  }
0xfd: {  	[sflag:s0] =	ssyncadd.s32 $0xFFFFEC00;
	s6 =	smov.u32 s8;
	s8 =	sadd.s32 $0xA, s8  }
0xfe: {  	[spmem:s4] =	stream.indirect.scatter.add.f32 [tilespmem:s2], [sflag:$0x2], $0x40, s30, s30, $0xb8;
	[tilespmem:$0x1B8F0] =	vst v63  }
0xff: {  	_ =	swait.ge [sflag:s29], $0x1400  }
0x100: {  	[sflag:s29] =	ssyncset.done $0x0  }
0x101: {  	s10 =	sadd.s32 s6, s23;
	[sflag:s29] =	ssyncadd.s32 $0xFFFFEC00  }
0x102: {  	[tilespmem:s5], [sflag:$0x2] =	stream.linear.gather [hbm4b:s10+s5], $0x50, $0x38;
	[tilespmem:$0x1B8F0] =	vst v63  }
0x103: {  	_ =	swait.ge [sflag:s29], $0x50  }
0x104: {  	[sflag:s29] =	ssyncset.done $0x0  }
0x105: {  	s6 =	sadd.s32 s6, s22;
	[sflag:s29] =	ssyncadd.s32 $0xFFFFFFB0  }
0x106: {  	[tilespmem:s30], [sflag:$0x2] =	stream.linear.gather [hbm4b:s6+s5], $0x50, $0x38;
	[tilespmem:$0x1B8F0] =	vst v63  }
0x107: {  	_ =	swait.ge [sflag:s29], $0x50  }
0x108: {  	[sflag:s29] =	ssyncset.done $0x0  }
0x109: {  	[sflag:s29] =	ssyncadd.s32 $0xFFFFFFB0  }
0x10a: {  	v2 =	vld [tilespmem:$0x40]  }
0x10b: {  	v3 =	vld [tilespmem:$0x30]  }
0x10c: {  	v4 =	vld [tilespmem:$0x20]  }
0x10d: {  	v5 =	vld [tilespmem:$0x10]  }
0x10e: {  	v6 =	vld [tilespmem:$0x0]  }
0x10f: {  	v2 =	vshll.u32 v2, $0x1  }
0x110: {  	v3 =	vshll.u32 v3, $0x1;
	v2 =	vor.u32 v0, v2  }
0x111: {  	v4 =	vshll.u32 v4, $0x1;
	v3 =	vor.u32 v0, v3;
	[tilespmem:$0xE0] =	vst v2  }
0x112: {  	v2 =	vshll.u32 v5, $0x1;
	v4 =	vor.u32 v0, v4;
	[tilespmem:$0xD0] =	vst v3  }
0x113: {  	v3 =	vshll.u32 v6, $0x1;
	v2 =	vor.u32 v0, v2;
	[tilespmem:$0xC0] =	vst v4  }
.Ltmp4:
0x114: {  	v3 =	vor.u32 v0, v3;
	[tilespmem:$0xB0] =	vst v2;
	(pc) =	sbr.rel @p0 .LBB2_10-.Ltmp4, $4  }
0x115: {  	[tilespmem:$0xA0] =	vst v3  }
0x116: {  	[tilespmem:s2], [sflag:$0x1] =	stream.indirect.gather [hbm4b:s3+s30], $0x40, s31, s30, $0xb8;
	[tilespmem:$0x1B8F0] =	vst v63  }
0x117: {  	_ =	swait.ge [sflag:s0], $0x1400  }
0x118: {  	[sflag:s0] =	ssyncset.done $0x0  }
0x119: {  	[sflag:s0] =	ssyncadd.s32 $0xFFFFEC00  }
0x11a: {  	[spmem:s4] =	stream.indirect.scatter.add.f32 [tilespmem:s2], [sflag:$0x2], $0x40, s30, s30, $0xb8;
	[tilespmem:$0x1B8F0] =	vst v63  }
0x11b: {  	_ =	swait.ge [sflag:s29], $0x1400  }
0x11c: {  	[sflag:s29] =	ssyncset.done $0x0  }
0x11d: {  	[sflag:s29] =	ssyncadd.s32 $0xFFFFEC00  }
0x11e: {  	[bflag:$0x0] =	sbarrier.arrive $0xFFFF  }
0x11f: {  	[tilespmem:s28], [sflag:$0x2] =	stream.linear.gather [spmem:s9], $0x1C00, $0x38;
	[tilespmem:$0x1B8F0] =	vst v63  }
0x120: {  	_ =	swait.ge [sflag:s29], $0x1C00  }
0x121: {  	[sflag:s29] =	ssyncset.done $0x0  }
0x122: {  	s6 =	sadd.s32 $0x0, s24;
	[sflag:s29] =	ssyncadd.s32 $0xFFFFE400  }
0x123: {  	[hbm4b:s6+s5] =	stream.linear.scatter [tilespmem:s28], [sflag:$0x2], $0x1C00, $0x38;
	[tilespmem:$0x1B8F0] =	vst v63  }
0x124: {  	_ =	swait.ge [sflag:s29], $0x1C00  }
0x125: {  	s8 =	simm.s32 $0x380;
	s6 =	smov.u32 s9;
	[sflag:s29] =	ssyncset.done $0x0  }
.LBB2_12:
0x126: {  	p0 =	sne.s32 s8, $0x2D80;
	[sflag:s29] =	ssyncadd.s32 $0xFFFFE400;
	s6 =	sadd.s32 $0x1C00, s6  }
0x127: {  	[tilespmem:s28], [sflag:$0x2] =	stream.linear.gather [spmem:s6], $0x1C00, $0x38;
	[tilespmem:$0x1B8F0] =	vst v63  }
0x128: {  	s10 =	smov.u32 s8;
	s8 =	sadd.s32 $0x380, s8;
	_ =	swait.ge [sflag:s29], $0x1C00  }
.Ltmp5:
0x129: {  	[sflag:s29] =	ssyncset.done $0x0;
	(pc) =	sbr.rel @p0 .LBB2_12-.Ltmp5, $4  }
0x12a: {  	s10 =	sadd.s32 s10, s24;
	[sflag:s29] =	ssyncadd.s32 $0xFFFFE400  }
0x12b: {  	[hbm4b:s10+s5] =	stream.linear.scatter [tilespmem:s28], [sflag:$0x2], $0x1C00, $0x38;
	[tilespmem:$0x1B8F0] =	vst v63  }
0x12c: {  	_ =	swait.ge [sflag:s29], $0x1C00  }
0x12d: {  	[sflag:s29] =	ssyncset.done $0x0  }
0x12e: {  	s7 =	sadd.s32 $0x1, s7;
	s6 =	rddreg [dreg:$0x5]  }
0x12f: {  	p0 =	sne.s32 s7, s6  }
.Ltmp6:
0x130: {  	_ = 	snop;
	(pc) =	sbr.rel @p0 .LBB2_1-.Ltmp6, $3  }
0x131: {  	_ = 	snop  }
0x132: {  	[sflag:s29] =	ssyncadd.s32 $0xFFFFE400  }
0x133: {  	[bflag:$0x0] =	sbarrier.arrive $0xFFFF;
	_ =	sdelay $0x1  }
0x134: {  	_ =	sfence.sel $0x180000  }
0x135: {  	[bflag:$0x0] =	sbarrier.arrive $0xFFFF  }
0x136: {  	_ =	strace $0x90000047  }
0x137: {  	s0 =	stileid.u32;
	[bflag:$0x2] =	sbarrier.arrive $0xFFFF  }
0x138: {  	p0 =	sne.s32 s0, $0x0;
	s0 =	rddreg [dreg:$0x4]  }
0x139: {  	s0 =	sadd.s32 @!p0 $0x100000, s0  }
0x13a: {  	[sflag:s0] =	ssyncadd.tile.s32 @!p0 $0x1;
	_ =	shalt  }
.Lfunc_end2:
_tile_overlayer_lowered:
.L_overlay_start_2:
0x13b: {  	(tag) =	ssettag $0x2  }
0x13c: {  	s0 =	rddreg [dreg:$0x0];
	s2 =	stileid.u32  }
0x13d: {  	s1 =	rddreg [dreg:$0x1];
	p0 =	sne.s32 s2, $0x0  }
0x13e: {  	s3 =	rddreg [dreg:$0x2];
	[bflag:$0x3] =	sbarrier.arrive $0xFFFF;
	s2 =	simm.s32 @!p0 $0x1C02  }
0x13f: {  	[timem:s3], [sflag:s2] =	dma.local @!p0 [hbm:s0], s1  }
0x140: {  	s0 =	simm.s32 @!p0 $0x2  }
0x141: {  	_ =	swait.ge @!p0 [sflag:s0], s1  }
0x142: {  	s1 =	ssub.s32 @!p0 $0x0, s1;
	[sflag:s0] =	ssyncset.done @!p0 $0x0  }
0x143: {  	[sflag:s0] =	ssyncadd.s32 @!p0 s1  }
0x144: {  	[bflag:$0x3] =	sbarrier.arrive $0xFFFF  }
0x145: {  	_ =	shalt  }

// kernel: kernel.16.cloned.1.call-start
scs
__scs_entry_jumppad:
0x0: {  	(pc) =	sbr.rel $0x88, $3  }
0x1: {  	(tag) =	ssettag $0x0;
	lr =	simm.s32 $0x1  }
0x2: {  	[smem:$0x3F8E] =	sst lr;
	_ =	strace $0xD0000000  }
0x3: {  	_ = 	snop  }
0x4: {  	_ = 	snop  }
0x5: {  	_ = 	snop  }
0x6: {  	_ = 	snop  }
0x7: {  	_ = 	snop  }
__scs_overlays_trampoline_lowered:
0x8: {  	[smem:$0x3F9D] =	sst s0  }
0x9: {  	[smem:$0x3F9E] =	sst s1  }
0xa: {  	[smem:$0x3F9F] =	sst s2  }
0xb: {  	[smem:$0x3FA0] =	sst s3  }
0xc: {  	[smem:$0x3FA1] =	sst s4  }
0xd: {  	[smem:$0x3FA2] =	sst s5  }
0xe: {  	[smem:$0x3FA3] =	sst s6  }
0xf: {  	[smem:$0x3FA4] =	sst s7  }
0x10: {  	[smem:$0x3FA5] =	sst s8  }
0x11: {  	[smem:$0x3FA6] =	sst s9;
	s0 =	simm.s32 @!p0 $0x0  }
0x12: {  	s1 =	sld [smem:$0x3F8C];
	s0 =	simm.s32 @p0 $0x1  }
0x13: {  	[smem:$0x3FA7] =	sst s0;
	s0 =	simm.s32 @!p1 $0x0  }
0x14: {  	s2 =	sld [smem:$0x3F8B];
	s0 =	simm.s32 @p1 $0x1  }
0x15: {  	[smem:$0x3FA8] =	sst s0;
	s0 =	simm.s32 @!p2 $0x0  }
0x16: {  	s3 =	sld [smem:$0x3FDB];
	s0 =	simm.s32 @p2 $0x1  }
0x17: {  	s4 =	simm.s32 $0x1BF5;
	[smem:$0x3FAA] =	sst s0  }
0x18: {  	s0 =	sld [smem:$0x3F8D];
	_ =	swait.ge [sflag:s4], $0x0  }
0x19: {  	s7 =	sld [smem:$0x3F8E]  }
0x1a: {  	s8 =	sadd.s32 $0xFFFFE003, lr  }
0x1b: {  	s9 =	sadd.s32 $0xFFFFFEF7, lr;
	s5 =	simm.s32 $0xFFFFFFFF;
	p2 =	slt.u32 s8, $0xFFFFF086  }
0x1c: {  	p1 =	slt.u32 s9, $0xF7A;
	s5 =	simm.s32 @!p2 $0x0  }
0x1d: {  	s5 =	simm.s32 @p1 $0x1;
	p0 =	seq.s32 s7, s2  }
0x1e: {  	s7 =	smul.u32 @!p0 $0xF7A, s2;
	p2 =	seq.s32 @!p0 s5, $0x0  }
0x1f: {  	s9 =	smul.u32 $0xF7A, s1;
	s8 =	simm.s32 @!p0 $0x1BF5;
	p2 =	por !p2, p0  }
0x20: {  	[sflag:s8] =	ssyncset.s32 @!p0 $0xFFFFF086;
	s6 =	sadd.s32 @!p0 s3, s7;
	s7 =	simm.s32 @!p0 $0x108  }
0x21: {  	s3 =	sadd.s32 s3, s9;
	s6 =	sadd.s32 @!p0 $0x88, s6;
	s7 =	simm.s32 @p2 $0x1082  }
0x22: {  	[simem:s7], [sflag:s8] =	dma.local @!p0 [hbm:s6], $0xF7A  }
0x23: {  	s9 =	sor.u32 $0xD0000000, s2;
	s6 =	simm.s32 $0x108;
	_ =	swait.ge @!p0 [sflag:s8], $0x0  }
0x24: {  	s3 =	sadd.s32 $0x88, s3;
	s6 =	simm.s32 @!p1 $0x1082;
	[sflag:s4] =	ssyncset.s32 $0xFFFFF086  }
0x25: {  	[simem:s6], [sflag:s4] =	dma.local [hbm:s3], $0xF7A  }
0x26: {  	[smem:$0x3F8E] =	sst s1;
	(tag) =	ssettag s2;
	_ =	strace s9  }
0x27: {  	s1 =	sld [smem:$0x3F9E]  }
0x28: {  	s2 =	sld [smem:$0x3F9F]  }
0x29: {  	s4 =	sld [smem:$0x3FA1]  }
0x2a: {  	p0 =	seq.s32 s5, $0x0;
	s5 =	sld [smem:$0x3FA2]  }
0x2b: {  	s6 =	sld [smem:$0x3FA3]  }
0x2c: {  	s7 =	sld [smem:$0x3FA4]  }
0x2d: {  	s3 =	simm.s32 $0x108;
	s8 =	sld [smem:$0x3FA5]  }
0x2e: {  	s3 =	simm.s32 @!p0 $0x1082;
	s9 =	sld [smem:$0x3FA6]  }
0x2f: {  	lr =	sadd.s32 s0, s3;
	s0 =	sld [smem:$0x3F9D]  }
0x30: {  	s3 =	sld [smem:$0x3FA0]  }
0x31: {  	[smem:$0x3FA9] =	sst s10  }
0x32: {  	s10 =	sld [smem:$0x3FA7];
	_ =	sdelay $0x3  }
0x33: {  	p0 =	seq.s32 s10, $0x1;
	s10 =	sld [smem:$0x3FA9];
	_ =	sdelay $0x3  }
0x34: {  	[smem:$0x3FA9] =	sst s10  }
0x35: {  	s10 =	sld [smem:$0x3FA8];
	_ =	sdelay $0x3  }
0x36: {  	p1 =	seq.s32 s10, $0x1;
	s10 =	sld [smem:$0x3FA9];
	_ =	sdelay $0x3  }
0x37: {  	[smem:$0x3FA9] =	sst s10  }
0x38: {  	s10 =	sld [smem:$0x3FAA]  }
0x39: {  	_ = 	snop;
	(pc) =	sbr.ind lr, $3  }
0x3a: {  	_ = 	snop  }
0x3b: {  	_ = 	snop  }
0x3c: {  	p2 =	seq.s32 s10, $0x1;
	s10 =	sld [smem:$0x3FA9]  }
0x3d: {  	_ =	shalt  }
0x3e: {  	_ =	shalt  }
0x3f: {  	_ =	shalt  }
0x40: {  	_ =	shalt  }
0x41: {  	_ =	shalt  }
0x42: {  	_ =	shalt  }
0x43: {  	_ =	shalt  }
0x44: {  	_ =	shalt  }
0x45: {  	_ =	shalt  }
0x46: {  	_ =	shalt  }
0x47: {  	_ =	shalt  }
0x48: {  	_ =	shalt  }
0x49: {  	_ =	shalt  }
0x4a: {  	_ =	shalt  }
0x4b: {  	_ =	shalt  }
0x4c: {  	_ =	shalt  }
0x4d: {  	_ =	shalt  }
0x4e: {  	_ =	shalt  }
0x4f: {  	_ =	shalt  }
0x50: {  	_ =	shalt  }
0x51: {  	_ =	shalt  }
0x52: {  	_ =	shalt  }
0x53: {  	_ =	shalt  }
0x54: {  	_ =	shalt  }
0x55: {  	_ =	shalt  }
0x56: {  	_ =	shalt  }
0x57: {  	_ =	shalt  }
0x58: {  	_ =	shalt  }
0x59: {  	_ =	shalt  }
0x5a: {  	_ =	shalt  }
0x5b: {  	_ =	shalt  }
0x5c: {  	_ =	shalt  }
0x5d: {  	_ =	shalt  }
0x5e: {  	_ =	shalt  }
0x5f: {  	_ =	shalt  }
0x60: {  	_ =	shalt  }
0x61: {  	_ =	shalt  }
0x62: {  	_ =	shalt  }
0x63: {  	_ =	shalt  }
0x64: {  	_ =	shalt  }
0x65: {  	_ =	shalt  }
0x66: {  	_ =	shalt  }
0x67: {  	_ =	shalt  }
0x68: {  	_ =	shalt  }
0x69: {  	_ =	shalt  }
0x6a: {  	_ =	shalt  }
0x6b: {  	_ =	shalt  }
0x6c: {  	_ =	shalt  }
0x6d: {  	_ =	shalt  }
0x6e: {  	_ =	shalt  }
0x6f: {  	_ =	shalt  }
0x70: {  	_ =	shalt  }
0x71: {  	_ =	shalt  }
0x72: {  	_ =	shalt  }
0x73: {  	_ =	shalt  }
0x74: {  	_ =	shalt  }
0x75: {  	_ =	shalt  }
0x76: {  	_ =	shalt  }
0x77: {  	_ =	shalt  }
0x78: {  	_ =	shalt  }
0x79: {  	_ =	shalt  }
0x7a: {  	_ =	shalt  }
0x7b: {  	_ =	shalt  }
0x7c: {  	_ =	shalt  }
0x7d: {  	_ =	shalt  }
0x7e: {  	_ =	shalt  }
0x7f: {  	_ =	shalt  }
0x80: {  	_ =	shalt  }
0x81: {  	_ =	shalt  }
0x82: {  	_ =	shalt  }
0x83: {  	_ =	shalt  }
0x84: {  	_ =	shalt  }
0x85: {  	_ =	shalt  }
0x86: {  	_ =	shalt  }
0x87: {  	_ =	shalt  }
.Lfunc_end0:
.L_simem_size_0:
called_computation.2_lowered:
.L_overlay_start_0:
0x88: {  	s2 =	sld [smem:$0x3FD9]  }
0x89: {  	s3 =	sld [smem:$0x3FFE];
	_ =	sdelay $0x1  }
0x8a: {  	s1 =	srdreg.scid  }
0x8b: {  	s0 =	sand.u32 $0x1, s1  }
0x8c: {  	s14 =	sshll.u32 s0, $0xA;
	s2 =	sadd.s32 s3, s2  }
0x8d: {  	s2 =	sadd.s32 s2, s14  }
0x8e: {  	[smem:$0x3FB5] =	sst s2  }
0x8f: {  	_ = 	snop  }
0x90: {  	s2 =	sld [smem:$0x3FD0];
	_ =	sdelay $0x2  }
0x91: {  	s15 =	simm.s32 $0xB;
	s4 =	simm.s32 $0x10  }
0x92: {  	[smem:s4], [sflag:s15] =	dma.local [hbm:s2], $0x1  }
0x93: {  	_ =	swait.eq [sflag:s15], $0x1  }
0x94: {  	[sflag:s15] =	ssyncset.done $0x0  }
0x95: {  	s16 =	sld [smem:$0x10];
	[sflag:s15] =	ssyncadd.s32 $0xFFFFFFFF  }
0x96: {  	s17 =	sld [smem:$0x11];
	(tm) =	ssettm $0x1  }
0x97: {  	s18 =	sld [smem:$0x3FFB];
	_ =	sdelay $0x3  }
0x98: {  	_ =	strace s18  }
0x99: {  	s4 =	sld [smem:$0x3FFC];
	_ =	sdelay $0x3  }
0x9a: {  	_ =	strace s4  }
0x9b: {  	s4 =	sld [smem:$0x3FFD];
	_ =	sdelay $0x3  }
0x9c: {  	_ =	strace s4  }
0x9d: {  	_ =	strace $0x8FFFFFFF  }
0x9e: {  	s19 =	sld [smem:$0x3FDB];
	_ =	sdelay $0x1  }
0x9f: {  	s5 =	simm.s32 $_scs_section_size  }
0xa0: {  	s6 =	simm.s32 $_size__tile_overlayer_lowered;
	s7 =	simm.s32 $_tile_overlayer_lowered  }
0xa1: {  	s22 =	simm.s32 $0x1BFF;
	s21 =	sshll.u32 s7, $0x1;
	s4 =	sadd.s32 s5, s19  }
0xa2: {  	s8 =	simm.s32 $0x0;
	s20 =	sshll.u32 s6, $0x1;
	s6 =	sadd.s32 s21, s4  }
0xa3: {  	[timem:s8], [sflag:s22] =	dma.local [hbm:s6], s20  }
0xa4: {  	_ =	swait.ge [sflag:s22], s20  }
0xa5: {  	s5 =	ssub.s32 $0x0, s20;
	[sflag:s22] =	ssyncset.done $0x0  }
0xa6: {  	[sflag:s22] =	ssyncadd.s32 s5;
	_ =	sdelay $0x1  }
0xa7: {  	s23 =	simm.s32 $0x1B8B  }
0xa8: {  	_ =	swait.ge [sflag:s23], $0x1  }
0xa9: {  	[sflag:s23] =	ssyncset.done $0x0  }
0xaa: {  	s25 =	simm.s32 $0x1B8E;
	s24 =	sld [smem:$0x3FFE];
	[sflag:s23] =	ssyncadd.s32 $0xFFFFFFFF  }
0xab: {  	s26 =	simm.s32 $execute0_lowered;
	[smem:$0x3FD2] =	sst s25  }
0xac: {  	s6 =	sshll.u32 s26, $0x1;
	_ =	strace $0x8000004C;
	[dreg:$0x1] =	wrdreg $0xFFFFFFFF  }
0xad: {  	s28 =	simm.s32 $_size_execute0_lowered;
	s4 =	sadd.s32 s4, s6;
	[dreg:$0x0] =	wrdreg $0x0  }
0xae: {  	s6 =	sshll.u32 s28, $0x1;
	[dreg:$0x2] =	wrdreg s4  }
0xaf: {  	[dreg:$0x3] =	wrdreg s6  }
0xb0: {  	[dreg:$0x4] =	wrdreg $0xC0  }
0xb1: {  	_ =	task [dreg:s8], $0x5FFFF  }
0xb2: {  	[dreg:$0x1] =	wrdreg $0xFFFFFFFF  }
0xb3: {  	[dreg:$0x0] =	wrdreg $0x60  }
0xb4: {  	[dreg:$0x2] =	wrdreg s16  }
0xb5: {  	[dreg:$0x3] =	wrdreg s24  }
0xb6: {  	[dreg:$0x4] =	wrdreg s17  }
0xb7: {  	[dreg:$0x5] =	wrdreg $0x30F00  }
0xb8: {  	[dreg:$0x6] =	wrdreg $0x9  }
0xb9: {  	_ =	task.clear_ibuf [dreg:s8], $0x7FFFF;
	_ =	strace $0x9000004C  }
0xba: {  	s29 =	simm.s32 $0x9;
	_ =	strace $0x8000004E  }
0xbb: {  	_ =	swait.ge [sflag:s29], $0x1  }
0xbc: {  	[sflag:s29] =	ssyncadd.s32 $0xFFFFFFFF  }
0xbd: {  	_ =	strace $0x9000004E  }
0xbe: {  	_ =	sfence  }
0xbf: {  	s30 =	sld [smem:$0x0];
	_ =	sdelay $0x2  }
0xc0: {  	s31 =	sshll.u32 s1, $0xD;
	s1 =	sshrl.u32 s1, $0x2  }
0xc1: {  	s3 =	sand.u32 $0x4000, s31;
	s1 =	sadd.s32 s1, s30  }
0xc2: {  	s0 =	sor.u32 s3, s0;
	s1 =	sshll.u32 s1, $0x11  }
0xc3: {  	s0 =	sor.u32 s1, s0  }
0xc4: {  	s0 =	sadd.s32 $0x8F2B, s0  }
0xc5: {  	[sflag:s0] =	ssyncadd.remote.s32 $0x1  }
0xc6: {  	_ =	sfence.sel $0xFFFF  }
0xc7: {  	[dreg:$0x0] =	wrdreg $0xFFFFFFFF;
	(pc) =	sbr.abs _section_cstart, $3  }
0xc8: {  	[dreg:$0x1] =	wrdreg $0xFFFFFFFF  }
0xc9: {  	_ =	task.clear_ibuf [dreg:s8], $0x2FFFF;
	_ =	strace $0x9FFFFFFF  }
0xca: {  	(tm) =	ssettm $0x7FFFFFFF  }
0xcb: {  	_ =	shalt  }
tec
execute0_lowered:
.L_overlay_start_1:
0x0: {  	(tag) =	ssettag $0x1  }
0x1: {  	s1 =	rddreg [dreg:$0x0]  }
0x2: {  	s0 =	rddreg [dreg:$0x1]  }
0x3: {  	s3 =	rddreg [dreg:$0x2];
	s9 =	stileid.u32  }
0x4: {  	s2 =	srdreg.scid;
	s4 =	rddreg [dreg:$0x3]  }
0x5: {  	s5 =	simm.s32 $0x0;
	s28 =	simm.s32 $0x14F0;
	s6 =	smul.u32 $0xF50, s9  }
0x6: {  	s29 =	simm.s32 $0x2;
	s30 =	simm.s32 $0x50;
	s8 =	smul.u32 $0x18800, s9  }
0x7: {  	s2 =	sand.u32 $0x1, s2;
	[smem:$0x7FF] =	sst s5;
	s9 =	smul.u32 $0x62000, s9  }
0x8: {  	s31 =	simm.s32 $0xA0;
	s7 =	smul.u32 $0x188000, s2;
	_ =	strace $0x8000004D  }
0x9: {  	s22 =	ssub.s32 $0x2, s2;
	v0 =	vmov s2;
	s2 =	simm.s32 $0xF0;
	s6 =	sadd.s32 s6, s0  }
0xa: {  	s10 =	sshrl.u32 s22, $0x1;
	s9 =	sshrl.u32 s9, $0x2;
	s7 =	sadd.s32 s8, s7  }
0xb: {  	s23 =	ssub.s32 s22, s10;
	s9 =	sadd.s32 s9, s4;
	s19 =	sadd.s32 $0x15400, s6  }
0xc: {  	s20 =	sadd.s32 $0x34000, s6;
	s22 =	sadd.s32 $0x5E00, s6;
	s7 =	sshrl.u32 s7, $0x3  }
0xd: {  	s24 =	sadd.s32 $0x1C00, s9;
	s25 =	sadd.s32 $0x3800, s9;
	s26 =	sadd.s32 $0x5400, s9  }
0xe: {  	s11 =	sadd.s32 $0x7000, s9;
	s12 =	sadd.s32 $0x8C00, s9;
	s13 =	sadd.s32 $0xA800, s9  }
0xf: {  	s14 =	sadd.s32 $0xC400, s9;
	s15 =	sadd.s32 $0xE000, s9;
	s16 =	sadd.s32 $0xFC00, s9  }
0x10: {  	s17 =	sadd.s32 $0x11800, s9;
	s18 =	sadd.s32 $0x13400, s9;
	[dreg:$0x6] =	wrdreg s24  }
0x11: {  	s0 =	sadd.s32 s7, s0;
	s7 =	smax.u32 s23, $0x1;
	[dreg:$0x7] =	wrdreg s25  }
0x12: {  	[dreg:$0x8] =	wrdreg s26;
	s23 =	sadd.s32 $0x24A00, s6;
	s25 =	sadd.s32 $0x15000, s9  }
0x13: {  	s26 =	sadd.s32 $0x16C00, s9;
	[dreg:$0x5] =	wrdreg s7;
	s21 =	sadd.s32 $0x107600, s0  }
0x14: {  	v1 =	vimm.f32 $0.0e+00;
	s24 =	sadd.s32 $0x169600, s0;
	s0 =	simm.s32 $0x1;
	s7 =	simm.s32 $0x0  }
.LBB2_1:
0x15: {  	s8 =	simm.s32 $0x100;
	s6 =	simm.s32 $0x0  }
.LBB2_2:
0x16: {  	p0 =	sne.s32 s8, $0x6F00;
	[tilespmem:s6+$0x1520] =	vst v1;
	s10 =	smov.u32 s8;
	s8 =	sadd.s32 $0x100, s8  }
.Ltmp0:
0x17: {  	[tilespmem:s6+$0x1510] =	vst v1;
	(pc) =	sbr.rel @p0 .LBB2_2-.Ltmp0, $3  }
0x18: {  	[tilespmem:s6+$0x14F0] =	vst v1  }
0x19: {  	[tilespmem:s6+$0x1500] =	vst v1;
	_ =	sdelay $0x1  }
0x1a: {  	s6 =	sshra.s32 s10, $0x2  }
0x1b: {  	[tilespmem:s6+$0x1520] =	vst v1  }
0x1c: {  	[tilespmem:s6+$0x1510] =	vst v1  }
0x1d: {  	[tilespmem:s6+$0x14F0] =	vst v1  }
0x1e: {  	[tilespmem:s6+$0x1500] =	vst v1  }
0x1f: {  	[spmem:s9] =	stream.linear.scatter [tilespmem:s28], [sflag:$0x2], $0x1C00, $0x38;
	[tilespmem:$0x1B8F0] =	vst v63  }
0x20: {  	_ =	swait.ge [sflag:s29], $0x1C00  }
0x21: {  	[sflag:s29] =	ssyncset.done $0x0  }
0x22: {  	s10 =	rddreg [dreg:$0x6];
	[sflag:s29] =	ssyncadd.s32 $0xFFFFE400  }
0x23: {  	[spmem:s10] =	stream.linear.scatter [tilespmem:s28], [sflag:$0x2], $0x1C00, $0x38;
	[tilespmem:$0x1B8F0] =	vst v63  }
0x24: {  	_ =	swait.ge [sflag:s29], $0x1C00  }
0x25: {  	[sflag:s29] =	ssyncset.done $0x0  }
0x26: {  	s8 =	rddreg [dreg:$0x7];
	[sflag:s29] =	ssyncadd.s32 $0xFFFFE400  }
0x27: {  	[spmem:s8] =	stream.linear.scatter [tilespmem:s28], [sflag:$0x2], $0x1C00, $0x38;
	[tilespmem:$0x1B8F0] =	vst v63  }
0x28: {  	_ =	swait.ge [sflag:s29], $0x1C00  }
0x29: {  	[sflag:s29] =	ssyncset.done $0x0  }
0x2a: {  	s10 =	rddreg [dreg:$0x8];
	[sflag:s29] =	ssyncadd.s32 $0xFFFFE400  }
0x2b: {  	[spmem:s10] =	stream.linear.scatter [tilespmem:s28], [sflag:$0x2], $0x1C00, $0x38;
	[tilespmem:$0x1B8F0] =	vst v63  }
0x2c: {  	_ =	swait.ge [sflag:s29], $0x1C00  }
0x2d: {  	[sflag:s29] =	ssyncset.done $0x0  }
0x2e: {  	[sflag:s29] =	ssyncadd.s32 $0xFFFFE400  }
0x2f: {  	[spmem:s11] =	stream.linear.scatter [tilespmem:s28], [sflag:$0x2], $0x1C00, $0x38;
	[tilespmem:$0x1B8F0] =	vst v63  }
0x30: {  	_ =	swait.ge [sflag:s29], $0x1C00  }
0x31: {  	[sflag:s29] =	ssyncset.done $0x0  }
0x32: {  	[sflag:s29] =	ssyncadd.s32 $0xFFFFE400  }
0x33: {  	[spmem:s12] =	stream.linear.scatter [tilespmem:s28], [sflag:$0x2], $0x1C00, $0x38;
	[tilespmem:$0x1B8F0] =	vst v63  }
0x34: {  	_ =	swait.ge [sflag:s29], $0x1C00  }
0x35: {  	[sflag:s29] =	ssyncset.done $0x0  }
0x36: {  	[sflag:s29] =	ssyncadd.s32 $0xFFFFE400  }
0x37: {  	[spmem:s13] =	stream.linear.scatter [tilespmem:s28], [sflag:$0x2], $0x1C00, $0x38;
	[tilespmem:$0x1B8F0] =	vst v63  }
0x38: {  	_ =	swait.ge [sflag:s29], $0x1C00  }
0x39: {  	[sflag:s29] =	ssyncset.done $0x0  }
0x3a: {  	[sflag:s29] =	ssyncadd.s32 $0xFFFFE400  }
0x3b: {  	[spmem:s14] =	stream.linear.scatter [tilespmem:s28], [sflag:$0x2], $0x1C00, $0x38;
	[tilespmem:$0x1B8F0] =	vst v63  }
0x3c: {  	_ =	swait.ge [sflag:s29], $0x1C00  }
0x3d: {  	[sflag:s29] =	ssyncset.done $0x0  }
0x3e: {  	[sflag:s29] =	ssyncadd.s32 $0xFFFFE400  }
0x3f: {  	[spmem:s15] =	stream.linear.scatter [tilespmem:s28], [sflag:$0x2], $0x1C00, $0x38;
	[tilespmem:$0x1B8F0] =	vst v63  }
0x40: {  	_ =	swait.ge [sflag:s29], $0x1C00  }
0x41: {  	[sflag:s29] =	ssyncset.done $0x0  }
0x42: {  	[sflag:s29] =	ssyncadd.s32 $0xFFFFE400  }
0x43: {  	[spmem:s16] =	stream.linear.scatter [tilespmem:s28], [sflag:$0x2], $0x1C00, $0x38;
	[tilespmem:$0x1B8F0] =	vst v63  }
0x44: {  	_ =	swait.ge [sflag:s29], $0x1C00  }
0x45: {  	[sflag:s29] =	ssyncset.done $0x0  }
0x46: {  	[sflag:s29] =	ssyncadd.s32 $0xFFFFE400  }
0x47: {  	[spmem:s17] =	stream.linear.scatter [tilespmem:s28], [sflag:$0x2], $0x1C00, $0x38;
	[tilespmem:$0x1B8F0] =	vst v63  }
0x48: {  	_ =	swait.ge [sflag:s29], $0x1C00  }
0x49: {  	[sflag:s29] =	ssyncset.done $0x0  }
0x4a: {  	[sflag:s29] =	ssyncadd.s32 $0xFFFFE400  }
0x4b: {  	[spmem:s18] =	stream.linear.scatter [tilespmem:s28], [sflag:$0x2], $0x1C00, $0x38;
	[tilespmem:$0x1B8F0] =	vst v63  }
0x4c: {  	_ =	swait.ge [sflag:s29], $0x1C00  }
0x4d: {  	[sflag:s29] =	ssyncset.done $0x0  }
0x4e: {  	[sflag:s29] =	ssyncadd.s32 $0xFFFFE400  }
0x4f: {  	[spmem:s25] =	stream.linear.scatter [tilespmem:s28], [sflag:$0x2], $0x1C00, $0x38;
	[tilespmem:$0x1B8F0] =	vst v63  }
0x50: {  	_ =	swait.ge [sflag:s29], $0x1C00  }
0x51: {  	[sflag:s29] =	ssyncset.done $0x0  }
0x52: {  	[sflag:s29] =	ssyncadd.s32 $0xFFFFE400  }
0x53: {  	[spmem:s26] =	stream.linear.scatter [tilespmem:s28], [sflag:$0x2], $0x1C00, $0x38;
	[tilespmem:$0x1B8F0] =	vst v63  }
0x54: {  	_ =	swait.ge [sflag:s29], $0x1C00  }
0x55: {  	[sflag:s29] =	ssyncset.done $0x0  }
0x56: {  	[sflag:s29] =	ssyncadd.s32 $0xFFFFE400  }
0x57: {  	s8 =	sadd.s32 $0x0, s20;
	[bflag:$0x0] =	sbarrier.arrive $0xFFFF  }
0x58: {  	[tilespmem:s5], [sflag:$0x2] =	stream.linear.gather [hbm4b:s8+s5], $0x50, $0x38;
	[tilespmem:$0x1B8F0] =	vst v63  }
0x59: {  	_ =	swait.ge [sflag:s29], $0x50  }
0x5a: {  	[sflag:s29] =	ssyncset.done $0x0  }
0x5b: {  	s10 =	sadd.s32 $0x0, s19;
	[sflag:s29] =	ssyncadd.s32 $0xFFFFFFB0  }
0x5c: {  	[tilespmem:s30], [sflag:$0x2] =	stream.linear.gather [hbm4b:s10+s5], $0x50, $0x38;
	[tilespmem:$0x1B8F0] =	vst v63  }
0x5d: {  	_ =	swait.ge [sflag:s29], $0x50  }
0x5e: {  	[sflag:s29] =	ssyncset.done $0x0  }
0x5f: {  	[sflag:s29] =	ssyncadd.s32 $0xFFFFFFB0  }
0x60: {  	v2 =	vld [tilespmem:$0x40]  }
0x61: {  	v3 =	vld [tilespmem:$0x30]  }
0x62: {  	v4 =	vld [tilespmem:$0x20]  }
0x63: {  	v5 =	vld [tilespmem:$0x10]  }
0x64: {  	v6 =	vld [tilespmem:$0x0]  }
0x65: {  	v2 =	vshll.u32 v2, $0x1  }
0x66: {  	v3 =	vshll.u32 v3, $0x1;
	v2 =	vor.u32 v0, v2  }
0x67: {  	v4 =	vshll.u32 v4, $0x1;
	v3 =	vor.u32 v0, v3;
	[tilespmem:$0xE0] =	vst v2  }
0x68: {  	v4 =	vor.u32 v0, v4;
	v2 =	vshll.u32 v5, $0x1;
	[tilespmem:$0xD0] =	vst v3  }
0x69: {  	v3 =	vshll.u32 v6, $0x1;
	[tilespmem:$0xC0] =	vst v4;
	v2 =	vor.u32 v0, v2  }
0x6a: {  	v3 =	vor.u32 v0, v3;
	[tilespmem:$0xB0] =	vst v2  }
0x6b: {  	[tilespmem:$0xA0] =	vst v3  }
0x6c: {  	[tilespmem:s2], [sflag:$0x1] =	stream.indirect.gather [hbm4b:s1+s30], $0x40, s31, s30, $0xb8;
	[tilespmem:$0x1B8F0] =	vst v63  }
0x6d: {  	_ =	swait.ge [sflag:s0], $0x1400  }
0x6e: {  	s8 =	simm.s32 $0xA;
	[sflag:s0] =	ssyncset.done $0x0  }
.LBB2_4:
0x6f: {  	p0 =	sne.s32 s8, $0xF46  }
0x70: {  	[sflag:s0] =	ssyncadd.s32 $0xFFFFEC00;
	s6 =	smov.u32 s8;
	s8 =	sadd.s32 $0xA, s8  }
0x71: {  	[spmem:s4] =	stream.indirect.scatter.add.f32 [tilespmem:s2], [sflag:$0x2], $0x40, s30, s30, $0xb8;
	[tilespmem:$0x1B8F0] =	vst v63  }
0x72: {  	_ =	swait.ge [sflag:s29], $0x1400  }
0x73: {  	[sflag:s29] =	ssyncset.done $0x0  }
0x74: {  	s10 =	sadd.s32 s6, s20;
	[sflag:s29] =	ssyncadd.s32 $0xFFFFEC00  }
0x75: {  	[tilespmem:s5], [sflag:$0x2] =	stream.linear.gather [hbm4b:s10+s5], $0x50, $0x38;
	[tilespmem:$0x1B8F0] =	vst v63  }
0x76: {  	_ =	swait.ge [sflag:s29], $0x50  }
0x77: {  	[sflag:s29] =	ssyncset.done $0x0  }
0x78: {  	s6 =	sadd.s32 s6, s19;
	[sflag:s29] =	ssyncadd.s32 $0xFFFFFFB0  }
0x79: {  	[tilespmem:s30], [sflag:$0x2] =	stream.linear.gather [hbm4b:s6+s5], $0x50, $0x38;
	[tilespmem:$0x1B8F0] =	vst v63  }
0x7a: {  	_ =	swait.ge [sflag:s29], $0x50  }
0x7b: {  	[sflag:s29] =	ssyncset.done $0x0  }
0x7c: {  	[sflag:s29] =	ssyncadd.s32 $0xFFFFFFB0  }
0x7d: {  	v2 =	vld [tilespmem:$0x40]  }
0x7e: {  	v3 =	vld [tilespmem:$0x30]  }
0x7f: {  	v4 =	vld [tilespmem:$0x20]  }
0x80: {  	v5 =	vld [tilespmem:$0x10]  }
0x81: {  	v6 =	vld [tilespmem:$0x0]  }
0x82: {  	v2 =	vshll.u32 v2, $0x1  }
0x83: {  	v3 =	vshll.u32 v3, $0x1;
	v2 =	vor.u32 v0, v2  }
0x84: {  	v4 =	vshll.u32 v4, $0x1;
	v3 =	vor.u32 v0, v3;
	[tilespmem:$0xE0] =	vst v2  }
0x85: {  	v2 =	vshll.u32 v5, $0x1;
	v4 =	vor.u32 v0, v4;
	[tilespmem:$0xD0] =	vst v3  }
0x86: {  	v3 =	vshll.u32 v6, $0x1;
	v2 =	vor.u32 v0, v2;
	[tilespmem:$0xC0] =	vst v4  }
.Ltmp1:
0x87: {  	v3 =	vor.u32 v0, v3;
	[tilespmem:$0xB0] =	vst v2;
	(pc) =	sbr.rel @p0 .LBB2_4-.Ltmp1, $4  }
0x88: {  	[tilespmem:$0xA0] =	vst v3  }
0x89: {  	[tilespmem:s2], [sflag:$0x1] =	stream.indirect.gather [hbm4b:s1+s30], $0x40, s31, s30, $0xb8;
	[tilespmem:$0x1B8F0] =	vst v63  }
0x8a: {  	_ =	swait.ge [sflag:s0], $0x1400  }
0x8b: {  	[sflag:s0] =	ssyncset.done $0x0  }
0x8c: {  	[sflag:s0] =	ssyncadd.s32 $0xFFFFEC00  }
0x8d: {  	[spmem:s4] =	stream.indirect.scatter.add.f32 [tilespmem:s2], [sflag:$0x2], $0x40, s30, s30, $0xb8;
	[tilespmem:$0x1B8F0] =	vst v63  }
0x8e: {  	_ =	swait.ge [sflag:s29], $0x1400  }
0x8f: {  	[sflag:s29] =	ssyncset.done $0x0  }
0x90: {  	[sflag:s29] =	ssyncadd.s32 $0xFFFFEC00  }
0x91: {  	[bflag:$0x0] =	sbarrier.arrive $0xFFFF  }
0x92: {  	[tilespmem:s28], [sflag:$0x2] =	stream.linear.gather [spmem:s9], $0x1C00, $0x38;
	[tilespmem:$0x1B8F0] =	vst v63  }
0x93: {  	_ =	swait.ge [sflag:s29], $0x1C00  }
0x94: {  	[sflag:s29] =	ssyncset.done $0x0  }
0x95: {  	s6 =	sadd.s32 $0x0, s21;
	[sflag:s29] =	ssyncadd.s32 $0xFFFFE400  }
0x96: {  	[hbm4b:s6+s5] =	stream.linear.scatter [tilespmem:s28], [sflag:$0x2], $0x1C00, $0x38;
	[tilespmem:$0x1B8F0] =	vst v63  }
0x97: {  	_ =	swait.ge [sflag:s29], $0x1C00  }
0x98: {  	s8 =	simm.s32 $0x380;
	s6 =	smov.u32 s9;
	[sflag:s29] =	ssyncset.done $0x0  }
.LBB2_6:
0x99: {  	p0 =	sne.s32 s8, $0x2D80;
	[sflag:s29] =	ssyncadd.s32 $0xFFFFE400;
	s6 =	sadd.s32 $0x1C00, s6  }
0x9a: {  	[tilespmem:s28], [sflag:$0x2] =	stream.linear.gather [spmem:s6], $0x1C00, $0x38;
	[tilespmem:$0x1B8F0] =	vst v63  }
0x9b: {  	s10 =	smov.u32 s8;
	s8 =	sadd.s32 $0x380, s8;
	_ =	swait.ge [sflag:s29], $0x1C00  }
.Ltmp2:
0x9c: {  	[sflag:s29] =	ssyncset.done $0x0;
	(pc) =	sbr.rel @p0 .LBB2_6-.Ltmp2, $4  }
0x9d: {  	s10 =	sadd.s32 s10, s21;
	[sflag:s29] =	ssyncadd.s32 $0xFFFFE400  }
0x9e: {  	[hbm4b:s10+s5] =	stream.linear.scatter [tilespmem:s28], [sflag:$0x2], $0x1C00, $0x38;
	[tilespmem:$0x1B8F0] =	vst v63  }
0x9f: {  	_ =	swait.ge [sflag:s29], $0x1C00  }
0xa0: {  	[sflag:s29] =	ssyncset.done $0x0  }
0xa1: {  	[sflag:s29] =	ssyncadd.s32 $0xFFFFE400  }
0xa2: {  	s8 =	simm.s32 $0x100;
	s6 =	simm.s32 $0x0;
	[bflag:$0x0] =	sbarrier.arrive $0xFFFF  }
.LBB2_8:
0xa3: {  	p0 =	seq.s32 s8, $0x6F00;
	[tilespmem:s6+$0x1520] =	vst v1;
	s10 =	smov.u32 s8;
	s8 =	sadd.s32 $0x100, s8  }
.Ltmp3:
0xa4: {  	[tilespmem:s6+$0x1510] =	vst v1;
	(pc) =	sbr.rel @!p0 .LBB2_8-.Ltmp3, $3  }
0xa5: {  	[tilespmem:s6+$0x14F0] =	vst v1  }
0xa6: {  	[tilespmem:s6+$0x1500] =	vst v1;
	_ =	sdelay $0x1  }
0xa7: {  	s6 =	sshra.s32 s10, $0x2  }
0xa8: {  	[tilespmem:s6+$0x1520] =	vst v1  }
0xa9: {  	[tilespmem:s6+$0x1510] =	vst v1  }
0xaa: {  	[tilespmem:s6+$0x14F0] =	vst v1  }
0xab: {  	[tilespmem:s6+$0x1500] =	vst v1  }
0xac: {  	[spmem:s9] =	stream.linear.scatter [tilespmem:s28], [sflag:$0x2], $0x1C00, $0x38;
	[tilespmem:$0x1B8F0] =	vst v63  }
0xad: {  	_ =	swait.ge [sflag:s29], $0x1C00  }
0xae: {  	[sflag:s29] =	ssyncset.done $0x0  }
0xaf: {  	s10 =	rddreg [dreg:$0x6];
	[sflag:s29] =	ssyncadd.s32 $0xFFFFE400  }
0xb0: {  	[spmem:s10] =	stream.linear.scatter [tilespmem:s28], [sflag:$0x2], $0x1C00, $0x38;
	[tilespmem:$0x1B8F0] =	vst v63  }
0xb1: {  	_ =	swait.ge [sflag:s29], $0x1C00  }
0xb2: {  	[sflag:s29] =	ssyncset.done $0x0  }
0xb3: {  	s8 =	rddreg [dreg:$0x7];
	[sflag:s29] =	ssyncadd.s32 $0xFFFFE400  }
0xb4: {  	[spmem:s8] =	stream.linear.scatter [tilespmem:s28], [sflag:$0x2], $0x1C00, $0x38;
	[tilespmem:$0x1B8F0] =	vst v63  }
0xb5: {  	_ =	swait.ge [sflag:s29], $0x1C00  }
0xb6: {  	[sflag:s29] =	ssyncset.done $0x0  }
0xb7: {  	s10 =	rddreg [dreg:$0x8];
	[sflag:s29] =	ssyncadd.s32 $0xFFFFE400  }
0xb8: {  	[spmem:s10] =	stream.linear.scatter [tilespmem:s28], [sflag:$0x2], $0x1C00, $0x38;
	[tilespmem:$0x1B8F0] =	vst v63  }
0xb9: {  	_ =	swait.ge [sflag:s29], $0x1C00  }
0xba: {  	[sflag:s29] =	ssyncset.done $0x0  }
0xbb: {  	[sflag:s29] =	ssyncadd.s32 $0xFFFFE400  }
0xbc: {  	[spmem:s11] =	stream.linear.scatter [tilespmem:s28], [sflag:$0x2], $0x1C00, $0x38;
	[tilespmem:$0x1B8F0] =	vst v63  }
0xbd: {  	_ =	swait.ge [sflag:s29], $0x1C00  }
0xbe: {  	[sflag:s29] =	ssyncset.done $0x0  }
0xbf: {  	[sflag:s29] =	ssyncadd.s32 $0xFFFFE400  }
0xc0: {  	[spmem:s12] =	stream.linear.scatter [tilespmem:s28], [sflag:$0x2], $0x1C00, $0x38;
	[tilespmem:$0x1B8F0] =	vst v63  }
0xc1: {  	_ =	swait.ge [sflag:s29], $0x1C00  }
0xc2: {  	[sflag:s29] =	ssyncset.done $0x0  }
0xc3: {  	[sflag:s29] =	ssyncadd.s32 $0xFFFFE400  }
0xc4: {  	[spmem:s13] =	stream.linear.scatter [tilespmem:s28], [sflag:$0x2], $0x1C00, $0x38;
	[tilespmem:$0x1B8F0] =	vst v63  }
0xc5: {  	_ =	swait.ge [sflag:s29], $0x1C00  }
0xc6: {  	[sflag:s29] =	ssyncset.done $0x0  }
0xc7: {  	[sflag:s29] =	ssyncadd.s32 $0xFFFFE400  }
0xc8: {  	[spmem:s14] =	stream.linear.scatter [tilespmem:s28], [sflag:$0x2], $0x1C00, $0x38;
	[tilespmem:$0x1B8F0] =	vst v63  }
0xc9: {  	_ =	swait.ge [sflag:s29], $0x1C00  }
0xca: {  	[sflag:s29] =	ssyncset.done $0x0  }
0xcb: {  	[sflag:s29] =	ssyncadd.s32 $0xFFFFE400  }
0xcc: {  	[spmem:s15] =	stream.linear.scatter [tilespmem:s28], [sflag:$0x2], $0x1C00, $0x38;
	[tilespmem:$0x1B8F0] =	vst v63  }
0xcd: {  	_ =	swait.ge [sflag:s29], $0x1C00  }
0xce: {  	[sflag:s29] =	ssyncset.done $0x0  }
0xcf: {  	[sflag:s29] =	ssyncadd.s32 $0xFFFFE400  }
0xd0: {  	[spmem:s16] =	stream.linear.scatter [tilespmem:s28], [sflag:$0x2], $0x1C00, $0x38;
	[tilespmem:$0x1B8F0] =	vst v63  }
0xd1: {  	_ =	swait.ge [sflag:s29], $0x1C00  }
0xd2: {  	[sflag:s29] =	ssyncset.done $0x0  }
0xd3: {  	[sflag:s29] =	ssyncadd.s32 $0xFFFFE400  }
0xd4: {  	[spmem:s17] =	stream.linear.scatter [tilespmem:s28], [sflag:$0x2], $0x1C00, $0x38;
	[tilespmem:$0x1B8F0] =	vst v63  }
0xd5: {  	_ =	swait.ge [sflag:s29], $0x1C00  }
0xd6: {  	[sflag:s29] =	ssyncset.done $0x0  }
0xd7: {  	[sflag:s29] =	ssyncadd.s32 $0xFFFFE400  }
0xd8: {  	[spmem:s18] =	stream.linear.scatter [tilespmem:s28], [sflag:$0x2], $0x1C00, $0x38;
	[tilespmem:$0x1B8F0] =	vst v63  }
0xd9: {  	_ =	swait.ge [sflag:s29], $0x1C00  }
0xda: {  	[sflag:s29] =	ssyncset.done $0x0  }
0xdb: {  	[sflag:s29] =	ssyncadd.s32 $0xFFFFE400  }
0xdc: {  	[spmem:s25] =	stream.linear.scatter [tilespmem:s28], [sflag:$0x2], $0x1C00, $0x38;
	[tilespmem:$0x1B8F0] =	vst v63  }
0xdd: {  	_ =	swait.ge [sflag:s29], $0x1C00  }
0xde: {  	[sflag:s29] =	ssyncset.done $0x0  }
0xdf: {  	[sflag:s29] =	ssyncadd.s32 $0xFFFFE400  }
0xe0: {  	[spmem:s26] =	stream.linear.scatter [tilespmem:s28], [sflag:$0x2], $0x1C00, $0x38;
	[tilespmem:$0x1B8F0] =	vst v63  }
0xe1: {  	_ =	swait.ge [sflag:s29], $0x1C00  }
0xe2: {  	[sflag:s29] =	ssyncset.done $0x0  }
0xe3: {  	[sflag:s29] =	ssyncadd.s32 $0xFFFFE400  }
0xe4: {  	s8 =	sadd.s32 $0x0, s23;
	[bflag:$0x0] =	sbarrier.arrive $0xFFFF  }
0xe5: {  	[tilespmem:s5], [sflag:$0x2] =	stream.linear.gather [hbm4b:s8+s5], $0x50, $0x38;
	[tilespmem:$0x1B8F0] =	vst v63  }
0xe6: {  	_ =	swait.ge [sflag:s29], $0x50  }
0xe7: {  	[sflag:s29] =	ssyncset.done $0x0  }
0xe8: {  	s10 =	sadd.s32 $0x0, s22;
	[sflag:s29] =	ssyncadd.s32 $0xFFFFFFB0  }
0xe9: {  	[tilespmem:s30], [sflag:$0x2] =	stream.linear.gather [hbm4b:s10+s5], $0x50, $0x38;
	[tilespmem:$0x1B8F0] =	vst v63  }
0xea: {  	_ =	swait.ge [sflag:s29], $0x50  }
0xeb: {  	[sflag:s29] =	ssyncset.done $0x0  }
0xec: {  	[sflag:s29] =	ssyncadd.s32 $0xFFFFFFB0  }
0xed: {  	v2 =	vld [tilespmem:$0x40]  }
0xee: {  	v3 =	vld [tilespmem:$0x30]  }
0xef: {  	v4 =	vld [tilespmem:$0x20]  }
0xf0: {  	v5 =	vld [tilespmem:$0x10]  }
0xf1: {  	v6 =	vld [tilespmem:$0x0]  }
0xf2: {  	v2 =	vshll.u32 v2, $0x1  }
0xf3: {  	v3 =	vshll.u32 v3, $0x1;
	v2 =	vor.u32 v0, v2  }
0xf4: {  	v4 =	vshll.u32 v4, $0x1;
	v3 =	vor.u32 v0, v3;
	[tilespmem:$0xE0] =	vst v2  }
0xf5: {  	v4 =	vor.u32 v0, v4;
	v2 =	vshll.u32 v5, $0x1;
	[tilespmem:$0xD0] =	vst v3  }
0xf6: {  	v3 =	vshll.u32 v6, $0x1;
	[tilespmem:$0xC0] =	vst v4;
	v2 =	vor.u32 v0, v2  }
0xf7: {  	v3 =	vor.u32 v0, v3;
	[tilespmem:$0xB0] =	vst v2  }
0xf8: {  	[tilespmem:$0xA0] =	vst v3  }
0xf9: {  	[tilespmem:s2], [sflag:$0x1] =	stream.indirect.gather [hbm4b:s3+s30], $0x40, s31, s30, $0xb8;
	[tilespmem:$0x1B8F0] =	vst v63  }
0xfa: {  	_ =	swait.ge [sflag:s0], $0x1400  }
0xfb: {  	s8 =	simm.s32 $0xA;
	[sflag:s0] =	ssyncset.done $0x0  }
.LBB2_10:
0xfc: {  	p0 =	sne.s32 s8, $0xF46  }
0xfd: {  	[sflag:s0] =	ssyncadd.s32 $0xFFFFEC00;
	s6 =	smov.u32 s8;
	s8 =	sadd.s32 $0xA, s8  }
0xfe: {  	[spmem:s4] =	stream.indirect.scatter.add.f32 [tilespmem:s2], [sflag:$0x2], $0x40, s30, s30, $0xb8;
	[tilespmem:$0x1B8F0] =	vst v63  }
0xff: {  	_ =	swait.ge [sflag:s29], $0x1400  }
0x100: {  	[sflag:s29] =	ssyncset.done $0x0  }
0x101: {  	s10 =	sadd.s32 s6, s23;
	[sflag:s29] =	ssyncadd.s32 $0xFFFFEC00  }
0x102: {  	[tilespmem:s5], [sflag:$0x2] =	stream.linear.gather [hbm4b:s10+s5], $0x50, $0x38;
	[tilespmem:$0x1B8F0] =	vst v63  }
0x103: {  	_ =	swait.ge [sflag:s29], $0x50  }
0x104: {  	[sflag:s29] =	ssyncset.done $0x0  }
0x105: {  	s6 =	sadd.s32 s6, s22;
	[sflag:s29] =	ssyncadd.s32 $0xFFFFFFB0  }
0x106: {  	[tilespmem:s30], [sflag:$0x2] =	stream.linear.gather [hbm4b:s6+s5], $0x50, $0x38;
	[tilespmem:$0x1B8F0] =	vst v63  }
0x107: {  	_ =	swait.ge [sflag:s29], $0x50  }
0x108: {  	[sflag:s29] =	ssyncset.done $0x0  }
0x109: {  	[sflag:s29] =	ssyncadd.s32 $0xFFFFFFB0  }
0x10a: {  	v2 =	vld [tilespmem:$0x40]  }
0x10b: {  	v3 =	vld [tilespmem:$0x30]  }
0x10c: {  	v4 =	vld [tilespmem:$0x20]  }
0x10d: {  	v5 =	vld [tilespmem:$0x10]  }
0x10e: {  	v6 =	vld [tilespmem:$0x0]  }
0x10f: {  	v2 =	vshll.u32 v2, $0x1  }
0x110: {  	v3 =	vshll.u32 v3, $0x1;
	v2 =	vor.u32 v0, v2  }
0x111: {  	v4 =	vshll.u32 v4, $0x1;
	v3 =	vor.u32 v0, v3;
	[tilespmem:$0xE0] =	vst v2  }
0x112: {  	v2 =	vshll.u32 v5, $0x1;
	v4 =	vor.u32 v0, v4;
	[tilespmem:$0xD0] =	vst v3  }
0x113: {  	v3 =	vshll.u32 v6, $0x1;
	v2 =	vor.u32 v0, v2;
	[tilespmem:$0xC0] =	vst v4  }
.Ltmp4:
0x114: {  	v3 =	vor.u32 v0, v3;
	[tilespmem:$0xB0] =	vst v2;
	(pc) =	sbr.rel @p0 .LBB2_10-.Ltmp4, $4  }
0x115: {  	[tilespmem:$0xA0] =	vst v3  }
0x116: {  	[tilespmem:s2], [sflag:$0x1] =	stream.indirect.gather [hbm4b:s3+s30], $0x40, s31, s30, $0xb8;
	[tilespmem:$0x1B8F0] =	vst v63  }
0x117: {  	_ =	swait.ge [sflag:s0], $0x1400  }
0x118: {  	[sflag:s0] =	ssyncset.done $0x0  }
0x119: {  	[sflag:s0] =	ssyncadd.s32 $0xFFFFEC00  }
0x11a: {  	[spmem:s4] =	stream.indirect.scatter.add.f32 [tilespmem:s2], [sflag:$0x2], $0x40, s30, s30, $0xb8;
	[tilespmem:$0x1B8F0] =	vst v63  }
0x11b: {  	_ =	swait.ge [sflag:s29], $0x1400  }
0x11c: {  	[sflag:s29] =	ssyncset.done $0x0  }
0x11d: {  	[sflag:s29] =	ssyncadd.s32 $0xFFFFEC00  }
0x11e: {  	[bflag:$0x0] =	sbarrier.arrive $0xFFFF  }
0x11f: {  	[tilespmem:s28], [sflag:$0x2] =	stream.linear.gather [spmem:s9], $0x1C00, $0x38;
	[tilespmem:$0x1B8F0] =	vst v63  }
0x120: {  	_ =	swait.ge [sflag:s29], $0x1C00  }
0x121: {  	[sflag:s29] =	ssyncset.done $0x0  }
0x122: {  	s6 =	sadd.s32 $0x0, s24;
	[sflag:s29] =	ssyncadd.s32 $0xFFFFE400  }
0x123: {  	[hbm4b:s6+s5] =	stream.linear.scatter [tilespmem:s28], [sflag:$0x2], $0x1C00, $0x38;
	[tilespmem:$0x1B8F0] =	vst v63  }
0x124: {  	_ =	swait.ge [sflag:s29], $0x1C00  }
0x125: {  	s8 =	simm.s32 $0x380;
	s6 =	smov.u32 s9;
	[sflag:s29] =	ssyncset.done $0x0  }
.LBB2_12:
0x126: {  	p0 =	sne.s32 s8, $0x2D80;
	[sflag:s29] =	ssyncadd.s32 $0xFFFFE400;
	s6 =	sadd.s32 $0x1C00, s6  }
0x127: {  	[tilespmem:s28], [sflag:$0x2] =	stream.linear.gather [spmem:s6], $0x1C00, $0x38;
	[tilespmem:$0x1B8F0] =	vst v63  }
0x128: {  	s10 =	smov.u32 s8;
	s8 =	sadd.s32 $0x380, s8;
	_ =	swait.ge [sflag:s29], $0x1C00  }
.Ltmp5:
0x129: {  	[sflag:s29] =	ssyncset.done $0x0;
	(pc) =	sbr.rel @p0 .LBB2_12-.Ltmp5, $4  }
0x12a: {  	s10 =	sadd.s32 s10, s24;
	[sflag:s29] =	ssyncadd.s32 $0xFFFFE400  }
0x12b: {  	[hbm4b:s10+s5] =	stream.linear.scatter [tilespmem:s28], [sflag:$0x2], $0x1C00, $0x38;
	[tilespmem:$0x1B8F0] =	vst v63  }
0x12c: {  	_ =	swait.ge [sflag:s29], $0x1C00  }
0x12d: {  	[sflag:s29] =	ssyncset.done $0x0  }
0x12e: {  	s7 =	sadd.s32 $0x1, s7;
	s6 =	rddreg [dreg:$0x5]  }
0x12f: {  	p0 =	sne.s32 s7, s6  }
.Ltmp6:
0x130: {  	_ = 	snop;
	(pc) =	sbr.rel @p0 .LBB2_1-.Ltmp6, $3  }
0x131: {  	_ = 	snop  }
0x132: {  	[sflag:s29] =	ssyncadd.s32 $0xFFFFE400  }
0x133: {  	[bflag:$0x0] =	sbarrier.arrive $0xFFFF;
	_ =	sdelay $0x1  }
0x134: {  	_ =	sfence.sel $0x180000  }
0x135: {  	[bflag:$0x0] =	sbarrier.arrive $0xFFFF  }
0x136: {  	_ =	strace $0x9000004D  }
0x137: {  	s0 =	stileid.u32;
	[bflag:$0x2] =	sbarrier.arrive $0xFFFF  }
0x138: {  	p0 =	sne.s32 s0, $0x0;
	s0 =	rddreg [dreg:$0x4]  }
0x139: {  	s0 =	sadd.s32 @!p0 $0x100000, s0  }
0x13a: {  	[sflag:s0] =	ssyncadd.tile.s32 @!p0 $0x1;
	_ =	shalt  }
.Lfunc_end2:
_tile_overlayer_lowered:
.L_overlay_start_2:
0x13b: {  	(tag) =	ssettag $0x2  }
0x13c: {  	s0 =	rddreg [dreg:$0x0];
	s2 =	stileid.u32  }
0x13d: {  	s1 =	rddreg [dreg:$0x1];
	p0 =	sne.s32 s2, $0x0  }
0x13e: {  	s3 =	rddreg [dreg:$0x2];
	[bflag:$0x3] =	sbarrier.arrive $0xFFFF;
	s2 =	simm.s32 @!p0 $0x1C02  }
0x13f: {  	[timem:s3], [sflag:s2] =	dma.local @!p0 [hbm:s0], s1  }
0x140: {  	s0 =	simm.s32 @!p0 $0x2  }
0x141: {  	_ =	swait.ge @!p0 [sflag:s0], s1  }
0x142: {  	s1 =	ssub.s32 @!p0 $0x0, s1;
	[sflag:s0] =	ssyncset.done @!p0 $0x0  }
0x143: {  	[sflag:s0] =	ssyncadd.s32 @!p0 s1  }
0x144: {  	[bflag:$0x3] =	sbarrier.arrive $0xFFFF  }
0x145: {  	_ =	shalt  }

</sc_bundles>
